<compile_context>
chip_gen: v7x
topology: tpu7x:2x2x1
jax: 0.10.2.dev20260603
libtpu: 0.0.44.dev20260713+nightly
codegen_flags: <defaults>
</compile_context>

<pallas_src>
import functools

import numpy as np
import jax
import jax.numpy as jnp
from jax import lax
from jax.experimental import pallas as pl
from jax.experimental.pallas import tpu as pltpu
from jax.experimental.pallas import tpu_sc as plsc

_N = 5000
_K = 10
_DM = 256
_THR = 0.4
_EPS = 1e-7


_BR = 200


def _topk_body(iou_ref, maskrow_ref, negcol_ref, vals_ref, idx_ref):
    ov = (iou_ref[...] * maskrow_ref[...]) * negcol_ref[...]
    colf = lax.broadcasted_iota(jnp.int32, ov.shape, 1).astype(jnp.float32)
    work = ov
    big = jnp.float32(_N)
    for k in range(_K):
        m = jnp.max(work, axis=1, keepdims=True)
        j = jnp.min(jnp.where(work == m, colf, big), axis=1, keepdims=True)
        vals_ref[:, k : k + 1] = m
        idx_ref[:, k : k + 1] = j.astype(jnp.int32)
        work = jnp.where(colf == j, jnp.float32(-1.0), work)


def _topk_call(ious2, mask_row, neg_col, off, nblk):
    return pl.pallas_call(
        _topk_body,
        grid=(nblk,),
        in_specs=[
            pl.BlockSpec((_BR, _N), lambda i: (i + off, 0)),
            pl.BlockSpec((1, _N), lambda i: (0, 0)),
            pl.BlockSpec((_BR, 1), lambda i: (i + off, 0)),
        ],
        out_specs=(
            pl.BlockSpec((_BR, _K), lambda i: (i, 0)),
            pl.BlockSpec((_BR, _K), lambda i: (i, 0)),
        ),
        out_shape=(
            jax.ShapeDtypeStruct((nblk * _BR, _K), jnp.float32),
            jax.ShapeDtypeStruct((nblk * _BR, _K), jnp.int32),
        ),
    )(ious2, mask_row, neg_col)



_NC, _NS = 2, 16
_NW = _NC * _NS
_CH = 112
_TW = 128


def _sc_gather_body(nchunk, table_hbm, idx_hbm, out_hbm, idx_v, rows_v, sem):
    wid = lax.axis_index("s") * _NC + lax.axis_index("c")
    bpw = nchunk * _CH
    pltpu.sync_copy(idx_hbm.at[wid], idx_v)
    for c in range(nchunk):
        pltpu.async_copy(table_hbm.at[idx_v.at[c]], rows_v, sem).wait()
        pltpu.sync_copy(rows_v,
                        out_hbm.at[pl.ds(wid * bpw + c * _CH, _CH)])


def _sc_gather_call(table, idx, nchunk):
    cap = _NW * nchunk * _CH
    idxf = jnp.concatenate(
        [idx.reshape(-1), jnp.zeros((cap - idx.size,), jnp.int32)])
    mesh = plsc.VectorSubcoreMesh(core_axis_name="c", subcore_axis_name="s")
    fn = pl.kernel(
        functools.partial(_sc_gather_body, nchunk),
        out_type=jax.ShapeDtypeStruct((cap, _TW), jnp.float32),
        mesh=mesh,
        scratch_types=[
            pltpu.VMEM((nchunk, _CH), jnp.int32),
            pltpu.VMEM((_CH, _TW), jnp.float32),
            pltpu.SemaphoreType.DMA,
        ],
    )
    return fn(table, idxf.reshape(_NW, nchunk, _CH))



_BRC = 1000


def _cur_body(tgt_ref, rf_ref, w1_ref, b1_ref, w2_ref, b2_ref, out_ref):
    neg = 1.0 - rf_ref[:, 4:5]
    c1 = jax.nn.relu(jnp.dot(tgt_ref[...], w1_ref[...],
                             preferred_element_type=jnp.float32) + b1_ref[...])
    cur = jnp.dot(c1, w2_ref[...], preferred_element_type=jnp.float32) + b2_ref[...]
    out_ref[...] = cur * neg


def _cur_call(tgt2, table, W1, b1, W2, b2):
    fixed = lambda i: (0, 0)
    return pl.pallas_call(
        _cur_body,
        grid=(_N // _BRC,),
        in_specs=[
            pl.BlockSpec((_BRC, _DM), lambda i: (i, 0)),
            pl.BlockSpec((_BRC, _TW), lambda i: (i, 0)),
            pl.BlockSpec((_DM, _DM), fixed),
            pl.BlockSpec((1, _DM), fixed),
            pl.BlockSpec((_DM, _DM), fixed),
            pl.BlockSpec((1, _DM), fixed),
        ],
        out_specs=pl.BlockSpec((_BRC, _DM), lambda i: (i, 0)),
        out_shape=jax.ShapeDtypeStruct((_N, _DM), jnp.float32),
    )(tgt2, table, W1, b1, W2, b2)



_BR2 = 200

_INV2PI = 0.15915494309189535
_CW1 = np.float32(6.2831855)
_CW2 = np.float32(2.0 * np.pi - 6.283185482025146)
_SIN_C = (-0.16666553, 0.008332403, -1.9808633e-4, 2.6997138e-6, -2.0362212e-8)
_COS_C = (-0.49999989, 0.041666489, -1.3887804e-3, 2.4769883e-5, -2.7079024e-7,
          1.7245067e-9)


def _reduce_2pi(x):
    n = jnp.round(x * jnp.float32(_INV2PI))
    return (x - n * _CW1) - n * _CW2


def _sin_poly(x):
    r = _reduce_2pi(x)
    t = r * r
    p = jnp.float32(_SIN_C[4])
    for c in (_SIN_C[3], _SIN_C[2], _SIN_C[1], _SIN_C[0], 0.9999996):
        p = p * t + jnp.float32(c)
    return p * r


def _cos_poly(x):
    r = _reduce_2pi(x)
    t = r * r
    p = jnp.float32(_COS_C[5])
    for c in (_COS_C[4], _COS_C[3], _COS_C[2], _COS_C[1], _COS_C[0], 0.99999999):
        p = p * t + jnp.float32(c)
    return p


def _mlp_body(rf_ref, vals_ref, g_ref, w3_ref, w3over_ref, b3_ref, w4_ref,
              b4_ref, cur_ref, w5_ref, b5_ref, invd_ref, out_ref):
    rf = rf_ref[...]
    cx, cy = rf[:, 0:1], rf[:, 1:2]
    w, h = rf[:, 2:3], rf[:, 3:4]
    neg = 1.0 - rf[:, 4:5]
    invd = invd_ref[...]
    scale = jnp.float32(2.0 * np.pi)
    eps = jnp.float32(_EPS)

    feats, vmks, mks = [], [], []
    for k in range(_K):
        g = g_ref[:, _TW * k : _TW * (k + 1)]
        v = vals_ref[:, k : k + 1]
        nmk = g[:, 4:5]
        m1g = g[:, 5:6]
        ind = (v >= jnp.float32(_THR)).astype(jnp.float32)
        mk = nmk * ind
        p0 = jnp.log(jnp.maximum(jnp.abs(g[:, 0:1] - cx), eps))
        p1 = jnp.log(jnp.maximum(jnp.abs(g[:, 1:2] - cy), eps))
        p2 = jnp.log(jnp.maximum(jnp.abs(g[:, 2:3] - w), eps))
        p3 = jnp.log(jnp.maximum(jnp.abs(g[:, 3:4] - h), eps))
        s = (neg * m1g) * mk
        f0 = _sin_poly((scale * p0) * invd) * s
        f1 = _cos_poly((scale * p1) * invd) * s
        f2 = _sin_poly((scale * p2) * invd) * s
        f3 = _cos_poly((scale * p3) * invd) * s
        feats.append(jnp.concatenate([f0, f1, f2, f3], axis=1))
        vmks.append(v * mk)
        mks.append(mk)

    F = jnp.concatenate(feats, axis=0)
    VMK = jnp.concatenate(vmks, axis=0)
    pre = jnp.dot(F, w3_ref[64:, :], preferred_element_type=jnp.float32)
    pre = pre + VMK * w3over_ref[...] + b3_ref[...]
    h1 = jax.nn.relu(pre)
    f = jnp.dot(h1, w4_ref[...], preferred_element_type=jnp.float32) + b4_ref[...]

    acc = f[0:_BR2, :] * mks[0]
    for k in range(1, _K):
        acc = jnp.maximum(acc, f[k * _BR2 : (k + 1) * _BR2, :] * mks[k])

    ct = cur_ref[...] + acc
    o = jax.nn.relu(jnp.dot(ct, w5_ref[...], preferred_element_type=jnp.float32) + b5_ref[...])
    out_ref[...] = o * neg


def _mlp_call(table, vals, gflat, W3, w3over, b3, W4, b4, cur, W5, b5, invd,
              off, nblk):
    fixed = lambda i: (0, 0)
    return pl.pallas_call(
        _mlp_body,
        grid=(nblk,),
        in_specs=[
            pl.BlockSpec((_BR2, _TW), lambda i: (i + off, 0)),
            pl.BlockSpec((_BR2, _K), lambda i: (i, 0)),
            pl.BlockSpec((_BR2, _K * _TW), lambda i: (i, 0)),
            pl.BlockSpec((2 * _DM + 64, _DM), fixed),
            pl.BlockSpec((1, _DM), fixed),
            pl.BlockSpec((1, _DM), fixed),
            pl.BlockSpec((_DM, _DM), fixed),
            pl.BlockSpec((1, _DM), fixed),
            pl.BlockSpec((_BR2, _DM), lambda i: (i + off, 0)),
            pl.BlockSpec((_DM, _DM), fixed),
            pl.BlockSpec((1, _DM), fixed),
            pl.BlockSpec((1, 128), fixed),
        ],
        out_specs=pl.BlockSpec((_BR2, _DM), lambda i: (i, 0)),
        out_shape=jax.ShapeDtypeStruct((nblk * _BR2, _DM), jnp.float32),
    )(table, vals, gflat, W3, w3over, b3, W4, b4, cur, W5, b5, invd)



def kernel(tgt, ious, bboxes, gather_mask, W1, b1, W2, b2, W3, b3, W4, b4, W5, b5):
    mask = gather_mask[0, :, 0]
    negm = 1.0 - mask
    bx = bboxes[0]
    ctr = 0.5 * (bx[:, 2:4] + bx[:, 0:2])
    hw = bx[:, 2:4] - bx[:, 0:2]
    one_minus_neg = 1.0 - negm
    table = jnp.concatenate(
        [ctr, hw, mask[:, None], one_minus_neg[:, None],
         jnp.zeros((_N, _TW - 6), jnp.float32)], axis=1)

    vals, idx = _topk_call(ious[0], mask[None, :], negm[:, None], 0, _N // _BR)
    gath = _sc_gather_call(table, idx, 14)
    gflat = gath[: _N * _K].reshape(_N, _K * _TW)

    dim_t = jnp.arange(128, dtype=jnp.float32)
    dim_t = jnp.float32(10000.0) ** (2.0 * jnp.floor(dim_t / 2.0) / 128.0)
    invd = (1.0 / dim_t).reshape(1, 128)
    w3over = jnp.sum(W3[:64, :], axis=0, keepdims=True)

    cur = _cur_call(tgt[0], table, W1, b1.reshape(1, -1), W2, b2.reshape(1, -1))
    out = _mlp_call(table, vals, gflat, W3, w3over, b3.reshape(1, -1), W4,
                    b4.reshape(1, -1), cur, W5, b5.reshape(1, -1), invd,
                    0, _N // _BR2)
    return out[None]

# --- scband reference (transcript-rebuilt; emitter-appended) ---
"""Pipeline reference for scband-relation-net-85916525789873 (READ-ONLY COPY).

The authoritative reference and input builder live on the scoring server;
editing this copy changes nothing except your own understanding.
"""

import jax, jax.numpy as jnp
import numpy as np

BS = 1
N = 5000
D_MODEL = 256
TOP_K = 10
IOU_THR = 0.4

def _batched_take(x, idx):
    return jax.vmap(lambda a, i: jnp.take(a, i, axis=0))(x, idx)

def _pos_embed(position_mat):
    num_pos_feats = 128
    temperature = 10000.0
    scale = 2.0 * np.pi
    dim_t = jnp.arange(num_pos_feats, dtype=jnp.float32)
    dim_t = temperature ** (2.0 * jnp.floor(dim_t / 2.0) / num_pos_feats)
    pos_mat = scale * position_mat[..., None] / dim_t
    pos = jnp.stack((jnp.sin(pos_mat[:, :, :, 0::2]), jnp.cos(pos_mat[:, :, :, 1::2])), axis=4)
    return pos.reshape(pos.shape[0], pos.shape[1], pos.shape[2], -1)

def _encoder(boxes, m, idx):
    eps = 1e-07
    neighbors = _batched_take(boxes, idx)
    cur_ctrs = 0.5 * (boxes[..., 2:4] + boxes[..., :2])
    neighbor_ctrs = 0.5 * (neighbors[..., 2:4] + neighbors[..., :2])
    cur_hws = boxes[..., 2:4] - boxes[..., :2]
    neighbor_hws = neighbors[..., 2:4] - neighbors[..., :2]
    log_ctrs = jnp.log(jnp.maximum(jnp.abs(neighbor_ctrs - cur_ctrs[:, :, None, :]), eps))
    log_hws = jnp.log(jnp.maximum(jnp.abs(neighbor_hws - cur_hws[:, :, None, :]), eps))
    position_mat = jnp.concatenate([log_ctrs, log_hws], axis=-1)
    gathered = _batched_take(m[..., 0], idx)
    cur_mask = m[:, :, None, :] * (1.0 - gathered)[..., None]
    waves = _pos_embed(position_mat)
    return waves * cur_mask

def _forward(tgt, ious, bboxes, gather_mask, W1, b1, W2, b2, W3, b3, W4, b4, W5, b5):
    act = jax.nn.relu
    mask = gather_mask
    neg_mask = 1.0 - mask
    overlaps = ious * jnp.transpose(mask, (0, 2, 1)) * neg_mask
    idx = jnp.argsort(-overlaps, axis=-1)[..., :TOP_K]
    nmk = _batched_take(mask[..., 0], idx)
    top_ious = jnp.take_along_axis(overlaps, idx, axis=2)
    mk = nmk * (top_ious >= IOU_THR).astype(jnp.float32)
    overs = jnp.repeat((top_ious * mk)[..., None], 64, axis=-1)
    wave = jax.lax.stop_gradient(_encoder(jax.lax.stop_gradient(bboxes), neg_mask, idx))
    wave_features = wave * mk[..., None]
    features = jnp.concatenate([overs, wave_features], axis=-1)
    cur = act(tgt @ W1 + b1) @ W2 + b2
    feat = act(features @ W3 + b3) @ W4 + b4
    cur_tgt = cur * neg_mask + jnp.max(feat * mk[..., None], axis=2)
    cur_tgt = act(cur_tgt @ W5 + b5) * neg_mask
    return cur_tgt

def setup_inputs(seed: int = 0):
    key = jax.random.key(seed)
    ks = jax.random.split(key, 10)
    tgt = jax.random.normal(ks[0], (BS, N, D_MODEL), dtype=jnp.float32)
    ious = jax.random.uniform(ks[1], (BS, N, N), dtype=jnp.float32)
    bboxes = jax.random.uniform(ks[2], (BS, N, 4), dtype=jnp.float32)
    gather_mask = jax.random.uniform(ks[3], (BS, N, 1), dtype=jnp.float32)
    def lin(k, fin, fout):
        return (jax.random.normal(k, (fin, fout), dtype=jnp.float32) / np.sqrt(fin), jnp.zeros((fout,), dtype=jnp.float32))
    W1, b1 = lin(ks[4], D_MODEL, D_MODEL)
    W2, b2 = lin(ks[5], D_MODEL, D_MODEL)
    W3, b3 = lin(ks[6], 2 * D_MODEL + 64, D_MODEL)
    W4, b4 = lin(ks[7], D_MODEL, D_MODEL)
    W5, b5 = lin(ks[8], D_MODEL, D_MODEL)
    return {"tgt": tgt, "ious": ious, "bboxes": bboxes, "gather_mask": gather_mask, "W1": W1, "b1": b1, "W2": W2, "b2": b2, "W3": W3, "b3": b3, "W4": W4, "b4": b4, "W5": W5, "b5": b5}

def reference(tgt, ious, bboxes, gather_mask, W1, b1, W2, b2, W3, b3, W4, b4, W5, b5):
    return _forward(tgt, ious, bboxes, gather_mask, W1, b1, W2, b2, W3, b3, W4, b4, W5, b5)

if __name__ == "__main__":
    import jax
    _d = setup_inputs()
    print(jax.jit(kernel)(*tuple(_d.values())))

</pallas_src>

<mosaic_0001>
#map = affine_map<(d0, d1) -> (0, 0)>
#map1 = affine_map<(d0, d1) -> (0, 0, 0)>
module attributes {stable_mosaic.version = 14 : i64} {
  func.func @_sc_gather_body(%arg0: i32, %arg1: i32, %arg2: memref<5000x128xf32, #tpu.memory_space<hbm>>, %arg3: memref<32x14x112xi32, #tpu.memory_space<hbm>>, %arg4: memref<50176x128xf32, #tpu.memory_space<hbm>>, %arg5: memref<14x112xi32, #tpu.memory_space<vmem>>, %arg6: memref<112x128xf32, #tpu.memory_space<vmem>>, %arg7: memref<!tpu.dma_semaphore, #tpu.memory_space<semaphore_mem>>) attributes {dimension_semantics = [#tpu.dimension_semantics<core_parallel>, #tpu.dimension_semantics<subcore_parallel>], iteration_bounds = array<i64: 2, 16>, scalar_prefetch = 0 : i64, scratch_operands = 3 : i64, tpu.core_type = #tpu.core_type<sc_vector_subcore>, window_params = [{transform_indices = #map}, {transform_indices = #map1}, {transform_indices = #map}]} {
    %mul3A = arith.constant 2 : i32
    %mul3A_0 = arith.muli %arg1, %mul3A : i32
    %add3A = arith.addi %mul3A_0, %arg0 : i32
    "tpu.region"() ({
      %run_scoped3A = tpu.sem_alloc : memref<!tpu.dma_semaphore, #tpu.memory_space<semaphore_mem>>
      %dma_start3A_251 = arith.constant 0 : i32
      %dma_start3A_252 = arith.constant 0 : i32
      %dma_start3A_253 = tpu.memref_slice %arg3[%add3A, %dma_start3A_251, %dma_start3A_252] : memref<32x14x112xi32, #tpu.memory_space<hbm>> -> memref<1x14x112xi32, #tpu.memory_space<hbm>>
      %dma_start3A_254 = tpu.memref_squeeze %dma_start3A_253 : memref<1x14x112xi32, #tpu.memory_space<hbm>> -> memref<14x112xi32, #tpu.memory_space<hbm>>
      %dma_start3A_255 = arith.constant 0 : i32
      %dma_start3A_256 = arith.constant 0 : i32
      %dma_start3A_257 = tpu.memref_slice %arg3[%add3A, %dma_start3A_255, %dma_start3A_256] : memref<32x14x112xi32, #tpu.memory_space<hbm>> -> memref<1x14x112xi32, #tpu.memory_space<hbm>>
      %dma_start3A_258 = tpu.memref_squeeze %dma_start3A_257 : memref<1x14x112xi32, #tpu.memory_space<hbm>> -> memref<14x112xi32, #tpu.memory_space<hbm>>
      tpu.enqueue_dma source(%dma_start3A_258 : memref<14x112xi32, #tpu.memory_space<hbm>>) target(%arg5 : memref<14x112xi32, #tpu.memory_space<vmem>>) target_semaphore(%run_scoped3A : memref<!tpu.dma_semaphore, #tpu.memory_space<semaphore_mem>>)
      %dma_wait3A_259 = arith.constant 0 : i32
      %dma_wait3A_260 = arith.constant 0 : i32
      %dma_wait3A_261 = tpu.memref_slice %arg3[%add3A, %dma_wait3A_259, %dma_wait3A_260] : memref<32x14x112xi32, #tpu.memory_space<hbm>> -> memref<1x14x112xi32, #tpu.memory_space<hbm>>
      %dma_wait3A_262 = tpu.memref_squeeze %dma_wait3A_261 : memref<1x14x112xi32, #tpu.memory_space<hbm>> -> memref<14x112xi32, #tpu.memory_space<hbm>>
      %dma_wait3A_263 = arith.constant 0 : i32
      %dma_wait3A_264 = arith.constant 0 : i32
      %dma_wait3A_265 = tpu.memref_slice %arg3[%add3A, %dma_wait3A_263, %dma_wait3A_264] : memref<32x14x112xi32, #tpu.memory_space<hbm>> -> memref<1x14x112xi32, #tpu.memory_space<hbm>>
      %dma_wait3A_266 = tpu.memref_squeeze %dma_wait3A_265 : memref<1x14x112xi32, #tpu.memory_space<hbm>> -> memref<14x112xi32, #tpu.memory_space<hbm>>
      tpu.wait_dma2 semaphore(%run_scoped3A : memref<!tpu.dma_semaphore, #tpu.memory_space<semaphore_mem>>) src(%dma_wait3A_266 : memref<14x112xi32, #tpu.memory_space<hbm>>) dst(%arg5 : memref<14x112xi32, #tpu.memory_space<vmem>>)
      tpu.yield
    }) : () -> ()
    %dma_start3A = arith.constant 0 : i32
    %dma_start3A_1 = arith.constant 0 : i32
    %dma_start3A_2 = tpu.memref_slice %arg5[%dma_start3A, %dma_start3A_1] : memref<14x112xi32, #tpu.memory_space<vmem>> -> memref<1x112xi32, #tpu.memory_space<vmem>>
    %dma_start3A_3 = tpu.memref_squeeze %dma_start3A_2 : memref<1x112xi32, #tpu.memory_space<vmem>> -> memref<112xi32, #tpu.memory_space<vmem>>
    %dma_start3A_4 = arith.constant 0 : i32
    %dma_start3A_5 = arith.constant 0 : i32
    %dma_start3A_6 = tpu.memref_slice %arg2[%dma_start3A_4, %dma_start3A_5] : memref<5000x128xf32, #tpu.memory_space<hbm>> -> memref<5000x128xf32, #tpu.memory_space<hbm>>
    tpu.enqueue_indirect_dma source(%dma_start3A_6 : memref<5000x128xf32, #tpu.memory_space<hbm>>) target(%arg6 : memref<112x128xf32, #tpu.memory_space<vmem>>) offsets(%dma_start3A_3 : memref<112xi32, #tpu.memory_space<vmem>>) semaphore(%arg7 : memref<!tpu.dma_semaphore, #tpu.memory_space<semaphore_mem>>)
    %dma_wait3A = arith.constant 0 : i32
    %dma_wait3A_7 = arith.constant 0 : i32
    %dma_wait3A_8 = tpu.memref_slice %arg5[%dma_wait3A, %dma_wait3A_7] : memref<14x112xi32, #tpu.memory_space<vmem>> -> memref<1x112xi32, #tpu.memory_space<vmem>>
    %dma_wait3A_9 = tpu.memref_squeeze %dma_wait3A_8 : memref<1x112xi32, #tpu.memory_space<vmem>> -> memref<112xi32, #tpu.memory_space<vmem>>
    %dma_wait3A_10 = arith.constant 0 : i32
    %dma_wait3A_11 = arith.constant 0 : i32
    %dma_wait3A_12 = tpu.memref_slice %arg2[%dma_wait3A_10, %dma_wait3A_11] : memref<5000x128xf32, #tpu.memory_space<hbm>> -> memref<5000x128xf32, #tpu.memory_space<hbm>>
    tpu.wait_indirect_dma semaphore(%arg7 : memref<!tpu.dma_semaphore, #tpu.memory_space<semaphore_mem>>) src(%dma_wait3A_12 : memref<5000x128xf32, #tpu.memory_space<hbm>>) dst(%arg6 : memref<112x128xf32, #tpu.memory_space<vmem>>)
    %mul3A_13 = arith.constant 1568 : i32
    %mul3A_14 = arith.muli %add3A, %mul3A_13 : i32
    %add3A_15 = arith.constant 0 : i32
    %add3A_16 = arith.addi %mul3A_14, %add3A_15 : i32
    "tpu.region"() ({
      %run_scoped3A = tpu.sem_alloc : memref<!tpu.dma_semaphore, #tpu.memory_space<semaphore_mem>>
      %dma_start3A_251 = arith.constant 0 : i32
      %dma_start3A_252 = tpu.memref_slice %arg4[%add3A_16, %dma_start3A_251] : memref<50176x128xf32, #tpu.memory_space<hbm>> -> memref<112x128xf32, #tpu.memory_space<hbm>>
      %dma_start3A_253 = arith.constant 0 : i32
      %dma_start3A_254 = tpu.memref_slice %arg4[%add3A_16, %dma_start3A_253] : memref<50176x128xf32, #tpu.memory_space<hbm>> -> memref<112x128xf32, #tpu.memory_space<hbm>>
      tpu.enqueue_dma source(%arg6 : memref<112x128xf32, #tpu.memory_space<vmem>>) target(%dma_start3A_254 : memref<112x128xf32, #tpu.memory_space<hbm>>) target_semaphore(%run_scoped3A : memref<!tpu.dma_semaphore, #tpu.memory_space<semaphore_mem>>)
      %dma_wait3A_255 = arith.constant 0 : i32
      %dma_wait3A_256 = tpu.memref_slice %arg4[%add3A_16, %dma_wait3A_255] : memref<50176x128xf32, #tpu.memory_space<hbm>> -> memref<112x128xf32, #tpu.memory_space<hbm>>
      %dma_wait3A_257 = arith.constant 0 : i32
      %dma_wait3A_258 = tpu.memref_slice %arg4[%add3A_16, %dma_wait3A_257] : memref<50176x128xf32, #tpu.memory_space<hbm>> -> memref<112x128xf32, #tpu.memory_space<hbm>>
      tpu.wait_dma2 semaphore(%run_scoped3A : memref<!tpu.dma_semaphore, #tpu.memory_space<semaphore_mem>>) src(%arg6 : memref<112x128xf32, #tpu.memory_space<vmem>>) dst(%dma_wait3A_258 : memref<112x128xf32, #tpu.memory_space<hbm>>)
      tpu.yield
    }) : () -> ()
    %dma_start3A_17 = arith.constant 1 : i32
    %dma_start3A_18 = arith.constant 0 : i32
    %dma_start3A_19 = tpu.memref_slice %arg5[%dma_start3A_17, %dma_start3A_18] : memref<14x112xi32, #tpu.memory_space<vmem>> -> memref<1x112xi32, #tpu.memory_space<vmem>>
    %dma_start3A_20 = tpu.memref_squeeze %dma_start3A_19 : memref<1x112xi32, #tpu.memory_space<vmem>> -> memref<112xi32, #tpu.memory_space<vmem>>
    %dma_start3A_21 = arith.constant 0 : i32
    %dma_start3A_22 = arith.constant 0 : i32
    %dma_start3A_23 = tpu.memref_slice %arg2[%dma_start3A_21, %dma_start3A_22] : memref<5000x128xf32, #tpu.memory_space<hbm>> -> memref<5000x128xf32, #tpu.memory_space<hbm>>
    tpu.enqueue_indirect_dma source(%dma_start3A_23 : memref<5000x128xf32, #tpu.memory_space<hbm>>) target(%arg6 : memref<112x128xf32, #tpu.memory_space<vmem>>) offsets(%dma_start3A_20 : memref<112xi32, #tpu.memory_space<vmem>>) semaphore(%arg7 : memref<!tpu.dma_semaphore, #tpu.memory_space<semaphore_mem>>)
    %dma_wait3A_24 = arith.constant 1 : i32
    %dma_wait3A_25 = arith.constant 0 : i32
    %dma_wait3A_26 = tpu.memref_slice %arg5[%dma_wait3A_24, %dma_wait3A_25] : memref<14x112xi32, #tpu.memory_space<vmem>> -> memref<1x112xi32, #tpu.memory_space<vmem>>
    %dma_wait3A_27 = tpu.memref_squeeze %dma_wait3A_26 : memref<1x112xi32, #tpu.memory_space<vmem>> -> memref<112xi32, #tpu.memory_space<vmem>>
    %dma_wait3A_28 = arith.constant 0 : i32
    %dma_wait3A_29 = arith.constant 0 : i32
    %dma_wait3A_30 = tpu.memref_slice %arg2[%dma_wait3A_28, %dma_wait3A_29] : memref<5000x128xf32, #tpu.memory_space<hbm>> -> memref<5000x128xf32, #tpu.memory_space<hbm>>
    tpu.wait_indirect_dma semaphore(%arg7 : memref<!tpu.dma_semaphore, #tpu.memory_space<semaphore_mem>>) src(%dma_wait3A_30 : memref<5000x128xf32, #tpu.memory_space<hbm>>) dst(%arg6 : memref<112x128xf32, #tpu.memory_space<vmem>>)
    %mul3A_31 = arith.constant 1568 : i32
    %mul3A_32 = arith.muli %add3A, %mul3A_31 : i32
    %add3A_33 = arith.constant 112 : i32
    %add3A_34 = arith.addi %mul3A_32, %add3A_33 : i32
    "tpu.region"() ({
      %run_scoped3A = tpu.sem_alloc : memref<!tpu.dma_semaphore, #tpu.memory_space<semaphore_mem>>
      %dma_start3A_251 = arith.constant 0 : i32
      %dma_start3A_252 = tpu.memref_slice %arg4[%add3A_34, %dma_start3A_251] : memref<50176x128xf32, #tpu.memory_space<hbm>> -> memref<112x128xf32, #tpu.memory_space<hbm>>
      %dma_start3A_253 = arith.constant 0 : i32
      %dma_start3A_254 = tpu.memref_slice %arg4[%add3A_34, %dma_start3A_253] : memref<50176x128xf32, #tpu.memory_space<hbm>> -> memref<112x128xf32, #tpu.memory_space<hbm>>
      tpu.enqueue_dma source(%arg6 : memref<112x128xf32, #tpu.memory_space<vmem>>) target(%dma_start3A_254 : memref<112x128xf32, #tpu.memory_space<hbm>>) target_semaphore(%run_scoped3A : memref<!tpu.dma_semaphore, #tpu.memory_space<semaphore_mem>>)
      %dma_wait3A_255 = arith.constant 0 : i32
      %dma_wait3A_256 = tpu.memref_slice %arg4[%add3A_34, %dma_wait3A_255] : memref<50176x128xf32, #tpu.memory_space<hbm>> -> memref<112x128xf32, #tpu.memory_space<hbm>>
      %dma_wait3A_257 = arith.constant 0 : i32
      %dma_wait3A_258 = tpu.memref_slice %arg4[%add3A_34, %dma_wait3A_257] : memref<50176x128xf32, #tpu.memory_space<hbm>> -> memref<112x128xf32, #tpu.memory_space<hbm>>
      tpu.wait_dma2 semaphore(%run_scoped3A : memref<!tpu.dma_semaphore, #tpu.memory_space<semaphore_mem>>) src(%arg6 : memref<112x128xf32, #tpu.memory_space<vmem>>) dst(%dma_wait3A_258 : memref<112x128xf32, #tpu.memory_space<hbm>>)
      tpu.yield
    }) : () -> ()
    %dma_start3A_35 = arith.constant 2 : i32
    %dma_start3A_36 = arith.constant 0 : i32
    %dma_start3A_37 = tpu.memref_slice %arg5[%dma_start3A_35, %dma_start3A_36] : memref<14x112xi32, #tpu.memory_space<vmem>> -> memref<1x112xi32, #tpu.memory_space<vmem>>
    %dma_start3A_38 = tpu.memref_squeeze %dma_start3A_37 : memref<1x112xi32, #tpu.memory_space<vmem>> -> memref<112xi32, #tpu.memory_space<vmem>>
    %dma_start3A_39 = arith.constant 0 : i32
    %dma_start3A_40 = arith.constant 0 : i32
    %dma_start3A_41 = tpu.memref_slice %arg2[%dma_start3A_39, %dma_start3A_40] : memref<5000x128xf32, #tpu.memory_space<hbm>> -> memref<5000x128xf32, #tpu.memory_space<hbm>>
    tpu.enqueue_indirect_dma source(%dma_start3A_41 : memref<5000x128xf32, #tpu.memory_space<hbm>>) target(%arg6 : memref<112x128xf32, #tpu.memory_space<vmem>>) offsets(%dma_start3A_38 : memref<112xi32, #tpu.memory_space<vmem>>) semaphore(%arg7 : memref<!tpu.dma_semaphore, #tpu.memory_space<semaphore_mem>>)
    %dma_wait3A_42 = arith.constant 2 : i32
    %dma_wait3A_43 = arith.constant 0 : i32
    %dma_wait3A_44 = tpu.memref_slice %arg5[%dma_wait3A_42, %dma_wait3A_43] : memref<14x112xi32, #tpu.memory_space<vmem>> -> memref<1x112xi32, #tpu.memory_space<vmem>>
    %dma_wait3A_45 = tpu.memref_squeeze %dma_wait3A_44 : memref<1x112xi32, #tpu.memory_space<vmem>> -> memref<112xi32, #tpu.memory_space<vmem>>
    %dma_wait3A_46 = arith.constant 0 : i32
    %dma_wait3A_47 = arith.constant 0 : i32
    %dma_wait3A_48 = tpu.memref_slice %arg2[%dma_wait3A_46, %dma_wait3A_47] : memref<5000x128xf32, #tpu.memory_space<hbm>> -> memref<5000x128xf32, #tpu.memory_space<hbm>>
    tpu.wait_indirect_dma semaphore(%arg7 : memref<!tpu.dma_semaphore, #tpu.memory_space<semaphore_mem>>) src(%dma_wait3A_48 : memref<5000x128xf32, #tpu.memory_space<hbm>>) dst(%arg6 : memref<112x128xf32, #tpu.memory_space<vmem>>)
    %mul3A_49 = arith.constant 1568 : i32
    %mul3A_50 = arith.muli %add3A, %mul3A_49 : i32
    %add3A_51 = arith.constant 224 : i32
    %add3A_52 = arith.addi %mul3A_50, %add3A_51 : i32
    "tpu.region"() ({
      %run_scoped3A = tpu.sem_alloc : memref<!tpu.dma_semaphore, #tpu.memory_space<semaphore_mem>>
      %dma_start3A_251 = arith.constant 0 : i32
      %dma_start3A_252 = tpu.memref_slice %arg4[%add3A_52, %dma_start3A_251] : memref<50176x128xf32, #tpu.memory_space<hbm>> -> memref<112x128xf32, #tpu.memory_space<hbm>>
      %dma_start3A_253 = arith.constant 0 : i32
      %dma_start3A_254 = tpu.memref_slice %arg4[%add3A_52, %dma_start3A_253] : memref<50176x128xf32, #tpu.memory_space<hbm>> -> memref<112x128xf32, #tpu.memory_space<hbm>>
      tpu.enqueue_dma source(%arg6 : memref<112x128xf32, #tpu.memory_space<vmem>>) target(%dma_start3A_254 : memref<112x128xf32, #tpu.memory_space<hbm>>) target_semaphore(%run_scoped3A : memref<!tpu.dma_semaphore, #tpu.memory_space<semaphore_mem>>)
      %dma_wait3A_255 = arith.constant 0 : i32
      %dma_wait3A_256 = tpu.memref_slice %arg4[%add3A_52, %dma_wait3A_255] : memref<50176x128xf32, #tpu.memory_space<hbm>> -> memref<112x128xf32, #tpu.memory_space<hbm>>
      %dma_wait3A_257 = arith.constant 0 : i32
      %dma_wait3A_258 = tpu.memref_slice %arg4[%add3A_52, %dma_wait3A_257] : memref<50176x128xf32, #tpu.memory_space<hbm>> -> memref<112x128xf32, #tpu.memory_space<hbm>>
      tpu.wait_dma2 semaphore(%run_scoped3A : memref<!tpu.dma_semaphore, #tpu.memory_space<semaphore_mem>>) src(%arg6 : memref<112x128xf32, #tpu.memory_space<vmem>>) dst(%dma_wait3A_258 : memref<112x128xf32, #tpu.memory_space<hbm>>)
      tpu.yield
    }) : () -> ()
    %dma_start3A_53 = arith.constant 3 : i32
    %dma_start3A_54 = arith.constant 0 : i32
    %dma_start3A_55 = tpu.memref_slice %arg5[%dma_start3A_53, %dma_start3A_54] : memref<14x112xi32, #tpu.memory_space<vmem>> -> memref<1x112xi32, #tpu.memory_space<vmem>>
    %dma_start3A_56 = tpu.memref_squeeze %dma_start3A_55 : memref<1x112xi32, #tpu.memory_space<vmem>> -> memref<112xi32, #tpu.memory_space<vmem>>
    %dma_start3A_57 = arith.constant 0 : i32
    %dma_start3A_58 = arith.constant 0 : i32
    %dma_start3A_59 = tpu.memref_slice %arg2[%dma_start3A_57, %dma_start3A_58] : memref<5000x128xf32, #tpu.memory_space<hbm>> -> memref<5000x128xf32, #tpu.memory_space<hbm>>
    tpu.enqueue_indirect_dma source(%dma_start3A_59 : memref<5000x128xf32, #tpu.memory_space<hbm>>) target(%arg6 : memref<112x128xf32, #tpu.memory_space<vmem>>) offsets(%dma_start3A_56 : memref<112xi32, #tpu.memory_space<vmem>>) semaphore(%arg7 : memref<!tpu.dma_semaphore, #tpu.memory_space<semaphore_mem>>)
    %dma_wait3A_60 = arith.constant 3 : i32
    %dma_wait3A_61 = arith.constant 0 : i32
    %dma_wait3A_62 = tpu.memref_slice %arg5[%dma_wait3A_60, %dma_wait3A_61] : memref<14x112xi32, #tpu.memory_space<vmem>> -> memref<1x112xi32, #tpu.memory_space<vmem>>
    %dma_wait3A_63 = tpu.memref_squeeze %dma_wait3A_62 : memref<1x112xi32, #tpu.memory_space<vmem>> -> memref<112xi32, #tpu.memory_space<vmem>>
    %dma_wait3A_64 = arith.constant 0 : i32
    %dma_wait3A_65 = arith.constant 0 : i32
    %dma_wait3A_66 = tpu.memref_slice %arg2[%dma_wait3A_64, %dma_wait3A_65] : memref<5000x128xf32, #tpu.memory_space<hbm>> -> memref<5000x128xf32, #tpu.memory_space<hbm>>
    tpu.wait_indirect_dma semaphore(%arg7 : memref<!tpu.dma_semaphore, #tpu.memory_space<semaphore_mem>>) src(%dma_wait3A_66 : memref<5000x128xf32, #tpu.memory_space<hbm>>) dst(%arg6 : memref<112x128xf32, #tpu.memory_space<vmem>>)
    %mul3A_67 = arith.constant 1568 : i32
    %mul3A_68 = arith.muli %add3A, %mul3A_67 : i32
    %add3A_69 = arith.constant 336 : i32
    %add3A_70 = arith.addi %mul3A_68, %add3A_69 : i32
    "tpu.region"() ({
      %run_scoped3A = tpu.sem_alloc : memref<!tpu.dma_semaphore, #tpu.memory_space<semaphore_mem>>
      %dma_start3A_251 = arith.constant 0 : i32
      %dma_start3A_252 = tpu.memref_slice %arg4[%add3A_70, %dma_start3A_251] : memref<50176x128xf32, #tpu.memory_space<hbm>> -> memref<112x128xf32, #tpu.memory_space<hbm>>
      %dma_start3A_253 = arith.constant 0 : i32
      %dma_start3A_254 = tpu.memref_slice %arg4[%add3A_70, %dma_start3A_253] : memref<50176x128xf32, #tpu.memory_space<hbm>> -> memref<112x128xf32, #tpu.memory_space<hbm>>
      tpu.enqueue_dma source(%arg6 : memref<112x128xf32, #tpu.memory_space<vmem>>) target(%dma_start3A_254 : memref<112x128xf32, #tpu.memory_space<hbm>>) target_semaphore(%run_scoped3A : memref<!tpu.dma_semaphore, #tpu.memory_space<semaphore_mem>>)
      %dma_wait3A_255 = arith.constant 0 : i32
      %dma_wait3A_256 = tpu.memref_slice %arg4[%add3A_70, %dma_wait3A_255] : memref<50176x128xf32, #tpu.memory_space<hbm>> -> memref<112x128xf32, #tpu.memory_space<hbm>>
      %dma_wait3A_257 = arith.constant 0 : i32
      %dma_wait3A_258 = tpu.memref_slice %arg4[%add3A_70, %dma_wait3A_257] : memref<50176x128xf32, #tpu.memory_space<hbm>> -> memref<112x128xf32, #tpu.memory_space<hbm>>
      tpu.wait_dma2 semaphore(%run_scoped3A : memref<!tpu.dma_semaphore, #tpu.memory_space<semaphore_mem>>) src(%arg6 : memref<112x128xf32, #tpu.memory_space<vmem>>) dst(%dma_wait3A_258 : memref<112x128xf32, #tpu.memory_space<hbm>>)
      tpu.yield
    }) : () -> ()
    %dma_start3A_71 = arith.constant 4 : i32
    %dma_start3A_72 = arith.constant 0 : i32
    %dma_start3A_73 = tpu.memref_slice %arg5[%dma_start3A_71, %dma_start3A_72] : memref<14x112xi32, #tpu.memory_space<vmem>> -> memref<1x112xi32, #tpu.memory_space<vmem>>
    %dma_start3A_74 = tpu.memref_squeeze %dma_start3A_73 : memref<1x112xi32, #tpu.memory_space<vmem>> -> memref<112xi32, #tpu.memory_space<vmem>>
    %dma_start3A_75 = arith.constant 0 : i32
    %dma_start3A_76 = arith.constant 0 : i32
    %dma_start3A_77 = tpu.memref_slice %arg2[%dma_start3A_75, %dma_start3A_76] : memref<5000x128xf32, #tpu.memory_space<hbm>> -> memref<5000x128xf32, #tpu.memory_space<hbm>>
    tpu.enqueue_indirect_dma source(%dma_start3A_77 : memref<5000x128xf32, #tpu.memory_space<hbm>>) target(%arg6 : memref<112x128xf32, #tpu.memory_space<vmem>>) offsets(%dma_start3A_74 : memref<112xi32, #tpu.memory_space<vmem>>) semaphore(%arg7 : memref<!tpu.dma_semaphore, #tpu.memory_space<semaphore_mem>>)
    %dma_wait3A_78 = arith.constant 4 : i32
    %dma_wait3A_79 = arith.constant 0 : i32
    %dma_wait3A_80 = tpu.memref_slice %arg5[%dma_wait3A_78, %dma_wait3A_79] : memref<14x112xi32, #tpu.memory_space<vmem>> -> memref<1x112xi32, #tpu.memory_space<vmem>>
    %dma_wait3A_81 = tpu.memref_squeeze %dma_wait3A_80 : memref<1x112xi32, #tpu.memory_space<vmem>> -> memref<112xi32, #tpu.memory_space<vmem>>
    %dma_wait3A_82 = arith.constant 0 : i32
    %dma_wait3A_83 = arith.constant 0 : i32
    %dma_wait3A_84 = tpu.memref_slice %arg2[%dma_wait3A_82, %dma_wait3A_83] : memref<5000x128xf32, #tpu.memory_space<hbm>> -> memref<5000x128xf32, #tpu.memory_space<hbm>>
    tpu.wait_indirect_dma semaphore(%arg7 : memref<!tpu.dma_semaphore, #tpu.memory_space<semaphore_mem>>) src(%dma_wait3A_84 : memref<5000x128xf32, #tpu.memory_space<hbm>>) dst(%arg6 : memref<112x128xf32, #tpu.memory_space<vmem>>)
    %mul3A_85 = arith.constant 1568 : i32
    %mul3A_86 = arith.muli %add3A, %mul3A_85 : i32
    %add3A_87 = arith.constant 448 : i32
    %add3A_88 = arith.addi %mul3A_86, %add3A_87 : i32
    "tpu.region"() ({
      %run_scoped3A = tpu.sem_alloc : memref<!tpu.dma_semaphore, #tpu.memory_space<semaphore_mem>>
      %dma_start3A_251 = arith.constant 0 : i32
      %dma_start3A_252 = tpu.memref_slice %arg4[%add3A_88, %dma_start3A_251] : memref<50176x128xf32, #tpu.memory_space<hbm>> -> memref<112x128xf32, #tpu.memory_space<hbm>>
      %dma_start3A_253 = arith.constant 0 : i32
      %dma_start3A_254 = tpu.memref_slice %arg4[%add3A_88, %dma_start3A_253] : memref<50176x128xf32, #tpu.memory_space<hbm>> -> memref<112x128xf32, #tpu.memory_space<hbm>>
      tpu.enqueue_dma source(%arg6 : memref<112x128xf32, #tpu.memory_space<vmem>>) target(%dma_start3A_254 : memref<112x128xf32, #tpu.memory_space<hbm>>) target_semaphore(%run_scoped3A : memref<!tpu.dma_semaphore, #tpu.memory_space<semaphore_mem>>)
      %dma_wait3A_255 = arith.constant 0 : i32
      %dma_wait3A_256 = tpu.memref_slice %arg4[%add3A_88, %dma_wait3A_255] : memref<50176x128xf32, #tpu.memory_space<hbm>> -> memref<112x128xf32, #tpu.memory_space<hbm>>
      %dma_wait3A_257 = arith.constant 0 : i32
      %dma_wait3A_258 = tpu.memref_slice %arg4[%add3A_88, %dma_wait3A_257] : memref<50176x128xf32, #tpu.memory_space<hbm>> -> memref<112x128xf32, #tpu.memory_space<hbm>>
      tpu.wait_dma2 semaphore(%run_scoped3A : memref<!tpu.dma_semaphore, #tpu.memory_space<semaphore_mem>>) src(%arg6 : memref<112x128xf32, #tpu.memory_space<vmem>>) dst(%dma_wait3A_258 : memref<112x128xf32, #tpu.memory_space<hbm>>)
      tpu.yield
    }) : () -> ()
    %dma_start3A_89 = arith.constant 5 : i32
    %dma_start3A_90 = arith.constant 0 : i32
    %dma_start3A_91 = tpu.memref_slice %arg5[%dma_start3A_89, %dma_start3A_90] : memref<14x112xi32, #tpu.memory_space<vmem>> -> memref<1x112xi32, #tpu.memory_space<vmem>>
    %dma_start3A_92 = tpu.memref_squeeze %dma_start3A_91 : memref<1x112xi32, #tpu.memory_space<vmem>> -> memref<112xi32, #tpu.memory_space<vmem>>
    %dma_start3A_93 = arith.constant 0 : i32
    %dma_start3A_94 = arith.constant 0 : i32
    %dma_start3A_95 = tpu.memref_slice %arg2[%dma_start3A_93, %dma_start3A_94] : memref<5000x128xf32, #tpu.memory_space<hbm>> -> memref<5000x128xf32, #tpu.memory_space<hbm>>
    tpu.enqueue_indirect_dma source(%dma_start3A_95 : memref<5000x128xf32, #tpu.memory_space<hbm>>) target(%arg6 : memref<112x128xf32, #tpu.memory_space<vmem>>) offsets(%dma_start3A_92 : memref<112xi32, #tpu.memory_space<vmem>>) semaphore(%arg7 : memref<!tpu.dma_semaphore, #tpu.memory_space<semaphore_mem>>)
    %dma_wait3A_96 = arith.constant 5 : i32
    %dma_wait3A_97 = arith.constant 0 : i32
    %dma_wait3A_98 = tpu.memref_slice %arg5[%dma_wait3A_96, %dma_wait3A_97] : memref<14x112xi32, #tpu.memory_space<vmem>> -> memref<1x112xi32, #tpu.memory_space<vmem>>
    %dma_wait3A_99 = tpu.memref_squeeze %dma_wait3A_98 : memref<1x112xi32, #tpu.memory_space<vmem>> -> memref<112xi32, #tpu.memory_space<vmem>>
    %dma_wait3A_100 = arith.constant 0 : i32
    %dma_wait3A_101 = arith.constant 0 : i32
    %dma_wait3A_102 = tpu.memref_slice %arg2[%dma_wait3A_100, %dma_wait3A_101] : memref<5000x128xf32, #tpu.memory_space<hbm>> -> memref<5000x128xf32, #tpu.memory_space<hbm>>
    tpu.wait_indirect_dma semaphore(%arg7 : memref<!tpu.dma_semaphore, #tpu.memory_space<semaphore_mem>>) src(%dma_wait3A_102 : memref<5000x128xf32, #tpu.memory_space<hbm>>) dst(%arg6 : memref<112x128xf32, #tpu.memory_space<vmem>>)
    %mul3A_103 = arith.constant 1568 : i32
    %mul3A_104 = arith.muli %add3A, %mul3A_103 : i32
    %add3A_105 = arith.constant 560 : i32
    %add3A_106 = arith.addi %mul3A_104, %add3A_105 : i32
    "tpu.region"() ({
      %run_scoped3A = tpu.sem_alloc : memref<!tpu.dma_semaphore, #tpu.memory_space<semaphore_mem>>
      %dma_start3A_251 = arith.constant 0 : i32
      %dma_start3A_252 = tpu.memref_slice %arg4[%add3A_106, %dma_start3A_251] : memref<50176x128xf32, #tpu.memory_space<hbm>> -> memref<112x128xf32, #tpu.memory_space<hbm>>
      %dma_start3A_253 = arith.constant 0 : i32
      %dma_start3A_254 = tpu.memref_slice %arg4[%add3A_106, %dma_start3A_253] : memref<50176x128xf32, #tpu.memory_space<hbm>> -> memref<112x128xf32, #tpu.memory_space<hbm>>
      tpu.enqueue_dma source(%arg6 : memref<112x128xf32, #tpu.memory_space<vmem>>) target(%dma_start3A_254 : memref<112x128xf32, #tpu.memory_space<hbm>>) target_semaphore(%run_scoped3A : memref<!tpu.dma_semaphore, #tpu.memory_space<semaphore_mem>>)
      %dma_wait3A_255 = arith.constant 0 : i32
      %dma_wait3A_256 = tpu.memref_slice %arg4[%add3A_106, %dma_wait3A_255] : memref<50176x128xf32, #tpu.memory_space<hbm>> -> memref<112x128xf32, #tpu.memory_space<hbm>>
      %dma_wait3A_257 = arith.constant 0 : i32
      %dma_wait3A_258 = tpu.memref_slice %arg4[%add3A_106, %dma_wait3A_257] : memref<50176x128xf32, #tpu.memory_space<hbm>> -> memref<112x128xf32, #tpu.memory_space<hbm>>
      tpu.wait_dma2 semaphore(%run_scoped3A : memref<!tpu.dma_semaphore, #tpu.memory_space<semaphore_mem>>) src(%arg6 : memref<112x128xf32, #tpu.memory_space<vmem>>) dst(%dma_wait3A_258 : memref<112x128xf32, #tpu.memory_space<hbm>>)
      tpu.yield
    }) : () -> ()
    %dma_start3A_107 = arith.constant 6 : i32
    %dma_start3A_108 = arith.constant 0 : i32
    %dma_start3A_109 = tpu.memref_slice %arg5[%dma_start3A_107, %dma_start3A_108] : memref<14x112xi32, #tpu.memory_space<vmem>> -> memref<1x112xi32, #tpu.memory_space<vmem>>
    %dma_start3A_110 = tpu.memref_squeeze %dma_start3A_109 : memref<1x112xi32, #tpu.memory_space<vmem>> -> memref<112xi32, #tpu.memory_space<vmem>>
    %dma_start3A_111 = arith.constant 0 : i32
    %dma_start3A_112 = arith.constant 0 : i32
    %dma_start3A_113 = tpu.memref_slice %arg2[%dma_start3A_111, %dma_start3A_112] : memref<5000x128xf32, #tpu.memory_space<hbm>> -> memref<5000x128xf32, #tpu.memory_space<hbm>>
    tpu.enqueue_indirect_dma source(%dma_start3A_113 : memref<5000x128xf32, #tpu.memory_space<hbm>>) target(%arg6 : memref<112x128xf32, #tpu.memory_space<vmem>>) offsets(%dma_start3A_110 : memref<112xi32, #tpu.memory_space<vmem>>) semaphore(%arg7 : memref<!tpu.dma_semaphore, #tpu.memory_space<semaphore_mem>>)
    %dma_wait3A_114 = arith.constant 6 : i32
    %dma_wait3A_115 = arith.constant 0 : i32
    %dma_wait3A_116 = tpu.memref_slice %arg5[%dma_wait3A_114, %dma_wait3A_115] : memref<14x112xi32, #tpu.memory_space<vmem>> -> memref<1x112xi32, #tpu.memory_space<vmem>>
    %dma_wait3A_117 = tpu.memref_squeeze %dma_wait3A_116 : memref<1x112xi32, #tpu.memory_space<vmem>> -> memref<112xi32, #tpu.memory_space<vmem>>
    %dma_wait3A_118 = arith.constant 0 : i32
    %dma_wait3A_119 = arith.constant 0 : i32
    %dma_wait3A_120 = tpu.memref_slice %arg2[%dma_wait3A_118, %dma_wait3A_119] : memref<5000x128xf32, #tpu.memory_space<hbm>> -> memref<5000x128xf32, #tpu.memory_space<hbm>>
    tpu.wait_indirect_dma semaphore(%arg7 : memref<!tpu.dma_semaphore, #tpu.memory_space<semaphore_mem>>) src(%dma_wait3A_120 : memref<5000x128xf32, #tpu.memory_space<hbm>>) dst(%arg6 : memref<112x128xf32, #tpu.memory_space<vmem>>)
    %mul3A_121 = arith.constant 1568 : i32
    %mul3A_122 = arith.muli %add3A, %mul3A_121 : i32
    %add3A_123 = arith.constant 672 : i32
    %add3A_124 = arith.addi %mul3A_122, %add3A_123 : i32
    "tpu.region"() ({
      %run_scoped3A = tpu.sem_alloc : memref<!tpu.dma_semaphore, #tpu.memory_space<semaphore_mem>>
      %dma_start3A_251 = arith.constant 0 : i32
      %dma_start3A_252 = tpu.memref_slice %arg4[%add3A_124, %dma_start3A_251] : memref<50176x128xf32, #tpu.memory_space<hbm>> -> memref<112x128xf32, #tpu.memory_space<hbm>>
      %dma_start3A_253 = arith.constant 0 : i32
      %dma_start3A_254 = tpu.memref_slice %arg4[%add3A_124, %dma_start3A_253] : memref<50176x128xf32, #tpu.memory_space<hbm>> -> memref<112x128xf32, #tpu.memory_space<hbm>>
      tpu.enqueue_dma source(%arg6 : memref<112x128xf32, #tpu.memory_space<vmem>>) target(%dma_start3A_254 : memref<112x128xf32, #tpu.memory_space<hbm>>) target_semaphore(%run_scoped3A : memref<!tpu.dma_semaphore, #tpu.memory_space<semaphore_mem>>)
      %dma_wait3A_255 = arith.constant 0 : i32
      %dma_wait3A_256 = tpu.memref_slice %arg4[%add3A_124, %dma_wait3A_255] : memref<50176x128xf32, #tpu.memory_space<hbm>> -> memref<112x128xf32, #tpu.memory_space<hbm>>
      %dma_wait3A_257 = arith.constant 0 : i32
      %dma_wait3A_258 = tpu.memref_slice %arg4[%add3A_124, %dma_wait3A_257] : memref<50176x128xf32, #tpu.memory_space<hbm>> -> memref<112x128xf32, #tpu.memory_space<hbm>>
      tpu.wait_dma2 semaphore(%run_scoped3A : memref<!tpu.dma_semaphore, #tpu.memory_space<semaphore_mem>>) src(%arg6 : memref<112x128xf32, #tpu.memory_space<vmem>>) dst(%dma_wait3A_258 : memref<112x128xf32, #tpu.memory_space<hbm>>)
      tpu.yield
    }) : () -> ()
    %dma_start3A_125 = arith.constant 7 : i32
    %dma_start3A_126 = arith.constant 0 : i32
    %dma_start3A_127 = tpu.memref_slice %arg5[%dma_start3A_125, %dma_start3A_126] : memref<14x112xi32, #tpu.memory_space<vmem>> -> memref<1x112xi32, #tpu.memory_space<vmem>>
    %dma_start3A_128 = tpu.memref_squeeze %dma_start3A_127 : memref<1x112xi32, #tpu.memory_space<vmem>> -> memref<112xi32, #tpu.memory_space<vmem>>
    %dma_start3A_129 = arith.constant 0 : i32
    %dma_start3A_130 = arith.constant 0 : i32
    %dma_start3A_131 = tpu.memref_slice %arg2[%dma_start3A_129, %dma_start3A_130] : memref<5000x128xf32, #tpu.memory_space<hbm>> -> memref<5000x128xf32, #tpu.memory_space<hbm>>
    tpu.enqueue_indirect_dma source(%dma_start3A_131 : memref<5000x128xf32, #tpu.memory_space<hbm>>) target(%arg6 : memref<112x128xf32, #tpu.memory_space<vmem>>) offsets(%dma_start3A_128 : memref<112xi32, #tpu.memory_space<vmem>>) semaphore(%arg7 : memref<!tpu.dma_semaphore, #tpu.memory_space<semaphore_mem>>)
    %dma_wait3A_132 = arith.constant 7 : i32
    %dma_wait3A_133 = arith.constant 0 : i32
    %dma_wait3A_134 = tpu.memref_slice %arg5[%dma_wait3A_132, %dma_wait3A_133] : memref<14x112xi32, #tpu.memory_space<vmem>> -> memref<1x112xi32, #tpu.memory_space<vmem>>
    %dma_wait3A_135 = tpu.memref_squeeze %dma_wait3A_134 : memref<1x112xi32, #tpu.memory_space<vmem>> -> memref<112xi32, #tpu.memory_space<vmem>>
    %dma_wait3A_136 = arith.constant 0 : i32
    %dma_wait3A_137 = arith.constant 0 : i32
    %dma_wait3A_138 = tpu.memref_slice %arg2[%dma_wait3A_136, %dma_wait3A_137] : memref<5000x128xf32, #tpu.memory_space<hbm>> -> memref<5000x128xf32, #tpu.memory_space<hbm>>
    tpu.wait_indirect_dma semaphore(%arg7 : memref<!tpu.dma_semaphore, #tpu.memory_space<semaphore_mem>>) src(%dma_wait3A_138 : memref<5000x128xf32, #tpu.memory_space<hbm>>) dst(%arg6 : memref<112x128xf32, #tpu.memory_space<vmem>>)
    %mul3A_139 = arith.constant 1568 : i32
    %mul3A_140 = arith.muli %add3A, %mul3A_139 : i32
    %add3A_141 = arith.constant 784 : i32
    %add3A_142 = arith.addi %mul3A_140, %add3A_141 : i32
    "tpu.region"() ({
      %run_scoped3A = tpu.sem_alloc : memref<!tpu.dma_semaphore, #tpu.memory_space<semaphore_mem>>
      %dma_start3A_251 = arith.constant 0 : i32
      %dma_start3A_252 = tpu.memref_slice %arg4[%add3A_142, %dma_start3A_251] : memref<50176x128xf32, #tpu.memory_space<hbm>> -> memref<112x128xf32, #tpu.memory_space<hbm>>
      %dma_start3A_253 = arith.constant 0 : i32
      %dma_start3A_254 = tpu.memref_slice %arg4[%add3A_142, %dma_start3A_253] : memref<50176x128xf32, #tpu.memory_space<hbm>> -> memref<112x128xf32, #tpu.memory_space<hbm>>
      tpu.enqueue_dma source(%arg6 : memref<112x128xf32, #tpu.memory_space<vmem>>) target(%dma_start3A_254 : memref<112x128xf32, #tpu.memory_space<hbm>>) target_semaphore(%run_scoped3A : memref<!tpu.dma_semaphore, #tpu.memory_space<semaphore_mem>>)
      %dma_wait3A_255 = arith.constant 0 : i32
      %dma_wait3A_256 = tpu.memref_slice %arg4[%add3A_142, %dma_wait3A_255] : memref<50176x128xf32, #tpu.memory_space<hbm>> -> memref<112x128xf32, #tpu.memory_space<hbm>>
      %dma_wait3A_257 = arith.constant 0 : i32
      %dma_wait3A_258 = tpu.memref_slice %arg4[%add3A_142, %dma_wait3A_257] : memref<50176x128xf32, #tpu.memory_space<hbm>> -> memref<112x128xf32, #tpu.memory_space<hbm>>
      tpu.wait_dma2 semaphore(%run_scoped3A : memref<!tpu.dma_semaphore, #tpu.memory_space<semaphore_mem>>) src(%arg6 : memref<112x128xf32, #tpu.memory_space<vmem>>) dst(%dma_wait3A_258 : memref<112x128xf32, #tpu.memory_space<hbm>>)
      tpu.yield
    }) : () -> ()
    %dma_start3A_143 = arith.constant 8 : i32
    %dma_start3A_144 = arith.constant 0 : i32
    %dma_start3A_145 = tpu.memref_slice %arg5[%dma_start3A_143, %dma_start3A_144] : memref<14x112xi32, #tpu.memory_space<vmem>> -> memref<1x112xi32, #tpu.memory_space<vmem>>
    %dma_start3A_146 = tpu.memref_squeeze %dma_start3A_145 : memref<1x112xi32, #tpu.memory_space<vmem>> -> memref<112xi32, #tpu.memory_space<vmem>>
    %dma_start3A_147 = arith.constant 0 : i32
    %dma_start3A_148 = arith.constant 0 : i32
    %dma_start3A_149 = tpu.memref_slice %arg2[%dma_start3A_147, %dma_start3A_148] : memref<5000x128xf32, #tpu.memory_space<hbm>> -> memref<5000x128xf32, #tpu.memory_space<hbm>>
    tpu.enqueue_indirect_dma source(%dma_start3A_149 : memref<5000x128xf32, #tpu.memory_space<hbm>>) target(%arg6 : memref<112x128xf32, #tpu.memory_space<vmem>>) offsets(%dma_start3A_146 : memref<112xi32, #tpu.memory_space<vmem>>) semaphore(%arg7 : memref<!tpu.dma_semaphore, #tpu.memory_space<semaphore_mem>>)
    %dma_wait3A_150 = arith.constant 8 : i32
    %dma_wait3A_151 = arith.constant 0 : i32
    %dma_wait3A_152 = tpu.memref_slice %arg5[%dma_wait3A_150, %dma_wait3A_151] : memref<14x112xi32, #tpu.memory_space<vmem>> -> memref<1x112xi32, #tpu.memory_space<vmem>>
    %dma_wait3A_153 = tpu.memref_squeeze %dma_wait3A_152 : memref<1x112xi32, #tpu.memory_space<vmem>> -> memref<112xi32, #tpu.memory_space<vmem>>
    %dma_wait3A_154 = arith.constant 0 : i32
    %dma_wait3A_155 = arith.constant 0 : i32
    %dma_wait3A_156 = tpu.memref_slice %arg2[%dma_wait3A_154, %dma_wait3A_155] : memref<5000x128xf32, #tpu.memory_space<hbm>> -> memref<5000x128xf32, #tpu.memory_space<hbm>>
    tpu.wait_indirect_dma semaphore(%arg7 : memref<!tpu.dma_semaphore, #tpu.memory_space<semaphore_mem>>) src(%dma_wait3A_156 : memref<5000x128xf32, #tpu.memory_space<hbm>>) dst(%arg6 : memref<112x128xf32, #tpu.memory_space<vmem>>)
    %mul3A_157 = arith.constant 1568 : i32
    %mul3A_158 = arith.muli %add3A, %mul3A_157 : i32
    %add3A_159 = arith.constant 896 : i32
    %add3A_160 = arith.addi %mul3A_158, %add3A_159 : i32
    "tpu.region"() ({
      %run_scoped3A = tpu.sem_alloc : memref<!tpu.dma_semaphore, #tpu.memory_space<semaphore_mem>>
      %dma_start3A_251 = arith.constant 0 : i32
      %dma_start3A_252 = tpu.memref_slice %arg4[%add3A_160, %dma_start3A_251] : memref<50176x128xf32, #tpu.memory_space<hbm>> -> memref<112x128xf32, #tpu.memory_space<hbm>>
      %dma_start3A_253 = arith.constant 0 : i32
      %dma_start3A_254 = tpu.memref_slice %arg4[%add3A_160, %dma_start3A_253] : memref<50176x128xf32, #tpu.memory_space<hbm>> -> memref<112x128xf32, #tpu.memory_space<hbm>>
      tpu.enqueue_dma source(%arg6 : memref<112x128xf32, #tpu.memory_space<vmem>>) target(%dma_start3A_254 : memref<112x128xf32, #tpu.memory_space<hbm>>) target_semaphore(%run_scoped3A : memref<!tpu.dma_semaphore, #tpu.memory_space<semaphore_mem>>)
      %dma_wait3A_255 = arith.constant 0 : i32
      %dma_wait3A_256 = tpu.memref_slice %arg4[%add3A_160, %dma_wait3A_255] : memref<50176x128xf32, #tpu.memory_space<hbm>> -> memref<112x128xf32, #tpu.memory_space<hbm>>
      %dma_wait3A_257 = arith.constant 0 : i32
      %dma_wait3A_258 = tpu.memref_slice %arg4[%add3A_160, %dma_wait3A_257] : memref<50176x128xf32, #tpu.memory_space<hbm>> -> memref<112x128xf32, #tpu.memory_space<hbm>>
      tpu.wait_dma2 semaphore(%run_scoped3A : memref<!tpu.dma_semaphore, #tpu.memory_space<semaphore_mem>>) src(%arg6 : memref<112x128xf32, #tpu.memory_space<vmem>>) dst(%dma_wait3A_258 : memref<112x128xf32, #tpu.memory_space<hbm>>)
      tpu.yield
    }) : () -> ()
    %dma_start3A_161 = arith.constant 9 : i32
    %dma_start3A_162 = arith.constant 0 : i32
    %dma_start3A_163 = tpu.memref_slice %arg5[%dma_start3A_161, %dma_start3A_162] : memref<14x112xi32, #tpu.memory_space<vmem>> -> memref<1x112xi32, #tpu.memory_space<vmem>>
    %dma_start3A_164 = tpu.memref_squeeze %dma_start3A_163 : memref<1x112xi32, #tpu.memory_space<vmem>> -> memref<112xi32, #tpu.memory_space<vmem>>
    %dma_start3A_165 = arith.constant 0 : i32
    %dma_start3A_166 = arith.constant 0 : i32
    %dma_start3A_167 = tpu.memref_slice %arg2[%dma_start3A_165, %dma_start3A_166] : memref<5000x128xf32, #tpu.memory_space<hbm>> -> memref<5000x128xf32, #tpu.memory_space<hbm>>
    tpu.enqueue_indirect_dma source(%dma_start3A_167 : memref<5000x128xf32, #tpu.memory_space<hbm>>) target(%arg6 : memref<112x128xf32, #tpu.memory_space<vmem>>) offsets(%dma_start3A_164 : memref<112xi32, #tpu.memory_space<vmem>>) semaphore(%arg7 : memref<!tpu.dma_semaphore, #tpu.memory_space<semaphore_mem>>)
    %dma_wait3A_168 = arith.constant 9 : i32
    %dma_wait3A_169 = arith.constant 0 : i32
    %dma_wait3A_170 = tpu.memref_slice %arg5[%dma_wait3A_168, %dma_wait3A_169] : memref<14x112xi32, #tpu.memory_space<vmem>> -> memref<1x112xi32, #tpu.memory_space<vmem>>
    %dma_wait3A_171 = tpu.memref_squeeze %dma_wait3A_170 : memref<1x112xi32, #tpu.memory_space<vmem>> -> memref<112xi32, #tpu.memory_space<vmem>>
    %dma_wait3A_172 = arith.constant 0 : i32
    %dma_wait3A_173 = arith.constant 0 : i32
    %dma_wait3A_174 = tpu.memref_slice %arg2[%dma_wait3A_172, %dma_wait3A_173] : memref<5000x128xf32, #tpu.memory_space<hbm>> -> memref<5000x128xf32, #tpu.memory_space<hbm>>
    tpu.wait_indirect_dma semaphore(%arg7 : memref<!tpu.dma_semaphore, #tpu.memory_space<semaphore_mem>>) src(%dma_wait3A_174 : memref<5000x128xf32, #tpu.memory_space<hbm>>) dst(%arg6 : memref<112x128xf32, #tpu.memory_space<vmem>>)
    %mul3A_175 = arith.constant 1568 : i32
    %mul3A_176 = arith.muli %add3A, %mul3A_175 : i32
    %add3A_177 = arith.constant 1008 : i32
    %add3A_178 = arith.addi %mul3A_176, %add3A_177 : i32
    "tpu.region"() ({
      %run_scoped3A = tpu.sem_alloc : memref<!tpu.dma_semaphore, #tpu.memory_space<semaphore_mem>>
      %dma_start3A_251 = arith.constant 0 : i32
      %dma_start3A_252 = tpu.memref_slice %arg4[%add3A_178, %dma_start3A_251] : memref<50176x128xf32, #tpu.memory_space<hbm>> -> memref<112x128xf32, #tpu.memory_space<hbm>>
      %dma_start3A_253 = arith.constant 0 : i32
      %dma_start3A_254 = tpu.memref_slice %arg4[%add3A_178, %dma_start3A_253] : memref<50176x128xf32, #tpu.memory_space<hbm>> -> memref<112x128xf32, #tpu.memory_space<hbm>>
      tpu.enqueue_dma source(%arg6 : memref<112x128xf32, #tpu.memory_space<vmem>>) target(%dma_start3A_254 : memref<112x128xf32, #tpu.memory_space<hbm>>) target_semaphore(%run_scoped3A : memref<!tpu.dma_semaphore, #tpu.memory_space<semaphore_mem>>)
      %dma_wait3A_255 = arith.constant 0 : i32
      %dma_wait3A_256 = tpu.memref_slice %arg4[%add3A_178, %dma_wait3A_255] : memref<50176x128xf32, #tpu.memory_space<hbm>> -> memref<112x128xf32, #tpu.memory_space<hbm>>
      %dma_wait3A_257 = arith.constant 0 : i32
      %dma_wait3A_258 = tpu.memref_slice %arg4[%add3A_178, %dma_wait3A_257] : memref<50176x128xf32, #tpu.memory_space<hbm>> -> memref<112x128xf32, #tpu.memory_space<hbm>>
      tpu.wait_dma2 semaphore(%run_scoped3A : memref<!tpu.dma_semaphore, #tpu.memory_space<semaphore_mem>>) src(%arg6 : memref<112x128xf32, #tpu.memory_space<vmem>>) dst(%dma_wait3A_258 : memref<112x128xf32, #tpu.memory_space<hbm>>)
      tpu.yield
    }) : () -> ()
    %dma_start3A_179 = arith.constant 10 : i32
    %dma_start3A_180 = arith.constant 0 : i32
    %dma_start3A_181 = tpu.memref_slice %arg5[%dma_start3A_179, %dma_start3A_180] : memref<14x112xi32, #tpu.memory_space<vmem>> -> memref<1x112xi32, #tpu.memory_space<vmem>>
    %dma_start3A_182 = tpu.memref_squeeze %dma_start3A_181 : memref<1x112xi32, #tpu.memory_space<vmem>> -> memref<112xi32, #tpu.memory_space<vmem>>
    %dma_start3A_183 = arith.constant 0 : i32
    %dma_start3A_184 = arith.constant 0 : i32
    %dma_start3A_185 = tpu.memref_slice %arg2[%dma_start3A_183, %dma_start3A_184] : memref<5000x128xf32, #tpu.memory_space<hbm>> -> memref<5000x128xf32, #tpu.memory_space<hbm>>
    tpu.enqueue_indirect_dma source(%dma_start3A_185 : memref<5000x128xf32, #tpu.memory_space<hbm>>) target(%arg6 : memref<112x128xf32, #tpu.memory_space<vmem>>) offsets(%dma_start3A_182 : memref<112xi32, #tpu.memory_space<vmem>>) semaphore(%arg7 : memref<!tpu.dma_semaphore, #tpu.memory_space<semaphore_mem>>)
    %dma_wait3A_186 = arith.constant 10 : i32
    %dma_wait3A_187 = arith.constant 0 : i32
    %dma_wait3A_188 = tpu.memref_slice %arg5[%dma_wait3A_186, %dma_wait3A_187] : memref<14x112xi32, #tpu.memory_space<vmem>> -> memref<1x112xi32, #tpu.memory_space<vmem>>
    %dma_wait3A_189 = tpu.memref_squeeze %dma_wait3A_188 : memref<1x112xi32, #tpu.memory_space<vmem>> -> memref<112xi32, #tpu.memory_space<vmem>>
    %dma_wait3A_190 = arith.constant 0 : i32
    %dma_wait3A_191 = arith.constant 0 : i32
    %dma_wait3A_192 = tpu.memref_slice %arg2[%dma_wait3A_190, %dma_wait3A_191] : memref<5000x128xf32, #tpu.memory_space<hbm>> -> memref<5000x128xf32, #tpu.memory_space<hbm>>
    tpu.wait_indirect_dma semaphore(%arg7 : memref<!tpu.dma_semaphore, #tpu.memory_space<semaphore_mem>>) src(%dma_wait3A_192 : memref<5000x128xf32, #tpu.memory_space<hbm>>) dst(%arg6 : memref<112x128xf32, #tpu.memory_space<vmem>>)
    %mul3A_193 = arith.constant 1568 : i32
    %mul3A_194 = arith.muli %add3A, %mul3A_193 : i32
    %add3A_195 = arith.constant 1120 : i32
    %add3A_196 = arith.addi %mul3A_194, %add3A_195 : i32
    "tpu.region"() ({
      %run_scoped3A = tpu.sem_alloc : memref<!tpu.dma_semaphore, #tpu.memory_space<semaphore_mem>>
      %dma_start3A_251 = arith.constant 0 : i32
      %dma_start3A_252 = tpu.memref_slice %arg4[%add3A_196, %dma_start3A_251] : memref<50176x128xf32, #tpu.memory_space<hbm>> -> memref<112x128xf32, #tpu.memory_space<hbm>>
      %dma_start3A_253 = arith.constant 0 : i32
      %dma_start3A_254 = tpu.memref_slice %arg4[%add3A_196, %dma_start3A_253] : memref<50176x128xf32, #tpu.memory_space<hbm>> -> memref<112x128xf32, #tpu.memory_space<hbm>>
      tpu.enqueue_dma source(%arg6 : memref<112x128xf32, #tpu.memory_space<vmem>>) target(%dma_start3A_254 : memref<112x128xf32, #tpu.memory_space<hbm>>) target_semaphore(%run_scoped3A : memref<!tpu.dma_semaphore, #tpu.memory_space<semaphore_mem>>)
      %dma_wait3A_255 = arith.constant 0 : i32
      %dma_wait3A_256 = tpu.memref_slice %arg4[%add3A_196, %dma_wait3A_255] : memref<50176x128xf32, #tpu.memory_space<hbm>> -> memref<112x128xf32, #tpu.memory_space<hbm>>
      %dma_wait3A_257 = arith.constant 0 : i32
      %dma_wait3A_258 = tpu.memref_slice %arg4[%add3A_196, %dma_wait3A_257] : memref<50176x128xf32, #tpu.memory_space<hbm>> -> memref<112x128xf32, #tpu.memory_space<hbm>>
      tpu.wait_dma2 semaphore(%run_scoped3A : memref<!tpu.dma_semaphore, #tpu.memory_space<semaphore_mem>>) src(%arg6 : memref<112x128xf32, #tpu.memory_space<vmem>>) dst(%dma_wait3A_258 : memref<112x128xf32, #tpu.memory_space<hbm>>)
      tpu.yield
    }) : () -> ()
    %dma_start3A_197 = arith.constant 11 : i32
    %dma_start3A_198 = arith.constant 0 : i32
    %dma_start3A_199 = tpu.memref_slice %arg5[%dma_start3A_197, %dma_start3A_198] : memref<14x112xi32, #tpu.memory_space<vmem>> -> memref<1x112xi32, #tpu.memory_space<vmem>>
    %dma_start3A_200 = tpu.memref_squeeze %dma_start3A_199 : memref<1x112xi32, #tpu.memory_space<vmem>> -> memref<112xi32, #tpu.memory_space<vmem>>
    %dma_start3A_201 = arith.constant 0 : i32
    %dma_start3A_202 = arith.constant 0 : i32
    %dma_start3A_203 = tpu.memref_slice %arg2[%dma_start3A_201, %dma_start3A_202] : memref<5000x128xf32, #tpu.memory_space<hbm>> -> memref<5000x128xf32, #tpu.memory_space<hbm>>
    tpu.enqueue_indirect_dma source(%dma_start3A_203 : memref<5000x128xf32, #tpu.memory_space<hbm>>) target(%arg6 : memref<112x128xf32, #tpu.memory_space<vmem>>) offsets(%dma_start3A_200 : memref<112xi32, #tpu.memory_space<vmem>>) semaphore(%arg7 : memref<!tpu.dma_semaphore, #tpu.memory_space<semaphore_mem>>)
    %dma_wait3A_204 = arith.constant 11 : i32
    %dma_wait3A_205 = arith.constant 0 : i32
    %dma_wait3A_206 = tpu.memref_slice %arg5[%dma_wait3A_204, %dma_wait3A_205] : memref<14x112xi32, #tpu.memory_space<vmem>> -> memref<1x112xi32, #tpu.memory_space<vmem>>
    %dma_wait3A_207 = tpu.memref_squeeze %dma_wait3A_206 : memref<1x112xi32, #tpu.memory_space<vmem>> -> memref<112xi32, #tpu.memory_space<vmem>>
    %dma_wait3A_208 = arith.constant 0 : i32
    %dma_wait3A_209 = arith.constant 0 : i32
    %dma_wait3A_210 = tpu.memref_slice %arg2[%dma_wait3A_208, %dma_wait3A_209] : memref<5000x128xf32, #tpu.memory_space<hbm>> -> memref<5000x128xf32, #tpu.memory_space<hbm>>
    tpu.wait_indirect_dma semaphore(%arg7 : memref<!tpu.dma_semaphore, #tpu.memory_space<semaphore_mem>>) src(%dma_wait3A_210 : memref<5000x128xf32, #tpu.memory_space<hbm>>) dst(%arg6 : memref<112x128xf32, #tpu.memory_space<vmem>>)
    %mul3A_211 = arith.constant 1568 : i32
    %mul3A_212 = arith.muli %add3A, %mul3A_211 : i32
    %add3A_213 = arith.constant 1232 : i32
    %add3A_214 = arith.addi %mul3A_212, %add3A_213 : i32
    "tpu.region"() ({
      %run_scoped3A = tpu.sem_alloc : memref<!tpu.dma_semaphore, #tpu.memory_space<semaphore_mem>>
      %dma_start3A_251 = arith.constant 0 : i32
      %dma_start3A_252 = tpu.memref_slice %arg4[%add3A_214, %dma_start3A_251] : memref<50176x128xf32, #tpu.memory_space<hbm>> -> memref<112x128xf32, #tpu.memory_space<hbm>>
      %dma_start3A_253 = arith.constant 0 : i32
      %dma_start3A_254 = tpu.memref_slice %arg4[%add3A_214, %dma_start3A_253] : memref<50176x128xf32, #tpu.memory_space<hbm>> -> memref<112x128xf32, #tpu.memory_space<hbm>>
      tpu.enqueue_dma source(%arg6 : memref<112x128xf32, #tpu.memory_space<vmem>>) target(%dma_start3A_254 : memref<112x128xf32, #tpu.memory_space<hbm>>) target_semaphore(%run_scoped3A : memref<!tpu.dma_semaphore, #tpu.memory_space<semaphore_mem>>)
      %dma_wait3A_255 = arith.constant 0 : i32
      %dma_wait3A_256 = tpu.memref_slice %arg4[%add3A_214, %dma_wait3A_255] : memref<50176x128xf32, #tpu.memory_space<hbm>> -> memref<112x128xf32, #tpu.memory_space<hbm>>
      %dma_wait3A_257 = arith.constant 0 : i32
      %dma_wait3A_258 = tpu.memref_slice %arg4[%add3A_214, %dma_wait3A_257] : memref<50176x128xf32, #tpu.memory_space<hbm>> -> memref<112x128xf32, #tpu.memory_space<hbm>>
      tpu.wait_dma2 semaphore(%run_scoped3A : memref<!tpu.dma_semaphore, #tpu.memory_space<semaphore_mem>>) src(%arg6 : memref<112x128xf32, #tpu.memory_space<vmem>>) dst(%dma_wait3A_258 : memref<112x128xf32, #tpu.memory_space<hbm>>)
      tpu.yield
    }) : () -> ()
    %dma_start3A_215 = arith.constant 12 : i32
    %dma_start3A_216 = arith.constant 0 : i32
    %dma_start3A_217 = tpu.memref_slice %arg5[%dma_start3A_215, %dma_start3A_216] : memref<14x112xi32, #tpu.memory_space<vmem>> -> memref<1x112xi32, #tpu.memory_space<vmem>>
    %dma_start3A_218 = tpu.memref_squeeze %dma_start3A_217 : memref<1x112xi32, #tpu.memory_space<vmem>> -> memref<112xi32, #tpu.memory_space<vmem>>
    %dma_start3A_219 = arith.constant 0 : i32
    %dma_start3A_220 = arith.constant 0 : i32
    %dma_start3A_221 = tpu.memref_slice %arg2[%dma_start3A_219, %dma_start3A_220] : memref<5000x128xf32, #tpu.memory_space<hbm>> -> memref<5000x128xf32, #tpu.memory_space<hbm>>
    tpu.enqueue_indirect_dma source(%dma_start3A_221 : memref<5000x128xf32, #tpu.memory_space<hbm>>) target(%arg6 : memref<112x128xf32, #tpu.memory_space<vmem>>) offsets(%dma_start3A_218 : memref<112xi32, #tpu.memory_space<vmem>>) semaphore(%arg7 : memref<!tpu.dma_semaphore, #tpu.memory_space<semaphore_mem>>)
    %dma_wait3A_222 = arith.constant 12 : i32
    %dma_wait3A_223 = arith.constant 0 : i32
    %dma_wait3A_224 = tpu.memref_slice %arg5[%dma_wait3A_222, %dma_wait3A_223] : memref<14x112xi32, #tpu.memory_space<vmem>> -> memref<1x112xi32, #tpu.memory_space<vmem>>
    %dma_wait3A_225 = tpu.memref_squeeze %dma_wait3A_224 : memref<1x112xi32, #tpu.memory_space<vmem>> -> memref<112xi32, #tpu.memory_space<vmem>>
    %dma_wait3A_226 = arith.constant 0 : i32
    %dma_wait3A_227 = arith.constant 0 : i32
    %dma_wait3A_228 = tpu.memref_slice %arg2[%dma_wait3A_226, %dma_wait3A_227] : memref<5000x128xf32, #tpu.memory_space<hbm>> -> memref<5000x128xf32, #tpu.memory_space<hbm>>
    tpu.wait_indirect_dma semaphore(%arg7 : memref<!tpu.dma_semaphore, #tpu.memory_space<semaphore_mem>>) src(%dma_wait3A_228 : memref<5000x128xf32, #tpu.memory_space<hbm>>) dst(%arg6 : memref<112x128xf32, #tpu.memory_space<vmem>>)
    %mul3A_229 = arith.constant 1568 : i32
    %mul3A_230 = arith.muli %add3A, %mul3A_229 : i32
    %add3A_231 = arith.constant 1344 : i32
    %add3A_232 = arith.addi %mul3A_230, %add3A_231 : i32
    "tpu.region"() ({
      %run_scoped3A = tpu.sem_alloc : memref<!tpu.dma_semaphore, #tpu.memory_space<semaphore_mem>>
      %dma_start3A_251 = arith.constant 0 : i32
      %dma_start3A_252 = tpu.memref_slice %arg4[%add3A_232, %dma_start3A_251] : memref<50176x128xf32, #tpu.memory_space<hbm>> -> memref<112x128xf32, #tpu.memory_space<hbm>>
      %dma_start3A_253 = arith.constant 0 : i32
      %dma_start3A_254 = tpu.memref_slice %arg4[%add3A_232, %dma_start3A_253] : memref<50176x128xf32, #tpu.memory_space<hbm>> -> memref<112x128xf32, #tpu.memory_space<hbm>>
      tpu.enqueue_dma source(%arg6 : memref<112x128xf32, #tpu.memory_space<vmem>>) target(%dma_start3A_254 : memref<112x128xf32, #tpu.memory_space<hbm>>) target_semaphore(%run_scoped3A : memref<!tpu.dma_semaphore, #tpu.memory_space<semaphore_mem>>)
      %dma_wait3A_255 = arith.constant 0 : i32
      %dma_wait3A_256 = tpu.memref_slice %arg4[%add3A_232, %dma_wait3A_255] : memref<50176x128xf32, #tpu.memory_space<hbm>> -> memref<112x128xf32, #tpu.memory_space<hbm>>
      %dma_wait3A_257 = arith.constant 0 : i32
      %dma_wait3A_258 = tpu.memref_slice %arg4[%add3A_232, %dma_wait3A_257] : memref<50176x128xf32, #tpu.memory_space<hbm>> -> memref<112x128xf32, #tpu.memory_space<hbm>>
      tpu.wait_dma2 semaphore(%run_scoped3A : memref<!tpu.dma_semaphore, #tpu.memory_space<semaphore_mem>>) src(%arg6 : memref<112x128xf32, #tpu.memory_space<vmem>>) dst(%dma_wait3A_258 : memref<112x128xf32, #tpu.memory_space<hbm>>)
      tpu.yield
    }) : () -> ()
    %dma_start3A_233 = arith.constant 13 : i32
    %dma_start3A_234 = arith.constant 0 : i32
    %dma_start3A_235 = tpu.memref_slice %arg5[%dma_start3A_233, %dma_start3A_234] : memref<14x112xi32, #tpu.memory_space<vmem>> -> memref<1x112xi32, #tpu.memory_space<vmem>>
    %dma_start3A_236 = tpu.memref_squeeze %dma_start3A_235 : memref<1x112xi32, #tpu.memory_space<vmem>> -> memref<112xi32, #tpu.memory_space<vmem>>
    %dma_start3A_237 = arith.constant 0 : i32
    %dma_start3A_238 = arith.constant 0 : i32
    %dma_start3A_239 = tpu.memref_slice %arg2[%dma_start3A_237, %dma_start3A_238] : memref<5000x128xf32, #tpu.memory_space<hbm>> -> memref<5000x128xf32, #tpu.memory_space<hbm>>
    tpu.enqueue_indirect_dma source(%dma_start3A_239 : memref<5000x128xf32, #tpu.memory_space<hbm>>) target(%arg6 : memref<112x128xf32, #tpu.memory_space<vmem>>) offsets(%dma_start3A_236 : memref<112xi32, #tpu.memory_space<vmem>>) semaphore(%arg7 : memref<!tpu.dma_semaphore, #tpu.memory_space<semaphore_mem>>)
    %dma_wait3A_240 = arith.constant 13 : i32
    %dma_wait3A_241 = arith.constant 0 : i32
    %dma_wait3A_242 = tpu.memref_slice %arg5[%dma_wait3A_240, %dma_wait3A_241] : memref<14x112xi32, #tpu.memory_space<vmem>> -> memref<1x112xi32, #tpu.memory_space<vmem>>
    %dma_wait3A_243 = tpu.memref_squeeze %dma_wait3A_242 : memref<1x112xi32, #tpu.memory_space<vmem>> -> memref<112xi32, #tpu.memory_space<vmem>>
    %dma_wait3A_244 = arith.constant 0 : i32
    %dma_wait3A_245 = arith.constant 0 : i32
    %dma_wait3A_246 = tpu.memref_slice %arg2[%dma_wait3A_244, %dma_wait3A_245] : memref<5000x128xf32, #tpu.memory_space<hbm>> -> memref<5000x128xf32, #tpu.memory_space<hbm>>
    tpu.wait_indirect_dma semaphore(%arg7 : memref<!tpu.dma_semaphore, #tpu.memory_space<semaphore_mem>>) src(%dma_wait3A_246 : memref<5000x128xf32, #tpu.memory_space<hbm>>) dst(%arg6 : memref<112x128xf32, #tpu.memory_space<vmem>>)
    %mul3A_247 = arith.constant 1568 : i32
    %mul3A_248 = arith.muli %add3A, %mul3A_247 : i32
    %add3A_249 = arith.constant 1456 : i32
    %add3A_250 = arith.addi %mul3A_248, %add3A_249 : i32
    "tpu.region"() ({
      %run_scoped3A = tpu.sem_alloc : memref<!tpu.dma_semaphore, #tpu.memory_space<semaphore_mem>>
      %dma_start3A_251 = arith.constant 0 : i32
      %dma_start3A_252 = tpu.memref_slice %arg4[%add3A_250, %dma_start3A_251] : memref<50176x128xf32, #tpu.memory_space<hbm>> -> memref<112x128xf32, #tpu.memory_space<hbm>>
      %dma_start3A_253 = arith.constant 0 : i32
      %dma_start3A_254 = tpu.memref_slice %arg4[%add3A_250, %dma_start3A_253] : memref<50176x128xf32, #tpu.memory_space<hbm>> -> memref<112x128xf32, #tpu.memory_space<hbm>>
      tpu.enqueue_dma source(%arg6 : memref<112x128xf32, #tpu.memory_space<vmem>>) target(%dma_start3A_254 : memref<112x128xf32, #tpu.memory_space<hbm>>) target_semaphore(%run_scoped3A : memref<!tpu.dma_semaphore, #tpu.memory_space<semaphore_mem>>)
      %dma_wait3A_255 = arith.constant 0 : i32
      %dma_wait3A_256 = tpu.memref_slice %arg4[%add3A_250, %dma_wait3A_255] : memref<50176x128xf32, #tpu.memory_space<hbm>> -> memref<112x128xf32, #tpu.memory_space<hbm>>
      %dma_wait3A_257 = arith.constant 0 : i32
      %dma_wait3A_258 = tpu.memref_slice %arg4[%add3A_250, %dma_wait3A_257] : memref<50176x128xf32, #tpu.memory_space<hbm>> -> memref<112x128xf32, #tpu.memory_space<hbm>>
      tpu.wait_dma2 semaphore(%run_scoped3A : memref<!tpu.dma_semaphore, #tpu.memory_space<semaphore_mem>>) src(%arg6 : memref<112x128xf32, #tpu.memory_space<vmem>>) dst(%dma_wait3A_258 : memref<112x128xf32, #tpu.memory_space<hbm>>)
      tpu.yield
    }) : () -> ()
    return
  }
}

module attributes {stable_mosaic.version = 14 : i64} {
  func.func @_topk_body(%arg0: i32, %arg1: memref<200x5000xf32, #tpu.memory_space<vmem>>, %arg2: memref<1x5000xf32, #tpu.memory_space<vmem>>, %arg3: memref<200x1xf32, #tpu.memory_space<vmem>>, %arg4: memref<200x10xf32, #tpu.memory_space<vmem>>, %arg5: memref<200x10xi32, #tpu.memory_space<vmem>>) attributes {dimension_semantics = [#tpu.dimension_semantics<arbitrary>], iteration_bounds = array<i64: 25>, scalar_prefetch = 0 : i64, scratch_operands = 0 : i64, tpu.core_type = #tpu.core_type<tc>, window_params = [{transform_indices = @transform_0, window_bounds = array<i64: 200, 5000>}, {pipeline_mode = #tpu.pipeline_mode<synchronous>, transform_indices = @transform_1, window_bounds = array<i64: 1, 5000>}, {transform_indices = @transform_2, window_bounds = array<i64: 200, 1>}, {transform_indices = @transform_3, window_bounds = array<i64: 200, 10>}, {transform_indices = @transform_4, window_bounds = array<i64: 200, 10>}]} {
    %get3A = arith.constant 0 : index
    %get3A_0 = arith.constant 0 : index
    %get3A_1 = vector.load %arg1[%get3A, %get3A_0] : memref<200x5000xf32, #tpu.memory_space<vmem>>, vector<200x5000xf32>
    %get3A_2 = arith.constant 0 : index
    %get3A_3 = arith.constant 0 : index
    %get3A_4 = vector.load %arg2[%get3A_2, %get3A_3] : memref<1x5000xf32, #tpu.memory_space<vmem>>, vector<1x5000xf32>
    %mul3A = vector.broadcast %get3A_4 : vector<1x5000xf32> to vector<200x5000xf32>
    %mul3A_5 = arith.mulf %get3A_1, %mul3A : vector<200x5000xf32>
    %get3A_6 = arith.constant 0 : index
    %get3A_7 = arith.constant 0 : index
    %get3A_8 = vector.load %arg3[%get3A_6, %get3A_7] : memref<200x1xf32, #tpu.memory_space<vmem>>, vector<200x1xf32>
    %mul3A_9 = vector.broadcast %get3A_8 : vector<200x1xf32> to vector<200x5000xf32>
    %mul3A_10 = arith.mulf %mul3A_5, %mul3A_9 : vector<200x5000xf32>
    %iota3A = tpu.iota {dimensions = array<i32: 1>} : vector<200x5000xi32>
    %convert_element_type3A = arith.sitofp %iota3A : vector<200x5000xi32> to vector<200x5000xf32>
    %reduce_max3A = arith.constant dense<0xFF800000> : vector<200xf32>
    %reduce_max3A_11 = vector.multi_reduction <maximumf>, %mul3A_10, %reduce_max3A [1] : vector<200x5000xf32> to vector<200xf32>
    %broadcast_in_dim3A = vector.shape_cast %reduce_max3A_11 : vector<200xf32> to vector<200x1xf32>
    %eq3A = vector.broadcast %broadcast_in_dim3A : vector<200x1xf32> to vector<200x5000xf32>
    %eq3A_12 = arith.cmpf oeq, %mul3A_10, %eq3A : vector<200x5000xf32>
    %jit3A = arith.constant 5.000000e+03 : f32
    %broadcast_in_dim3A_13 = vector.broadcast %jit3A : f32 to vector<200x5000xf32>
    %select_n3A = arith.select %eq3A_12, %convert_element_type3A, %broadcast_in_dim3A_13 : vector<200x5000xi1>, vector<200x5000xf32>
    %reduce_min3A = arith.constant dense<0x7F800000> : vector<200xf32>
    %reduce_min3A_14 = vector.multi_reduction <minimumf>, %select_n3A, %reduce_min3A [1] : vector<200x5000xf32> to vector<200xf32>
    %broadcast_in_dim3A_15 = vector.shape_cast %reduce_min3A_14 : vector<200xf32> to vector<200x1xf32>
    %swap3A = arith.constant 0 : index
    %swap3A_16 = arith.constant 0 : index
    %swap3A_17 = vector.load %arg4[%swap3A, %swap3A_16] : memref<200x10xf32, #tpu.memory_space<vmem>>, vector<200x1xf32>
    tpu.vector_store %arg4[%swap3A, %swap3A_16], %broadcast_in_dim3A {strides = array<i32>} : memref<200x10xf32, #tpu.memory_space<vmem>>, vector<200x1xf32>,
    %convert_element_type3A_18 = arith.fptosi %broadcast_in_dim3A_15 : vector<200x1xf32> to vector<200x1xi32>
    %swap3A_19 = arith.constant 0 : index
    %swap3A_20 = arith.constant 0 : index
    %swap3A_21 = vector.load %arg5[%swap3A_19, %swap3A_20] : memref<200x10xi32, #tpu.memory_space<vmem>>, vector<200x1xi32>
    tpu.vector_store %arg5[%swap3A_19, %swap3A_20], %convert_element_type3A_18 {strides = array<i32>} : memref<200x10xi32, #tpu.memory_space<vmem>>, vector<200x1xi32>,
    %eq3A_22 = vector.broadcast %broadcast_in_dim3A_15 : vector<200x1xf32> to vector<200x5000xf32>
    %eq3A_23 = arith.cmpf oeq, %convert_element_type3A, %eq3A_22 : vector<200x5000xf32>
    %jit3A_24 = arith.constant -1.000000e+00 : f32
    %broadcast_in_dim3A_25 = vector.broadcast %jit3A_24 : f32 to vector<200x5000xf32>
    %select_n3A_26 = arith.select %eq3A_23, %broadcast_in_dim3A_25, %mul3A_10 : vector<200x5000xi1>, vector<200x5000xf32>
    %reduce_max3A_27 = arith.constant dense<0xFF800000> : vector<200xf32>
    %reduce_max3A_28 = vector.multi_reduction <maximumf>, %select_n3A_26, %reduce_max3A_27 [1] : vector<200x5000xf32> to vector<200xf32>
    %broadcast_in_dim3A_29 = vector.shape_cast %reduce_max3A_28 : vector<200xf32> to vector<200x1xf32>
    %eq3A_30 = vector.broadcast %broadcast_in_dim3A_29 : vector<200x1xf32> to vector<200x5000xf32>
    %eq3A_31 = arith.cmpf oeq, %select_n3A_26, %eq3A_30 : vector<200x5000xf32>
    %jit3A_32 = arith.constant 5.000000e+03 : f32
    %broadcast_in_dim3A_33 = vector.broadcast %jit3A_32 : f32 to vector<200x5000xf32>
    %select_n3A_34 = arith.select %eq3A_31, %convert_element_type3A, %broadcast_in_dim3A_33 : vector<200x5000xi1>, vector<200x5000xf32>
    %reduce_min3A_35 = arith.constant dense<0x7F800000> : vector<200xf32>
    %reduce_min3A_36 = vector.multi_reduction <minimumf>, %select_n3A_34, %reduce_min3A_35 [1] : vector<200x5000xf32> to vector<200xf32>
    %broadcast_in_dim3A_37 = vector.shape_cast %reduce_min3A_36 : vector<200xf32> to vector<200x1xf32>
    %swap3A_38 = arith.constant 0 : index
    %swap3A_39 = arith.constant 1 : index
    %swap3A_40 = vector.load %arg4[%swap3A_38, %swap3A_39] : memref<200x10xf32, #tpu.memory_space<vmem>>, vector<200x1xf32>
    tpu.vector_store %arg4[%swap3A_38, %swap3A_39], %broadcast_in_dim3A_29 {strides = array<i32>} : memref<200x10xf32, #tpu.memory_space<vmem>>, vector<200x1xf32>,
    %convert_element_type3A_41 = arith.fptosi %broadcast_in_dim3A_37 : vector<200x1xf32> to vector<200x1xi32>
    %swap3A_42 = arith.constant 0 : index
    %swap3A_43 = arith.constant 1 : index
    %swap3A_44 = vector.load %arg5[%swap3A_42, %swap3A_43] : memref<200x10xi32, #tpu.memory_space<vmem>>, vector<200x1xi32>
    tpu.vector_store %arg5[%swap3A_42, %swap3A_43], %convert_element_type3A_41 {strides = array<i32>} : memref<200x10xi32, #tpu.memory_space<vmem>>, vector<200x1xi32>,
    %eq3A_45 = vector.broadcast %broadcast_in_dim3A_37 : vector<200x1xf32> to vector<200x5000xf32>
    %eq3A_46 = arith.cmpf oeq, %convert_element_type3A, %eq3A_45 : vector<200x5000xf32>
    %jit3A_47 = arith.constant -1.000000e+00 : f32
    %broadcast_in_dim3A_48 = vector.broadcast %jit3A_47 : f32 to vector<200x5000xf32>
    %select_n3A_49 = arith.select %eq3A_46, %broadcast_in_dim3A_48, %select_n3A_26 : vector<200x5000xi1>, vector<200x5000xf32>
    %reduce_max3A_50 = arith.constant dense<0xFF800000> : vector<200xf32>
    %reduce_max3A_51 = vector.multi_reduction <maximumf>, %select_n3A_49, %reduce_max3A_50 [1] : vector<200x5000xf32> to vector<200xf32>
    %broadcast_in_dim3A_52 = vector.shape_cast %reduce_max3A_51 : vector<200xf32> to vector<200x1xf32>
    %eq3A_53 = vector.broadcast %broadcast_in_dim3A_52 : vector<200x1xf32> to vector<200x5000xf32>
    %eq3A_54 = arith.cmpf oeq, %select_n3A_49, %eq3A_53 : vector<200x5000xf32>
    %jit3A_55 = arith.constant 5.000000e+03 : f32
    %broadcast_in_dim3A_56 = vector.broadcast %jit3A_55 : f32 to vector<200x5000xf32>
    %select_n3A_57 = arith.select %eq3A_54, %convert_element_type3A, %broadcast_in_dim3A_56 : vector<200x5000xi1>, vector<200x5000xf32>
    %reduce_min3A_58 = arith.constant dense<0x7F800000> : vector<200xf32>
    %reduce_min3A_59 = vector.multi_reduction <minimumf>, %select_n3A_57, %reduce_min3A_58 [1] : vector<200x5000xf32> to vector<200xf32>
    %broadcast_in_dim3A_60 = vector.shape_cast %reduce_min3A_59 : vector<200xf32> to vector<200x1xf32>
    %swap3A_61 = arith.constant 0 : index
    %swap3A_62 = arith.constant 2 : index
    %swap3A_63 = vector.load %arg4[%swap3A_61, %swap3A_62] : memref<200x10xf32, #tpu.memory_space<vmem>>, vector<200x1xf32>
    tpu.vector_store %arg4[%swap3A_61, %swap3A_62], %broadcast_in_dim3A_52 {strides = array<i32>} : memref<200x10xf32, #tpu.memory_space<vmem>>, vector<200x1xf32>,
    %convert_element_type3A_64 = arith.fptosi %broadcast_in_dim3A_60 : vector<200x1xf32> to vector<200x1xi32>
    %swap3A_65 = arith.constant 0 : index
    %swap3A_66 = arith.constant 2 : index
    %swap3A_67 = vector.load %arg5[%swap3A_65, %swap3A_66] : memref<200x10xi32, #tpu.memory_space<vmem>>, vector<200x1xi32>
    tpu.vector_store %arg5[%swap3A_65, %swap3A_66], %convert_element_type3A_64 {strides = array<i32>} : memref<200x10xi32, #tpu.memory_space<vmem>>, vector<200x1xi32>,
    %eq3A_68 = vector.broadcast %broadcast_in_dim3A_60 : vector<200x1xf32> to vector<200x5000xf32>
    %eq3A_69 = arith.cmpf oeq, %convert_element_type3A, %eq3A_68 : vector<200x5000xf32>
    %jit3A_70 = arith.constant -1.000000e+00 : f32
    %broadcast_in_dim3A_71 = vector.broadcast %jit3A_70 : f32 to vector<200x5000xf32>
    %select_n3A_72 = arith.select %eq3A_69, %broadcast_in_dim3A_71, %select_n3A_49 : vector<200x5000xi1>, vector<200x5000xf32>
    %reduce_max3A_73 = arith.constant dense<0xFF800000> : vector<200xf32>
    %reduce_max3A_74 = vector.multi_reduction <maximumf>, %select_n3A_72, %reduce_max3A_73 [1] : vector<200x5000xf32> to vector<200xf32>
    %broadcast_in_dim3A_75 = vector.shape_cast %reduce_max3A_74 : vector<200xf32> to vector<200x1xf32>
    %eq3A_76 = vector.broadcast %broadcast_in_dim3A_75 : vector<200x1xf32> to vector<200x5000xf32>
    %eq3A_77 = arith.cmpf oeq, %select_n3A_72, %eq3A_76 : vector<200x5000xf32>
    %jit3A_78 = arith.constant 5.000000e+03 : f32
    %broadcast_in_dim3A_79 = vector.broadcast %jit3A_78 : f32 to vector<200x5000xf32>
    %select_n3A_80 = arith.select %eq3A_77, %convert_element_type3A, %broadcast_in_dim3A_79 : vector<200x5000xi1>, vector<200x5000xf32>
    %reduce_min3A_81 = arith.constant dense<0x7F800000> : vector<200xf32>
    %reduce_min3A_82 = vector.multi_reduction <minimumf>, %select_n3A_80, %reduce_min3A_81 [1] : vector<200x5000xf32> to vector<200xf32>
    %broadcast_in_dim3A_83 = vector.shape_cast %reduce_min3A_82 : vector<200xf32> to vector<200x1xf32>
    %swap3A_84 = arith.constant 0 : index
    %swap3A_85 = arith.constant 3 : index
    %swap3A_86 = vector.load %arg4[%swap3A_84, %swap3A_85] : memref<200x10xf32, #tpu.memory_space<vmem>>, vector<200x1xf32>
    tpu.vector_store %arg4[%swap3A_84, %swap3A_85], %broadcast_in_dim3A_75 {strides = array<i32>} : memref<200x10xf32, #tpu.memory_space<vmem>>, vector<200x1xf32>,
    %convert_element_type3A_87 = arith.fptosi %broadcast_in_dim3A_83 : vector<200x1xf32> to vector<200x1xi32>
    %swap3A_88 = arith.constant 0 : index
    %swap3A_89 = arith.constant 3 : index
    %swap3A_90 = vector.load %arg5[%swap3A_88, %swap3A_89] : memref<200x10xi32, #tpu.memory_space<vmem>>, vector<200x1xi32>
    tpu.vector_store %arg5[%swap3A_88, %swap3A_89], %convert_element_type3A_87 {strides = array<i32>} : memref<200x10xi32, #tpu.memory_space<vmem>>, vector<200x1xi32>,
    %eq3A_91 = vector.broadcast %broadcast_in_dim3A_83 : vector<200x1xf32> to vector<200x5000xf32>
    %eq3A_92 = arith.cmpf oeq, %convert_element_type3A, %eq3A_91 : vector<200x5000xf32>
    %jit3A_93 = arith.constant -1.000000e+00 : f32
    %broadcast_in_dim3A_94 = vector.broadcast %jit3A_93 : f32 to vector<200x5000xf32>
    %select_n3A_95 = arith.select %eq3A_92, %broadcast_in_dim3A_94, %select_n3A_72 : vector<200x5000xi1>, vector<200x5000xf32>
    %reduce_max3A_96 = arith.constant dense<0xFF800000> : vector<200xf32>
    %reduce_max3A_97 = vector.multi_reduction <maximumf>, %select_n3A_95, %reduce_max3A_96 [1] : vector<200x5000xf32> to vector<200xf32>
    %broadcast_in_dim3A_98 = vector.shape_cast %reduce_max3A_97 : vector<200xf32> to vector<200x1xf32>
    %eq3A_99 = vector.broadcast %broadcast_in_dim3A_98 : vector<200x1xf32> to vector<200x5000xf32>
    %eq3A_100 = arith.cmpf oeq, %select_n3A_95, %eq3A_99 : vector<200x5000xf32>
    %jit3A_101 = arith.constant 5.000000e+03 : f32
    %broadcast_in_dim3A_102 = vector.broadcast %jit3A_101 : f32 to vector<200x5000xf32>
    %select_n3A_103 = arith.select %eq3A_100, %convert_element_type3A, %broadcast_in_dim3A_102 : vector<200x5000xi1>, vector<200x5000xf32>
    %reduce_min3A_104 = arith.constant dense<0x7F800000> : vector<200xf32>
    %reduce_min3A_105 = vector.multi_reduction <minimumf>, %select_n3A_103, %reduce_min3A_104 [1] : vector<200x5000xf32> to vector<200xf32>
    %broadcast_in_dim3A_106 = vector.shape_cast %reduce_min3A_105 : vector<200xf32> to vector<200x1xf32>
    %swap3A_107 = arith.constant 0 : index
    %swap3A_108 = arith.constant 4 : index
    %swap3A_109 = vector.load %arg4[%swap3A_107, %swap3A_108] : memref<200x10xf32, #tpu.memory_space<vmem>>, vector<200x1xf32>
    tpu.vector_store %arg4[%swap3A_107, %swap3A_108], %broadcast_in_dim3A_98 {strides = array<i32>} : memref<200x10xf32, #tpu.memory_space<vmem>>, vector<200x1xf32>,
    %convert_element_type3A_110 = arith.fptosi %broadcast_in_dim3A_106 : vector<200x1xf32> to vector<200x1xi32>
    %swap3A_111 = arith.constant 0 : index
    %swap3A_112 = arith.constant 4 : index
    %swap3A_113 = vector.load %arg5[%swap3A_111, %swap3A_112] : memref<200x10xi32, #tpu.memory_space<vmem>>, vector<200x1xi32>
    tpu.vector_store %arg5[%swap3A_111, %swap3A_112], %convert_element_type3A_110 {strides = array<i32>} : memref<200x10xi32, #tpu.memory_space<vmem>>, vector<200x1xi32>,
    %eq3A_114 = vector.broadcast %broadcast_in_dim3A_106 : vector<200x1xf32> to vector<200x5000xf32>
    %eq3A_115 = arith.cmpf oeq, %convert_element_type3A, %eq3A_114 : vector<200x5000xf32>
    %jit3A_116 = arith.constant -1.000000e+00 : f32
    %broadcast_in_dim3A_117 = vector.broadcast %jit3A_116 : f32 to vector<200x5000xf32>
    %select_n3A_118 = arith.select %eq3A_115, %broadcast_in_dim3A_117, %select_n3A_95 : vector<200x5000xi1>, vector<200x5000xf32>
    %reduce_max3A_119 = arith.constant dense<0xFF800000> : vector<200xf32>
    %reduce_max3A_120 = vector.multi_reduction <maximumf>, %select_n3A_118, %reduce_max3A_119 [1] : vector<200x5000xf32> to vector<200xf32>
    %broadcast_in_dim3A_121 = vector.shape_cast %reduce_max3A_120 : vector<200xf32> to vector<200x1xf32>
    %eq3A_122 = vector.broadcast %broadcast_in_dim3A_121 : vector<200x1xf32> to vector<200x5000xf32>
    %eq3A_123 = arith.cmpf oeq, %select_n3A_118, %eq3A_122 : vector<200x5000xf32>
    %jit3A_124 = arith.constant 5.000000e+03 : f32
    %broadcast_in_dim3A_125 = vector.broadcast %jit3A_124 : f32 to vector<200x5000xf32>
    %select_n3A_126 = arith.select %eq3A_123, %convert_element_type3A, %broadcast_in_dim3A_125 : vector<200x5000xi1>, vector<200x5000xf32>
    %reduce_min3A_127 = arith.constant dense<0x7F800000> : vector<200xf32>
    %reduce_min3A_128 = vector.multi_reduction <minimumf>, %select_n3A_126, %reduce_min3A_127 [1] : vector<200x5000xf32> to vector<200xf32>
    %broadcast_in_dim3A_129 = vector.shape_cast %reduce_min3A_128 : vector<200xf32> to vector<200x1xf32>
    %swap3A_130 = arith.constant 0 : index
    %swap3A_131 = arith.constant 5 : index
    %swap3A_132 = vector.load %arg4[%swap3A_130, %swap3A_131] : memref<200x10xf32, #tpu.memory_space<vmem>>, vector<200x1xf32>
    tpu.vector_store %arg4[%swap3A_130, %swap3A_131], %broadcast_in_dim3A_121 {strides = array<i32>} : memref<200x10xf32, #tpu.memory_space<vmem>>, vector<200x1xf32>,
    %convert_element_type3A_133 = arith.fptosi %broadcast_in_dim3A_129 : vector<200x1xf32> to vector<200x1xi32>
    %swap3A_134 = arith.constant 0 : index
    %swap3A_135 = arith.constant 5 : index
    %swap3A_136 = vector.load %arg5[%swap3A_134, %swap3A_135] : memref<200x10xi32, #tpu.memory_space<vmem>>, vector<200x1xi32>
    tpu.vector_store %arg5[%swap3A_134, %swap3A_135], %convert_element_type3A_133 {strides = array<i32>} : memref<200x10xi32, #tpu.memory_space<vmem>>, vector<200x1xi32>,
    %eq3A_137 = vector.broadcast %broadcast_in_dim3A_129 : vector<200x1xf32> to vector<200x5000xf32>
    %eq3A_138 = arith.cmpf oeq, %convert_element_type3A, %eq3A_137 : vector<200x5000xf32>
    %jit3A_139 = arith.constant -1.000000e+00 : f32
    %broadcast_in_dim3A_140 = vector.broadcast %jit3A_139 : f32 to vector<200x5000xf32>
    %select_n3A_141 = arith.select %eq3A_138, %broadcast_in_dim3A_140, %select_n3A_118 : vector<200x5000xi1>, vector<200x5000xf32>
    %reduce_max3A_142 = arith.constant dense<0xFF800000> : vector<200xf32>
    %reduce_max3A_143 = vector.multi_reduction <maximumf>, %select_n3A_141, %reduce_max3A_142 [1] : vector<200x5000xf32> to vector<200xf32>
    %broadcast_in_dim3A_144 = vector.shape_cast %reduce_max3A_143 : vector<200xf32> to vector<200x1xf32>
    %eq3A_145 = vector.broadcast %broadcast_in_dim3A_144 : vector<200x1xf32> to vector<200x5000xf32>
    %eq3A_146 = arith.cmpf oeq, %select_n3A_141, %eq3A_145 : vector<200x5000xf32>
    %jit3A_147 = arith.constant 5.000000e+03 : f32
    %broadcast_in_dim3A_148 = vector.broadcast %jit3A_147 : f32 to vector<200x5000xf32>
    %select_n3A_149 = arith.select %eq3A_146, %convert_element_type3A, %broadcast_in_dim3A_148 : vector<200x5000xi1>, vector<200x5000xf32>
    %reduce_min3A_150 = arith.constant dense<0x7F800000> : vector<200xf32>
    %reduce_min3A_151 = vector.multi_reduction <minimumf>, %select_n3A_149, %reduce_min3A_150 [1] : vector<200x5000xf32> to vector<200xf32>
    %broadcast_in_dim3A_152 = vector.shape_cast %reduce_min3A_151 : vector<200xf32> to vector<200x1xf32>
    %swap3A_153 = arith.constant 0 : index
    %swap3A_154 = arith.constant 6 : index
    %swap3A_155 = vector.load %arg4[%swap3A_153, %swap3A_154] : memref<200x10xf32, #tpu.memory_space<vmem>>, vector<200x1xf32>
    tpu.vector_store %arg4[%swap3A_153, %swap3A_154], %broadcast_in_dim3A_144 {strides = array<i32>} : memref<200x10xf32, #tpu.memory_space<vmem>>, vector<200x1xf32>,
    %convert_element_type3A_156 = arith.fptosi %broadcast_in_dim3A_152 : vector<200x1xf32> to vector<200x1xi32>
    %swap3A_157 = arith.constant 0 : index
    %swap3A_158 = arith.constant 6 : index
    %swap3A_159 = vector.load %arg5[%swap3A_157, %swap3A_158] : memref<200x10xi32, #tpu.memory_space<vmem>>, vector<200x1xi32>
    tpu.vector_store %arg5[%swap3A_157, %swap3A_158], %convert_element_type3A_156 {strides = array<i32>} : memref<200x10xi32, #tpu.memory_space<vmem>>, vector<200x1xi32>,
    %eq3A_160 = vector.broadcast %broadcast_in_dim3A_152 : vector<200x1xf32> to vector<200x5000xf32>
    %eq3A_161 = arith.cmpf oeq, %convert_element_type3A, %eq3A_160 : vector<200x5000xf32>
    %jit3A_162 = arith.constant -1.000000e+00 : f32
    %broadcast_in_dim3A_163 = vector.broadcast %jit3A_162 : f32 to vector<200x5000xf32>
    %select_n3A_164 = arith.select %eq3A_161, %broadcast_in_dim3A_163, %select_n3A_141 : vector<200x5000xi1>, vector<200x5000xf32>
    %reduce_max3A_165 = arith.constant dense<0xFF800000> : vector<200xf32>
    %reduce_max3A_166 = vector.multi_reduction <maximumf>, %select_n3A_164, %reduce_max3A_165 [1] : vector<200x5000xf32> to vector<200xf32>
    %broadcast_in_dim3A_167 = vector.shape_cast %reduce_max3A_166 : vector<200xf32> to vector<200x1xf32>
    %eq3A_168 = vector.broadcast %broadcast_in_dim3A_167 : vector<200x1xf32> to vector<200x5000xf32>
    %eq3A_169 = arith.cmpf oeq, %select_n3A_164, %eq3A_168 : vector<200x5000xf32>
    %jit3A_170 = arith.constant 5.000000e+03 : f32
    %broadcast_in_dim3A_171 = vector.broadcast %jit3A_170 : f32 to vector<200x5000xf32>
    %select_n3A_172 = arith.select %eq3A_169, %convert_element_type3A, %broadcast_in_dim3A_171 : vector<200x5000xi1>, vector<200x5000xf32>
    %reduce_min3A_173 = arith.constant dense<0x7F800000> : vector<200xf32>
    %reduce_min3A_174 = vector.multi_reduction <minimumf>, %select_n3A_172, %reduce_min3A_173 [1] : vector<200x5000xf32> to vector<200xf32>
    %broadcast_in_dim3A_175 = vector.shape_cast %reduce_min3A_174 : vector<200xf32> to vector<200x1xf32>
    %swap3A_176 = arith.constant 0 : index
    %swap3A_177 = arith.constant 7 : index
    %swap3A_178 = vector.load %arg4[%swap3A_176, %swap3A_177] : memref<200x10xf32, #tpu.memory_space<vmem>>, vector<200x1xf32>
    tpu.vector_store %arg4[%swap3A_176, %swap3A_177], %broadcast_in_dim3A_167 {strides = array<i32>} : memref<200x10xf32, #tpu.memory_space<vmem>>, vector<200x1xf32>,
    %convert_element_type3A_179 = arith.fptosi %broadcast_in_dim3A_175 : vector<200x1xf32> to vector<200x1xi32>
    %swap3A_180 = arith.constant 0 : index
    %swap3A_181 = arith.constant 7 : index
    %swap3A_182 = vector.load %arg5[%swap3A_180, %swap3A_181] : memref<200x10xi32, #tpu.memory_space<vmem>>, vector<200x1xi32>
    tpu.vector_store %arg5[%swap3A_180, %swap3A_181], %convert_element_type3A_179 {strides = array<i32>} : memref<200x10xi32, #tpu.memory_space<vmem>>, vector<200x1xi32>,
    %eq3A_183 = vector.broadcast %broadcast_in_dim3A_175 : vector<200x1xf32> to vector<200x5000xf32>
    %eq3A_184 = arith.cmpf oeq, %convert_element_type3A, %eq3A_183 : vector<200x5000xf32>
    %jit3A_185 = arith.constant -1.000000e+00 : f32
    %broadcast_in_dim3A_186 = vector.broadcast %jit3A_185 : f32 to vector<200x5000xf32>
    %select_n3A_187 = arith.select %eq3A_184, %broadcast_in_dim3A_186, %select_n3A_164 : vector<200x5000xi1>, vector<200x5000xf32>
    %reduce_max3A_188 = arith.constant dense<0xFF800000> : vector<200xf32>
    %reduce_max3A_189 = vector.multi_reduction <maximumf>, %select_n3A_187, %reduce_max3A_188 [1] : vector<200x5000xf32> to vector<200xf32>
    %broadcast_in_dim3A_190 = vector.shape_cast %reduce_max3A_189 : vector<200xf32> to vector<200x1xf32>
    %eq3A_191 = vector.broadcast %broadcast_in_dim3A_190 : vector<200x1xf32> to vector<200x5000xf32>
    %eq3A_192 = arith.cmpf oeq, %select_n3A_187, %eq3A_191 : vector<200x5000xf32>
    %jit3A_193 = arith.constant 5.000000e+03 : f32
    %broadcast_in_dim3A_194 = vector.broadcast %jit3A_193 : f32 to vector<200x5000xf32>
    %select_n3A_195 = arith.select %eq3A_192, %convert_element_type3A, %broadcast_in_dim3A_194 : vector<200x5000xi1>, vector<200x5000xf32>
    %reduce_min3A_196 = arith.constant dense<0x7F800000> : vector<200xf32>
    %reduce_min3A_197 = vector.multi_reduction <minimumf>, %select_n3A_195, %reduce_min3A_196 [1] : vector<200x5000xf32> to vector<200xf32>
    %broadcast_in_dim3A_198 = vector.shape_cast %reduce_min3A_197 : vector<200xf32> to vector<200x1xf32>
    %swap3A_199 = arith.constant 0 : index
    %swap3A_200 = arith.constant 8 : index
    %swap3A_201 = vector.load %arg4[%swap3A_199, %swap3A_200] : memref<200x10xf32, #tpu.memory_space<vmem>>, vector<200x1xf32>
    tpu.vector_store %arg4[%swap3A_199, %swap3A_200], %broadcast_in_dim3A_190 {strides = array<i32>} : memref<200x10xf32, #tpu.memory_space<vmem>>, vector<200x1xf32>,
    %convert_element_type3A_202 = arith.fptosi %broadcast_in_dim3A_198 : vector<200x1xf32> to vector<200x1xi32>
    %swap3A_203 = arith.constant 0 : index
    %swap3A_204 = arith.constant 8 : index
    %swap3A_205 = vector.load %arg5[%swap3A_203, %swap3A_204] : memref<200x10xi32, #tpu.memory_space<vmem>>, vector<200x1xi32>
    tpu.vector_store %arg5[%swap3A_203, %swap3A_204], %convert_element_type3A_202 {strides = array<i32>} : memref<200x10xi32, #tpu.memory_space<vmem>>, vector<200x1xi32>,
    %eq3A_206 = vector.broadcast %broadcast_in_dim3A_198 : vector<200x1xf32> to vector<200x5000xf32>
    %eq3A_207 = arith.cmpf oeq, %convert_element_type3A, %eq3A_206 : vector<200x5000xf32>
    %jit3A_208 = arith.constant -1.000000e+00 : f32
    %broadcast_in_dim3A_209 = vector.broadcast %jit3A_208 : f32 to vector<200x5000xf32>
    %select_n3A_210 = arith.select %eq3A_207, %broadcast_in_dim3A_209, %select_n3A_187 : vector<200x5000xi1>, vector<200x5000xf32>
    %reduce_max3A_211 = arith.constant dense<0xFF800000> : vector<200xf32>
    %reduce_max3A_212 = vector.multi_reduction <maximumf>, %select_n3A_210, %reduce_max3A_211 [1] : vector<200x5000xf32> to vector<200xf32>
    %broadcast_in_dim3A_213 = vector.shape_cast %reduce_max3A_212 : vector<200xf32> to vector<200x1xf32>
    %eq3A_214 = vector.broadcast %broadcast_in_dim3A_213 : vector<200x1xf32> to vector<200x5000xf32>
    %eq3A_215 = arith.cmpf oeq, %select_n3A_210, %eq3A_214 : vector<200x5000xf32>
    %jit3A_216 = arith.constant 5.000000e+03 : f32
    %broadcast_in_dim3A_217 = vector.broadcast %jit3A_216 : f32 to vector<200x5000xf32>
    %select_n3A_218 = arith.select %eq3A_215, %convert_element_type3A, %broadcast_in_dim3A_217 : vector<200x5000xi1>, vector<200x5000xf32>
    %reduce_min3A_219 = arith.constant dense<0x7F800000> : vector<200xf32>
    %reduce_min3A_220 = vector.multi_reduction <minimumf>, %select_n3A_218, %reduce_min3A_219 [1] : vector<200x5000xf32> to vector<200xf32>
    %broadcast_in_dim3A_221 = vector.shape_cast %reduce_min3A_220 : vector<200xf32> to vector<200x1xf32>
    %swap3A_222 = arith.constant 0 : index
    %swap3A_223 = arith.constant 9 : index
    %swap3A_224 = vector.load %arg4[%swap3A_222, %swap3A_223] : memref<200x10xf32, #tpu.memory_space<vmem>>, vector<200x1xf32>
    tpu.vector_store %arg4[%swap3A_222, %swap3A_223], %broadcast_in_dim3A_213 {strides = array<i32>} : memref<200x10xf32, #tpu.memory_space<vmem>>, vector<200x1xf32>,
    %convert_element_type3A_225 = arith.fptosi %broadcast_in_dim3A_221 : vector<200x1xf32> to vector<200x1xi32>
    %swap3A_226 = arith.constant 0 : index
    %swap3A_227 = arith.constant 9 : index
    %swap3A_228 = vector.load %arg5[%swap3A_226, %swap3A_227] : memref<200x10xi32, #tpu.memory_space<vmem>>, vector<200x1xi32>
    tpu.vector_store %arg5[%swap3A_226, %swap3A_227], %convert_element_type3A_225 {strides = array<i32>} : memref<200x10xi32, #tpu.memory_space<vmem>>, vector<200x1xi32>,
    return
  }
  func.func @transform_0(%arg0: i32) -> (i32, i32) {
    %add3A = arith.constant 0 : i32
    %add3A_0 = arith.addi %arg0, %add3A : i32
    %c0_i32 = arith.constant 0 : i32
    %c0_i32_1 = arith.constant 0 : i32
    return %add3A_0, %c0_i32 : i32, i32
  }
  func.func @transform_1(%arg0: i32) -> (i32, i32) {
    %c0_i32 = arith.constant 0 : i32
    %c0_i32_0 = arith.constant 0 : i32
    %c0_i32_1 = arith.constant 0 : i32
    return %c0_i32, %c0_i32_0 : i32, i32
  }
  func.func @transform_2(%arg0: i32) -> (i32, i32) {
    %add3A = arith.constant 0 : i32
    %add3A_0 = arith.addi %arg0, %add3A : i32
    %c0_i32 = arith.constant 0 : i32
    %c0_i32_1 = arith.constant 0 : i32
    return %add3A_0, %c0_i32 : i32, i32
  }
  func.func @transform_3(%arg0: i32) -> (i32, i32) {
    %c0_i32 = arith.constant 0 : i32
    %c0_i32_0 = arith.constant 0 : i32
    return %arg0, %c0_i32 : i32, i32
  }
  func.func @transform_4(%arg0: i32) -> (i32, i32) {
    %c0_i32 = arith.constant 0 : i32
    %c0_i32_0 = arith.constant 0 : i32
    return %arg0, %c0_i32 : i32, i32
  }
}

module attributes {stable_mosaic.version = 14 : i64} {
  func.func @_cur_body(%arg0: i32, %arg1: memref<1000x256xf32, #tpu.memory_space<vmem>>, %arg2: memref<1000x128xf32, #tpu.memory_space<vmem>>, %arg3: memref<256x256xf32, #tpu.memory_space<vmem>>, %arg4: memref<1x256xf32, #tpu.memory_space<vmem>>, %arg5: memref<256x256xf32, #tpu.memory_space<vmem>>, %arg6: memref<1x256xf32, #tpu.memory_space<vmem>>, %arg7: memref<1000x256xf32, #tpu.memory_space<vmem>>) attributes {dimension_semantics = [#tpu.dimension_semantics<arbitrary>], iteration_bounds = array<i64: 5>, scalar_prefetch = 0 : i64, scratch_operands = 0 : i64, tpu.core_type = #tpu.core_type<tc>, window_params = [{transform_indices = @transform_0, window_bounds = array<i64: 1000, 256>}, {transform_indices = @transform_1, window_bounds = array<i64: 1000, 128>}, {pipeline_mode = #tpu.pipeline_mode<synchronous>, transform_indices = @transform_2, window_bounds = array<i64: 256, 256>}, {pipeline_mode = #tpu.pipeline_mode<synchronous>, transform_indices = @transform_3, window_bounds = array<i64: 1, 256>}, {pipeline_mode = #tpu.pipeline_mode<synchronous>, transform_indices = @transform_4, window_bounds = array<i64: 256, 256>}, {pipeline_mode = #tpu.pipeline_mode<synchronous>, transform_indices = @transform_5, window_bounds = array<i64: 1, 256>}, {transform_indices = @transform_6, window_bounds = array<i64: 1000, 256>}]} {
    %get3A = arith.constant 0 : index
    %get3A_0 = arith.constant 4 : index
    %get3A_1 = vector.load %arg2[%get3A, %get3A_0] : memref<1000x128xf32, #tpu.memory_space<vmem>>, vector<1000x1xf32>
    %sub3A = arith.constant 1.000000e+00 : f32
    %sub3A_2 = vector.broadcast %sub3A : f32 to vector<1000x1xf32>
    %sub3A_3 = arith.subf %sub3A_2, %get3A_1 : vector<1000x1xf32>
    %get3A_4 = arith.constant 0 : index
    %get3A_5 = arith.constant 0 : index
    %get3A_6 = vector.load %arg1[%get3A_4, %get3A_5] : memref<1000x256xf32, #tpu.memory_space<vmem>>, vector<1000x256xf32>
    %get3A_7 = arith.constant 0 : index
    %get3A_8 = arith.constant 0 : index
    %get3A_9 = vector.load %arg3[%get3A_7, %get3A_8] : memref<256x256xf32, #tpu.memory_space<vmem>>, vector<256x256xf32>
    %dot_general3A = arith.constant dense<0.000000e+00> : vector<1000x256xf32>
    %dot_general3A_10 = tpu.matmul %get3A_6, %get3A_9, %dot_general3A {dimension_numbers = #tpu.dot_dimension_numbers<[1], [0], [0], [1], [0, 0, 1, 1], [], []>, transpose_lhs_hint = false} : vector<1000x256xf32>, vector<256x256xf32>, vector<1000x256xf32> -> vector<1000x256xf32>
    %get3A_11 = arith.constant 0 : index
    %get3A_12 = arith.constant 0 : index
    %get3A_13 = vector.load %arg4[%get3A_11, %get3A_12] : memref<1x256xf32, #tpu.memory_space<vmem>>, vector<1x256xf32>
    %add3A = vector.broadcast %get3A_13 : vector<1x256xf32> to vector<1000x256xf32>
    %add3A_14 = arith.addf %dot_general3A_10, %add3A : vector<1000x256xf32>
    %max3A = arith.constant 0.000000e+00 : f32
    %max3A_15 = vector.broadcast %max3A : f32 to vector<1000x256xf32>
    %max3A_16 = arith.maximumf %add3A_14, %max3A_15 : vector<1000x256xf32>
    %get3A_17 = arith.constant 0 : index
    %get3A_18 = arith.constant 0 : index
    %get3A_19 = vector.load %arg5[%get3A_17, %get3A_18] : memref<256x256xf32, #tpu.memory_space<vmem>>, vector<256x256xf32>
    %dot_general3A_20 = arith.constant dense<0.000000e+00> : vector<1000x256xf32>
    %dot_general3A_21 = tpu.matmul %max3A_16, %get3A_19, %dot_general3A_20 {dimension_numbers = #tpu.dot_dimension_numbers<[1], [0], [0], [1], [0, 0, 1, 1], [], []>, transpose_lhs_hint = false} : vector<1000x256xf32>, vector<256x256xf32>, vector<1000x256xf32> -> vector<1000x256xf32>
    %get3A_22 = arith.constant 0 : index
    %get3A_23 = arith.constant 0 : index
    %get3A_24 = vector.load %arg6[%get3A_22, %get3A_23] : memref<1x256xf32, #tpu.memory_space<vmem>>, vector<1x256xf32>
    %add3A_25 = vector.broadcast %get3A_24 : vector<1x256xf32> to vector<1000x256xf32>
    %add3A_26 = arith.addf %dot_general3A_21, %add3A_25 : vector<1000x256xf32>
    %mul3A = vector.broadcast %sub3A_3 : vector<1000x1xf32> to vector<1000x256xf32>
    %mul3A_27 = arith.mulf %add3A_26, %mul3A : vector<1000x256xf32>
    %swap3A = arith.constant 0 : index
    %swap3A_28 = arith.constant 0 : index
    %swap3A_29 = vector.load %arg7[%swap3A, %swap3A_28] : memref<1000x256xf32, #tpu.memory_space<vmem>>, vector<1000x256xf32>
    tpu.vector_store %arg7[%swap3A, %swap3A_28], %mul3A_27 {strides = array<i32>} : memref<1000x256xf32, #tpu.memory_space<vmem>>, vector<1000x256xf32>,
    return
  }
  func.func @transform_0(%arg0: i32) -> (i32, i32) {
    %c0_i32 = arith.constant 0 : i32
    %c0_i32_0 = arith.constant 0 : i32
    return %arg0, %c0_i32 : i32, i32
  }
  func.func @transform_1(%arg0: i32) -> (i32, i32) {
    %c0_i32 = arith.constant 0 : i32
    %c0_i32_0 = arith.constant 0 : i32
    return %arg0, %c0_i32 : i32, i32
  }
  func.func @transform_2(%arg0: i32) -> (i32, i32) {
    %c0_i32 = arith.constant 0 : i32
    %c0_i32_0 = arith.constant 0 : i32
    %c0_i32_1 = arith.constant 0 : i32
    return %c0_i32, %c0_i32_0 : i32, i32
  }
  func.func @transform_3(%arg0: i32) -> (i32, i32) {
    %c0_i32 = arith.constant 0 : i32
    %c0_i32_0 = arith.constant 0 : i32
    %c0_i32_1 = arith.constant 0 : i32
    return %c0_i32, %c0_i32_0 : i32, i32
  }
  func.func @transform_4(%arg0: i32) -> (i32, i32) {
    %c0_i32 = arith.constant 0 : i32
    %c0_i32_0 = arith.constant 0 : i32
    %c0_i32_1 = arith.constant 0 : i32
    return %c0_i32, %c0_i32_0 : i32, i32
  }
  func.func @transform_5(%arg0: i32) -> (i32, i32) {
    %c0_i32 = arith.constant 0 : i32
    %c0_i32_0 = arith.constant 0 : i32
    %c0_i32_1 = arith.constant 0 : i32
    return %c0_i32, %c0_i32_0 : i32, i32
  }
  func.func @transform_6(%arg0: i32) -> (i32, i32) {
    %c0_i32 = arith.constant 0 : i32
    %c0_i32_0 = arith.constant 0 : i32
    return %arg0, %c0_i32 : i32, i32
  }
}

module attributes {stable_mosaic.version = 14 : i64} {
  func.func @_mlp_body(%arg0: i32, %arg1: memref<200x128xf32, #tpu.memory_space<vmem>>, %arg2: memref<200x10xf32, #tpu.memory_space<vmem>>, %arg3: memref<200x1280xf32, #tpu.memory_space<vmem>>, %arg4: memref<576x256xf32, #tpu.memory_space<vmem>>, %arg5: memref<1x256xf32, #tpu.memory_space<vmem>>, %arg6: memref<1x256xf32, #tpu.memory_space<vmem>>, %arg7: memref<256x256xf32, #tpu.memory_space<vmem>>, %arg8: memref<1x256xf32, #tpu.memory_space<vmem>>, %arg9: memref<200x256xf32, #tpu.memory_space<vmem>>, %arg10: memref<256x256xf32, #tpu.memory_space<vmem>>, %arg11: memref<1x256xf32, #tpu.memory_space<vmem>>, %arg12: memref<1x128xf32, #tpu.memory_space<vmem>>, %arg13: memref<200x256xf32, #tpu.memory_space<vmem>>) attributes {dimension_semantics = [#tpu.dimension_semantics<arbitrary>], iteration_bounds = array<i64: 25>, scalar_prefetch = 0 : i64, scratch_operands = 0 : i64, tpu.core_type = #tpu.core_type<tc>, window_params = [{transform_indices = @transform_0, window_bounds = array<i64: 200, 128>}, {transform_indices = @transform_1, window_bounds = array<i64: 200, 10>}, {transform_indices = @transform_2, window_bounds = array<i64: 200, 1280>}, {pipeline_mode = #tpu.pipeline_mode<synchronous>, transform_indices = @transform_3, window_bounds = array<i64: 576, 256>}, {pipeline_mode = #tpu.pipeline_mode<synchronous>, transform_indices = @transform_4, window_bounds = array<i64: 1, 256>}, {pipeline_mode = #tpu.pipeline_mode<synchronous>, transform_indices = @transform_5, window_bounds = array<i64: 1, 256>}, {pipeline_mode = #tpu.pipeline_mode<synchronous>, transform_indices = @transform_6, window_bounds = array<i64: 256, 256>}, {pipeline_mode = #tpu.pipeline_mode<synchronous>, transform_indices = @transform_7, window_bounds = array<i64: 1, 256>}, {transform_indices = @transform_8, window_bounds = array<i64: 200, 256>}, {pipeline_mode = #tpu.pipeline_mode<synchronous>, transform_indices = @transform_9, window_bounds = array<i64: 256, 256>}, {pipeline_mode = #tpu.pipeline_mode<synchronous>, transform_indices = @transform_10, window_bounds = array<i64: 1, 256>}, {pipeline_mode = #tpu.pipeline_mode<synchronous>, transform_indices = @transform_11, window_bounds = array<i64: 1, 128>}, {transform_indices = @transform_12, window_bounds = array<i64: 200, 256>}]} {
    %get3A = arith.constant 0 : index
    %get3A_0 = arith.constant 0 : index
    %get3A_1 = vector.load %arg1[%get3A, %get3A_0] : memref<200x128xf32, #tpu.memory_space<vmem>>, vector<200x128xf32>
    %slice3A = vector.extract_strided_slice %get3A_1 {offsets = [0, 0], sizes = [200, 1], strides = [1, 1]} : vector<200x128xf32> to vector<200x1xf32>
    %slice3A_2 = vector.extract_strided_slice %get3A_1 {offsets = [0, 1], sizes = [200, 1], strides = [1, 1]} : vector<200x128xf32> to vector<200x1xf32>
    %slice3A_3 = vector.extract_strided_slice %get3A_1 {offsets = [0, 2], sizes = [200, 1], strides = [1, 1]} : vector<200x128xf32> to vector<200x1xf32>
    %slice3A_4 = vector.extract_strided_slice %get3A_1 {offsets = [0, 3], sizes = [200, 1], strides = [1, 1]} : vector<200x128xf32> to vector<200x1xf32>
    %slice3A_5 = vector.extract_strided_slice %get3A_1 {offsets = [0, 4], sizes = [200, 1], strides = [1, 1]} : vector<200x128xf32> to vector<200x1xf32>
    %sub3A = arith.constant 1.000000e+00 : f32
    %sub3A_6 = vector.broadcast %sub3A : f32 to vector<200x1xf32>
    %sub3A_7 = arith.subf %sub3A_6, %slice3A_5 : vector<200x1xf32>
    %get3A_8 = arith.constant 0 : index
    %get3A_9 = arith.constant 0 : index
    %get3A_10 = vector.load %arg12[%get3A_8, %get3A_9] : memref<1x128xf32, #tpu.memory_space<vmem>>, vector<1x128xf32>
    %get3A_11 = arith.constant 0 : index
    %get3A_12 = arith.constant 0 : index
    %get3A_13 = vector.load %arg3[%get3A_11, %get3A_12] : memref<200x1280xf32, #tpu.memory_space<vmem>>, vector<200x128xf32>
    %get3A_14 = arith.constant 0 : index
    %get3A_15 = arith.constant 0 : index
    %get3A_16 = vector.load %arg2[%get3A_14, %get3A_15] : memref<200x10xf32, #tpu.memory_space<vmem>>, vector<200x1xf32>
    %slice3A_17 = vector.extract_strided_slice %get3A_13 {offsets = [0, 4], sizes = [200, 1], strides = [1, 1]} : vector<200x128xf32> to vector<200x1xf32>
    %slice3A_18 = vector.extract_strided_slice %get3A_13 {offsets = [0, 5], sizes = [200, 1], strides = [1, 1]} : vector<200x128xf32> to vector<200x1xf32>
    %ge3A = arith.constant 4.000000e-01 : f32
    %ge3A_19 = vector.broadcast %ge3A : f32 to vector<200x1xf32>
    %ge3A_20 = arith.cmpf oge, %get3A_16, %ge3A_19 : vector<200x1xf32>
    %convert_element_type3A = arith.extui %ge3A_20 : vector<200x1xi1> to vector<200x1xi32>
    %convert_element_type3A_21 = arith.sitofp %convert_element_type3A : vector<200x1xi32> to vector<200x1xf32>
    %mul3A = arith.mulf %slice3A_17, %convert_element_type3A_21 : vector<200x1xf32>
    %slice3A_22 = vector.extract_strided_slice %get3A_13 {offsets = [0, 0], sizes = [200, 1], strides = [1, 1]} : vector<200x128xf32> to vector<200x1xf32>
    %sub3A_23 = arith.subf %slice3A_22, %slice3A : vector<200x1xf32>
    %abs3A = math.absf %sub3A_23 : vector<200x1xf32>
    %max3A = arith.constant 1.000000e-07 : f32
    %max3A_24 = vector.broadcast %max3A : f32 to vector<200x1xf32>
    %max3A_25 = arith.maximumf %abs3A, %max3A_24 : vector<200x1xf32>
    %log3A = math.log %max3A_25 : vector<200x1xf32>
    %slice3A_26 = vector.extract_strided_slice %get3A_13 {offsets = [0, 1], sizes = [200, 1], strides = [1, 1]} : vector<200x128xf32> to vector<200x1xf32>
    %sub3A_27 = arith.subf %slice3A_26, %slice3A_2 : vector<200x1xf32>
    %abs3A_28 = math.absf %sub3A_27 : vector<200x1xf32>
    %max3A_29 = arith.constant 1.000000e-07 : f32
    %max3A_30 = vector.broadcast %max3A_29 : f32 to vector<200x1xf32>
    %max3A_31 = arith.maximumf %abs3A_28, %max3A_30 : vector<200x1xf32>
    %log3A_32 = math.log %max3A_31 : vector<200x1xf32>
    %slice3A_33 = vector.extract_strided_slice %get3A_13 {offsets = [0, 2], sizes = [200, 1], strides = [1, 1]} : vector<200x128xf32> to vector<200x1xf32>
    %sub3A_34 = arith.subf %slice3A_33, %slice3A_3 : vector<200x1xf32>
    %abs3A_35 = math.absf %sub3A_34 : vector<200x1xf32>
    %max3A_36 = arith.constant 1.000000e-07 : f32
    %max3A_37 = vector.broadcast %max3A_36 : f32 to vector<200x1xf32>
    %max3A_38 = arith.maximumf %abs3A_35, %max3A_37 : vector<200x1xf32>
    %log3A_39 = math.log %max3A_38 : vector<200x1xf32>
    %slice3A_40 = vector.extract_strided_slice %get3A_13 {offsets = [0, 3], sizes = [200, 1], strides = [1, 1]} : vector<200x128xf32> to vector<200x1xf32>
    %sub3A_41 = arith.subf %slice3A_40, %slice3A_4 : vector<200x1xf32>
    %abs3A_42 = math.absf %sub3A_41 : vector<200x1xf32>
    %max3A_43 = arith.constant 1.000000e-07 : f32
    %max3A_44 = vector.broadcast %max3A_43 : f32 to vector<200x1xf32>
    %max3A_45 = arith.maximumf %abs3A_42, %max3A_44 : vector<200x1xf32>
    %log3A_46 = math.log %max3A_45 : vector<200x1xf32>
    %mul3A_47 = arith.mulf %sub3A_7, %slice3A_18 : vector<200x1xf32>
    %mul3A_48 = arith.mulf %mul3A_47, %mul3A : vector<200x1xf32>
    %mul3A_49 = arith.constant 6.28318548 : f32
    %mul3A_50 = vector.broadcast %mul3A_49 : f32 to vector<200x1xf32>
    %mul3A_51 = arith.mulf %mul3A_50, %log3A : vector<200x1xf32>
    %mul3A_52 = vector.broadcast %mul3A_51 : vector<200x1xf32> to vector<200x128xf32>
    %mul3A_53 = vector.broadcast %get3A_10 : vector<1x128xf32> to vector<200x128xf32>
    %mul3A_54 = arith.mulf %mul3A_52, %mul3A_53 : vector<200x128xf32>
    %mul3A_55 = arith.constant 0.159154937 : f32
    %mul3A_56 = vector.broadcast %mul3A_55 : f32 to vector<200x128xf32>
    %mul3A_57 = arith.mulf %mul3A_54, %mul3A_56 : vector<200x128xf32>
    %round3A = math.roundeven %mul3A_57 : vector<200x128xf32>
    %mul3A_58 = arith.constant 6.28318548 : f32
    %mul3A_59 = vector.broadcast %mul3A_58 : f32 to vector<200x128xf32>
    %mul3A_60 = arith.mulf %round3A, %mul3A_59 : vector<200x128xf32>
    %sub3A_61 = arith.subf %mul3A_54, %mul3A_60 : vector<200x128xf32>
    %mul3A_62 = arith.constant -1.74845553E-7 : f32
    %mul3A_63 = vector.broadcast %mul3A_62 : f32 to vector<200x128xf32>
    %mul3A_64 = arith.mulf %round3A, %mul3A_63 : vector<200x128xf32>
    %sub3A_65 = arith.subf %sub3A_61, %mul3A_64 : vector<200x128xf32>
    %mul3A_66 = arith.mulf %sub3A_65, %sub3A_65 : vector<200x128xf32>
    %mul3A_67 = arith.constant -2.03622115E-8 : f32
    %mul3A_68 = vector.broadcast %mul3A_67 : f32 to vector<200x128xf32>
    %mul3A_69 = arith.mulf %mul3A_68, %mul3A_66 : vector<200x128xf32>
    %add3A = arith.constant 2.69971383E-6 : f32
    %add3A_70 = vector.broadcast %add3A : f32 to vector<200x128xf32>
    %add3A_71 = arith.addf %mul3A_69, %add3A_70 : vector<200x128xf32>
    %mul3A_72 = arith.mulf %add3A_71, %mul3A_66 : vector<200x128xf32>
    %add3A_73 = arith.constant -1.98086331E-4 : f32
    %add3A_74 = vector.broadcast %add3A_73 : f32 to vector<200x128xf32>
    %add3A_75 = arith.addf %mul3A_72, %add3A_74 : vector<200x128xf32>
    %mul3A_76 = arith.mulf %add3A_75, %mul3A_66 : vector<200x128xf32>
    %add3A_77 = arith.constant 0.00833240337 : f32
    %add3A_78 = vector.broadcast %add3A_77 : f32 to vector<200x128xf32>
    %add3A_79 = arith.addf %mul3A_76, %add3A_78 : vector<200x128xf32>
    %mul3A_80 = arith.mulf %add3A_79, %mul3A_66 : vector<200x128xf32>
    %add3A_81 = arith.constant -0.166665524 : f32
    %add3A_82 = vector.broadcast %add3A_81 : f32 to vector<200x128xf32>
    %add3A_83 = arith.addf %mul3A_80, %add3A_82 : vector<200x128xf32>
    %mul3A_84 = arith.mulf %add3A_83, %mul3A_66 : vector<200x128xf32>
    %add3A_85 = arith.constant 0.999999582 : f32
    %add3A_86 = vector.broadcast %add3A_85 : f32 to vector<200x128xf32>
    %add3A_87 = arith.addf %mul3A_84, %add3A_86 : vector<200x128xf32>
    %mul3A_88 = arith.mulf %add3A_87, %sub3A_65 : vector<200x128xf32>
    %mul3A_89 = vector.broadcast %mul3A_48 : vector<200x1xf32> to vector<200x128xf32>
    %mul3A_90 = arith.mulf %mul3A_88, %mul3A_89 : vector<200x128xf32>
    %mul3A_91 = arith.constant 6.28318548 : f32
    %mul3A_92 = vector.broadcast %mul3A_91 : f32 to vector<200x1xf32>
    %mul3A_93 = arith.mulf %mul3A_92, %log3A_32 : vector<200x1xf32>
    %mul3A_94 = vector.broadcast %mul3A_93 : vector<200x1xf32> to vector<200x128xf32>
    %mul3A_95 = vector.broadcast %get3A_10 : vector<1x128xf32> to vector<200x128xf32>
    %mul3A_96 = arith.mulf %mul3A_94, %mul3A_95 : vector<200x128xf32>
    %mul3A_97 = arith.constant 0.159154937 : f32
    %mul3A_98 = vector.broadcast %mul3A_97 : f32 to vector<200x128xf32>
    %mul3A_99 = arith.mulf %mul3A_96, %mul3A_98 : vector<200x128xf32>
    %round3A_100 = math.roundeven %mul3A_99 : vector<200x128xf32>
    %mul3A_101 = arith.constant 6.28318548 : f32
    %mul3A_102 = vector.broadcast %mul3A_101 : f32 to vector<200x128xf32>
    %mul3A_103 = arith.mulf %round3A_100, %mul3A_102 : vector<200x128xf32>
    %sub3A_104 = arith.subf %mul3A_96, %mul3A_103 : vector<200x128xf32>
    %mul3A_105 = arith.constant -1.74845553E-7 : f32
    %mul3A_106 = vector.broadcast %mul3A_105 : f32 to vector<200x128xf32>
    %mul3A_107 = arith.mulf %round3A_100, %mul3A_106 : vector<200x128xf32>
    %sub3A_108 = arith.subf %sub3A_104, %mul3A_107 : vector<200x128xf32>
    %mul3A_109 = arith.mulf %sub3A_108, %sub3A_108 : vector<200x128xf32>
    %mul3A_110 = arith.constant 1.72450665E-9 : f32
    %mul3A_111 = vector.broadcast %mul3A_110 : f32 to vector<200x128xf32>
    %mul3A_112 = arith.mulf %mul3A_111, %mul3A_109 : vector<200x128xf32>
    %add3A_113 = arith.constant -2.70790252E-7 : f32
    %add3A_114 = vector.broadcast %add3A_113 : f32 to vector<200x128xf32>
    %add3A_115 = arith.addf %mul3A_112, %add3A_114 : vector<200x128xf32>
    %mul3A_116 = arith.mulf %add3A_115, %mul3A_109 : vector<200x128xf32>
    %add3A_117 = arith.constant 2.47698827E-5 : f32
    %add3A_118 = vector.broadcast %add3A_117 : f32 to vector<200x128xf32>
    %add3A_119 = arith.addf %mul3A_116, %add3A_118 : vector<200x128xf32>
    %mul3A_120 = arith.mulf %add3A_119, %mul3A_109 : vector<200x128xf32>
    %add3A_121 = arith.constant -0.00138878042 : f32
    %add3A_122 = vector.broadcast %add3A_121 : f32 to vector<200x128xf32>
    %add3A_123 = arith.addf %mul3A_120, %add3A_122 : vector<200x128xf32>
    %mul3A_124 = arith.mulf %add3A_123, %mul3A_109 : vector<200x128xf32>
    %add3A_125 = arith.constant 0.0416664891 : f32
    %add3A_126 = vector.broadcast %add3A_125 : f32 to vector<200x128xf32>
    %add3A_127 = arith.addf %mul3A_124, %add3A_126 : vector<200x128xf32>
    %mul3A_128 = arith.mulf %add3A_127, %mul3A_109 : vector<200x128xf32>
    %add3A_129 = arith.constant -0.499999881 : f32
    %add3A_130 = vector.broadcast %add3A_129 : f32 to vector<200x128xf32>
    %add3A_131 = arith.addf %mul3A_128, %add3A_130 : vector<200x128xf32>
    %mul3A_132 = arith.mulf %add3A_131, %mul3A_109 : vector<200x128xf32>
    %add3A_133 = arith.constant 1.000000e+00 : f32
    %add3A_134 = vector.broadcast %add3A_133 : f32 to vector<200x128xf32>
    %add3A_135 = arith.addf %mul3A_132, %add3A_134 : vector<200x128xf32>
    %mul3A_136 = vector.broadcast %mul3A_48 : vector<200x1xf32> to vector<200x128xf32>
    %mul3A_137 = arith.mulf %add3A_135, %mul3A_136 : vector<200x128xf32>
    %mul3A_138 = arith.constant 6.28318548 : f32
    %mul3A_139 = vector.broadcast %mul3A_138 : f32 to vector<200x1xf32>
    %mul3A_140 = arith.mulf %mul3A_139, %log3A_39 : vector<200x1xf32>
    %mul3A_141 = vector.broadcast %mul3A_140 : vector<200x1xf32> to vector<200x128xf32>
    %mul3A_142 = vector.broadcast %get3A_10 : vector<1x128xf32> to vector<200x128xf32>
    %mul3A_143 = arith.mulf %mul3A_141, %mul3A_142 : vector<200x128xf32>
    %mul3A_144 = arith.constant 0.159154937 : f32
    %mul3A_145 = vector.broadcast %mul3A_144 : f32 to vector<200x128xf32>
    %mul3A_146 = arith.mulf %mul3A_143, %mul3A_145 : vector<200x128xf32>
    %round3A_147 = math.roundeven %mul3A_146 : vector<200x128xf32>
    %mul3A_148 = arith.constant 6.28318548 : f32
    %mul3A_149 = vector.broadcast %mul3A_148 : f32 to vector<200x128xf32>
    %mul3A_150 = arith.mulf %round3A_147, %mul3A_149 : vector<200x128xf32>
    %sub3A_151 = arith.subf %mul3A_143, %mul3A_150 : vector<200x128xf32>
    %mul3A_152 = arith.constant -1.74845553E-7 : f32
    %mul3A_153 = vector.broadcast %mul3A_152 : f32 to vector<200x128xf32>
    %mul3A_154 = arith.mulf %round3A_147, %mul3A_153 : vector<200x128xf32>
    %sub3A_155 = arith.subf %sub3A_151, %mul3A_154 : vector<200x128xf32>
    %mul3A_156 = arith.mulf %sub3A_155, %sub3A_155 : vector<200x128xf32>
    %mul3A_157 = arith.constant -2.03622115E-8 : f32
    %mul3A_158 = vector.broadcast %mul3A_157 : f32 to vector<200x128xf32>
    %mul3A_159 = arith.mulf %mul3A_158, %mul3A_156 : vector<200x128xf32>
    %add3A_160 = arith.constant 2.69971383E-6 : f32
    %add3A_161 = vector.broadcast %add3A_160 : f32 to vector<200x128xf32>
    %add3A_162 = arith.addf %mul3A_159, %add3A_161 : vector<200x128xf32>
    %mul3A_163 = arith.mulf %add3A_162, %mul3A_156 : vector<200x128xf32>
    %add3A_164 = arith.constant -1.98086331E-4 : f32
    %add3A_165 = vector.broadcast %add3A_164 : f32 to vector<200x128xf32>
    %add3A_166 = arith.addf %mul3A_163, %add3A_165 : vector<200x128xf32>
    %mul3A_167 = arith.mulf %add3A_166, %mul3A_156 : vector<200x128xf32>
    %add3A_168 = arith.constant 0.00833240337 : f32
    %add3A_169 = vector.broadcast %add3A_168 : f32 to vector<200x128xf32>
    %add3A_170 = arith.addf %mul3A_167, %add3A_169 : vector<200x128xf32>
    %mul3A_171 = arith.mulf %add3A_170, %mul3A_156 : vector<200x128xf32>
    %add3A_172 = arith.constant -0.166665524 : f32
    %add3A_173 = vector.broadcast %add3A_172 : f32 to vector<200x128xf32>
    %add3A_174 = arith.addf %mul3A_171, %add3A_173 : vector<200x128xf32>
    %mul3A_175 = arith.mulf %add3A_174, %mul3A_156 : vector<200x128xf32>
    %add3A_176 = arith.constant 0.999999582 : f32
    %add3A_177 = vector.broadcast %add3A_176 : f32 to vector<200x128xf32>
    %add3A_178 = arith.addf %mul3A_175, %add3A_177 : vector<200x128xf32>
    %mul3A_179 = arith.mulf %add3A_178, %sub3A_155 : vector<200x128xf32>
    %mul3A_180 = vector.broadcast %mul3A_48 : vector<200x1xf32> to vector<200x128xf32>
    %mul3A_181 = arith.mulf %mul3A_179, %mul3A_180 : vector<200x128xf32>
    %mul3A_182 = arith.constant 6.28318548 : f32
    %mul3A_183 = vector.broadcast %mul3A_182 : f32 to vector<200x1xf32>
    %mul3A_184 = arith.mulf %mul3A_183, %log3A_46 : vector<200x1xf32>
    %mul3A_185 = vector.broadcast %mul3A_184 : vector<200x1xf32> to vector<200x128xf32>
    %mul3A_186 = vector.broadcast %get3A_10 : vector<1x128xf32> to vector<200x128xf32>
    %mul3A_187 = arith.mulf %mul3A_185, %mul3A_186 : vector<200x128xf32>
    %mul3A_188 = arith.constant 0.159154937 : f32
    %mul3A_189 = vector.broadcast %mul3A_188 : f32 to vector<200x128xf32>
    %mul3A_190 = arith.mulf %mul3A_187, %mul3A_189 : vector<200x128xf32>
    %round3A_191 = math.roundeven %mul3A_190 : vector<200x128xf32>
    %mul3A_192 = arith.constant 6.28318548 : f32
    %mul3A_193 = vector.broadcast %mul3A_192 : f32 to vector<200x128xf32>
    %mul3A_194 = arith.mulf %round3A_191, %mul3A_193 : vector<200x128xf32>
    %sub3A_195 = arith.subf %mul3A_187, %mul3A_194 : vector<200x128xf32>
    %mul3A_196 = arith.constant -1.74845553E-7 : f32
    %mul3A_197 = vector.broadcast %mul3A_196 : f32 to vector<200x128xf32>
    %mul3A_198 = arith.mulf %round3A_191, %mul3A_197 : vector<200x128xf32>
    %sub3A_199 = arith.subf %sub3A_195, %mul3A_198 : vector<200x128xf32>
    %mul3A_200 = arith.mulf %sub3A_199, %sub3A_199 : vector<200x128xf32>
    %mul3A_201 = arith.constant 1.72450665E-9 : f32
    %mul3A_202 = vector.broadcast %mul3A_201 : f32 to vector<200x128xf32>
    %mul3A_203 = arith.mulf %mul3A_202, %mul3A_200 : vector<200x128xf32>
    %add3A_204 = arith.constant -2.70790252E-7 : f32
    %add3A_205 = vector.broadcast %add3A_204 : f32 to vector<200x128xf32>
    %add3A_206 = arith.addf %mul3A_203, %add3A_205 : vector<200x128xf32>
    %mul3A_207 = arith.mulf %add3A_206, %mul3A_200 : vector<200x128xf32>
    %add3A_208 = arith.constant 2.47698827E-5 : f32
    %add3A_209 = vector.broadcast %add3A_208 : f32 to vector<200x128xf32>
    %add3A_210 = arith.addf %mul3A_207, %add3A_209 : vector<200x128xf32>
    %mul3A_211 = arith.mulf %add3A_210, %mul3A_200 : vector<200x128xf32>
    %add3A_212 = arith.constant -0.00138878042 : f32
    %add3A_213 = vector.broadcast %add3A_212 : f32 to vector<200x128xf32>
    %add3A_214 = arith.addf %mul3A_211, %add3A_213 : vector<200x128xf32>
    %mul3A_215 = arith.mulf %add3A_214, %mul3A_200 : vector<200x128xf32>
    %add3A_216 = arith.constant 0.0416664891 : f32
    %add3A_217 = vector.broadcast %add3A_216 : f32 to vector<200x128xf32>
    %add3A_218 = arith.addf %mul3A_215, %add3A_217 : vector<200x128xf32>
    %mul3A_219 = arith.mulf %add3A_218, %mul3A_200 : vector<200x128xf32>
    %add3A_220 = arith.constant -0.499999881 : f32
    %add3A_221 = vector.broadcast %add3A_220 : f32 to vector<200x128xf32>
    %add3A_222 = arith.addf %mul3A_219, %add3A_221 : vector<200x128xf32>
    %mul3A_223 = arith.mulf %add3A_222, %mul3A_200 : vector<200x128xf32>
    %add3A_224 = arith.constant 1.000000e+00 : f32
    %add3A_225 = vector.broadcast %add3A_224 : f32 to vector<200x128xf32>
    %add3A_226 = arith.addf %mul3A_223, %add3A_225 : vector<200x128xf32>
    %mul3A_227 = vector.broadcast %mul3A_48 : vector<200x1xf32> to vector<200x128xf32>
    %mul3A_228 = arith.mulf %add3A_226, %mul3A_227 : vector<200x128xf32>
    %concatenate3A = tpu.concatenate %mul3A_90, %mul3A_137, %mul3A_181, %mul3A_228 in 1 : vector<200x128xf32>, vector<200x128xf32>, vector<200x128xf32>, vector<200x128xf32> -> vector<200x512xf32>
    %mul3A_229 = arith.mulf %get3A_16, %mul3A : vector<200x1xf32>
    %get3A_230 = arith.constant 0 : index
    %get3A_231 = arith.constant 128 : index
    %get3A_232 = vector.load %arg3[%get3A_230, %get3A_231] : memref<200x1280xf32, #tpu.memory_space<vmem>>, vector<200x128xf32>
    %get3A_233 = arith.constant 0 : index
    %get3A_234 = arith.constant 1 : index
    %get3A_235 = vector.load %arg2[%get3A_233, %get3A_234] : memref<200x10xf32, #tpu.memory_space<vmem>>, vector<200x1xf32>
    %slice3A_236 = vector.extract_strided_slice %get3A_232 {offsets = [0, 4], sizes = [200, 1], strides = [1, 1]} : vector<200x128xf32> to vector<200x1xf32>
    %slice3A_237 = vector.extract_strided_slice %get3A_232 {offsets = [0, 5], sizes = [200, 1], strides = [1, 1]} : vector<200x128xf32> to vector<200x1xf32>
    %ge3A_238 = arith.constant 4.000000e-01 : f32
    %ge3A_239 = vector.broadcast %ge3A_238 : f32 to vector<200x1xf32>
    %ge3A_240 = arith.cmpf oge, %get3A_235, %ge3A_239 : vector<200x1xf32>
    %convert_element_type3A_241 = arith.extui %ge3A_240 : vector<200x1xi1> to vector<200x1xi32>
    %convert_element_type3A_242 = arith.sitofp %convert_element_type3A_241 : vector<200x1xi32> to vector<200x1xf32>
    %mul3A_243 = arith.mulf %slice3A_236, %convert_element_type3A_242 : vector<200x1xf32>
    %slice3A_244 = vector.extract_strided_slice %get3A_232 {offsets = [0, 0], sizes = [200, 1], strides = [1, 1]} : vector<200x128xf32> to vector<200x1xf32>
    %sub3A_245 = arith.subf %slice3A_244, %slice3A : vector<200x1xf32>
    %abs3A_246 = math.absf %sub3A_245 : vector<200x1xf32>
    %max3A_247 = arith.constant 1.000000e-07 : f32
    %max3A_248 = vector.broadcast %max3A_247 : f32 to vector<200x1xf32>
    %max3A_249 = arith.maximumf %abs3A_246, %max3A_248 : vector<200x1xf32>
    %log3A_250 = math.log %max3A_249 : vector<200x1xf32>
    %slice3A_251 = vector.extract_strided_slice %get3A_232 {offsets = [0, 1], sizes = [200, 1], strides = [1, 1]} : vector<200x128xf32> to vector<200x1xf32>
    %sub3A_252 = arith.subf %slice3A_251, %slice3A_2 : vector<200x1xf32>
    %abs3A_253 = math.absf %sub3A_252 : vector<200x1xf32>
    %max3A_254 = arith.constant 1.000000e-07 : f32
    %max3A_255 = vector.broadcast %max3A_254 : f32 to vector<200x1xf32>
    %max3A_256 = arith.maximumf %abs3A_253, %max3A_255 : vector<200x1xf32>
    %log3A_257 = math.log %max3A_256 : vector<200x1xf32>
    %slice3A_258 = vector.extract_strided_slice %get3A_232 {offsets = [0, 2], sizes = [200, 1], strides = [1, 1]} : vector<200x128xf32> to vector<200x1xf32>
    %sub3A_259 = arith.subf %slice3A_258, %slice3A_3 : vector<200x1xf32>
    %abs3A_260 = math.absf %sub3A_259 : vector<200x1xf32>
    %max3A_261 = arith.constant 1.000000e-07 : f32
    %max3A_262 = vector.broadcast %max3A_261 : f32 to vector<200x1xf32>
    %max3A_263 = arith.maximumf %abs3A_260, %max3A_262 : vector<200x1xf32>
    %log3A_264 = math.log %max3A_263 : vector<200x1xf32>
    %slice3A_265 = vector.extract_strided_slice %get3A_232 {offsets = [0, 3], sizes = [200, 1], strides = [1, 1]} : vector<200x128xf32> to vector<200x1xf32>
    %sub3A_266 = arith.subf %slice3A_265, %slice3A_4 : vector<200x1xf32>
    %abs3A_267 = math.absf %sub3A_266 : vector<200x1xf32>
    %max3A_268 = arith.constant 1.000000e-07 : f32
    %max3A_269 = vector.broadcast %max3A_268 : f32 to vector<200x1xf32>
    %max3A_270 = arith.maximumf %abs3A_267, %max3A_269 : vector<200x1xf32>
    %log3A_271 = math.log %max3A_270 : vector<200x1xf32>
    %mul3A_272 = arith.mulf %sub3A_7, %slice3A_237 : vector<200x1xf32>
    %mul3A_273 = arith.mulf %mul3A_272, %mul3A_243 : vector<200x1xf32>
    %mul3A_274 = arith.constant 6.28318548 : f32
    %mul3A_275 = vector.broadcast %mul3A_274 : f32 to vector<200x1xf32>
    %mul3A_276 = arith.mulf %mul3A_275, %log3A_250 : vector<200x1xf32>
    %mul3A_277 = vector.broadcast %mul3A_276 : vector<200x1xf32> to vector<200x128xf32>
    %mul3A_278 = vector.broadcast %get3A_10 : vector<1x128xf32> to vector<200x128xf32>
    %mul3A_279 = arith.mulf %mul3A_277, %mul3A_278 : vector<200x128xf32>
    %mul3A_280 = arith.constant 0.159154937 : f32
    %mul3A_281 = vector.broadcast %mul3A_280 : f32 to vector<200x128xf32>
    %mul3A_282 = arith.mulf %mul3A_279, %mul3A_281 : vector<200x128xf32>
    %round3A_283 = math.roundeven %mul3A_282 : vector<200x128xf32>
    %mul3A_284 = arith.constant 6.28318548 : f32
    %mul3A_285 = vector.broadcast %mul3A_284 : f32 to vector<200x128xf32>
    %mul3A_286 = arith.mulf %round3A_283, %mul3A_285 : vector<200x128xf32>
    %sub3A_287 = arith.subf %mul3A_279, %mul3A_286 : vector<200x128xf32>
    %mul3A_288 = arith.constant -1.74845553E-7 : f32
    %mul3A_289 = vector.broadcast %mul3A_288 : f32 to vector<200x128xf32>
    %mul3A_290 = arith.mulf %round3A_283, %mul3A_289 : vector<200x128xf32>
    %sub3A_291 = arith.subf %sub3A_287, %mul3A_290 : vector<200x128xf32>
    %mul3A_292 = arith.mulf %sub3A_291, %sub3A_291 : vector<200x128xf32>
    %mul3A_293 = arith.constant -2.03622115E-8 : f32
    %mul3A_294 = vector.broadcast %mul3A_293 : f32 to vector<200x128xf32>
    %mul3A_295 = arith.mulf %mul3A_294, %mul3A_292 : vector<200x128xf32>
    %add3A_296 = arith.constant 2.69971383E-6 : f32
    %add3A_297 = vector.broadcast %add3A_296 : f32 to vector<200x128xf32>
    %add3A_298 = arith.addf %mul3A_295, %add3A_297 : vector<200x128xf32>
    %mul3A_299 = arith.mulf %add3A_298, %mul3A_292 : vector<200x128xf32>
    %add3A_300 = arith.constant -1.98086331E-4 : f32
    %add3A_301 = vector.broadcast %add3A_300 : f32 to vector<200x128xf32>
    %add3A_302 = arith.addf %mul3A_299, %add3A_301 : vector<200x128xf32>
    %mul3A_303 = arith.mulf %add3A_302, %mul3A_292 : vector<200x128xf32>
    %add3A_304 = arith.constant 0.00833240337 : f32
    %add3A_305 = vector.broadcast %add3A_304 : f32 to vector<200x128xf32>
    %add3A_306 = arith.addf %mul3A_303, %add3A_305 : vector<200x128xf32>
    %mul3A_307 = arith.mulf %add3A_306, %mul3A_292 : vector<200x128xf32>
    %add3A_308 = arith.constant -0.166665524 : f32
    %add3A_309 = vector.broadcast %add3A_308 : f32 to vector<200x128xf32>
    %add3A_310 = arith.addf %mul3A_307, %add3A_309 : vector<200x128xf32>
    %mul3A_311 = arith.mulf %add3A_310, %mul3A_292 : vector<200x128xf32>
    %add3A_312 = arith.constant 0.999999582 : f32
    %add3A_313 = vector.broadcast %add3A_312 : f32 to vector<200x128xf32>
    %add3A_314 = arith.addf %mul3A_311, %add3A_313 : vector<200x128xf32>
    %mul3A_315 = arith.mulf %add3A_314, %sub3A_291 : vector<200x128xf32>
    %mul3A_316 = vector.broadcast %mul3A_273 : vector<200x1xf32> to vector<200x128xf32>
    %mul3A_317 = arith.mulf %mul3A_315, %mul3A_316 : vector<200x128xf32>
    %mul3A_318 = arith.constant 6.28318548 : f32
    %mul3A_319 = vector.broadcast %mul3A_318 : f32 to vector<200x1xf32>
    %mul3A_320 = arith.mulf %mul3A_319, %log3A_257 : vector<200x1xf32>
    %mul3A_321 = vector.broadcast %mul3A_320 : vector<200x1xf32> to vector<200x128xf32>
    %mul3A_322 = vector.broadcast %get3A_10 : vector<1x128xf32> to vector<200x128xf32>
    %mul3A_323 = arith.mulf %mul3A_321, %mul3A_322 : vector<200x128xf32>
    %mul3A_324 = arith.constant 0.159154937 : f32
    %mul3A_325 = vector.broadcast %mul3A_324 : f32 to vector<200x128xf32>
    %mul3A_326 = arith.mulf %mul3A_323, %mul3A_325 : vector<200x128xf32>
    %round3A_327 = math.roundeven %mul3A_326 : vector<200x128xf32>
    %mul3A_328 = arith.constant 6.28318548 : f32
    %mul3A_329 = vector.broadcast %mul3A_328 : f32 to vector<200x128xf32>
    %mul3A_330 = arith.mulf %round3A_327, %mul3A_329 : vector<200x128xf32>
    %sub3A_331 = arith.subf %mul3A_323, %mul3A_330 : vector<200x128xf32>
    %mul3A_332 = arith.constant -1.74845553E-7 : f32
    %mul3A_333 = vector.broadcast %mul3A_332 : f32 to vector<200x128xf32>
    %mul3A_334 = arith.mulf %round3A_327, %mul3A_333 : vector<200x128xf32>
    %sub3A_335 = arith.subf %sub3A_331, %mul3A_334 : vector<200x128xf32>
    %mul3A_336 = arith.mulf %sub3A_335, %sub3A_335 : vector<200x128xf32>
    %mul3A_337 = arith.constant 1.72450665E-9 : f32
    %mul3A_338 = vector.broadcast %mul3A_337 : f32 to vector<200x128xf32>
    %mul3A_339 = arith.mulf %mul3A_338, %mul3A_336 : vector<200x128xf32>
    %add3A_340 = arith.constant -2.70790252E-7 : f32
    %add3A_341 = vector.broadcast %add3A_340 : f32 to vector<200x128xf32>
    %add3A_342 = arith.addf %mul3A_339, %add3A_341 : vector<200x128xf32>
    %mul3A_343 = arith.mulf %add3A_342, %mul3A_336 : vector<200x128xf32>
    %add3A_344 = arith.constant 2.47698827E-5 : f32
    %add3A_345 = vector.broadcast %add3A_344 : f32 to vector<200x128xf32>
    %add3A_346 = arith.addf %mul3A_343, %add3A_345 : vector<200x128xf32>
    %mul3A_347 = arith.mulf %add3A_346, %mul3A_336 : vector<200x128xf32>
    %add3A_348 = arith.constant -0.00138878042 : f32
    %add3A_349 = vector.broadcast %add3A_348 : f32 to vector<200x128xf32>
    %add3A_350 = arith.addf %mul3A_347, %add3A_349 : vector<200x128xf32>
    %mul3A_351 = arith.mulf %add3A_350, %mul3A_336 : vector<200x128xf32>
    %add3A_352 = arith.constant 0.0416664891 : f32
    %add3A_353 = vector.broadcast %add3A_352 : f32 to vector<200x128xf32>
    %add3A_354 = arith.addf %mul3A_351, %add3A_353 : vector<200x128xf32>
    %mul3A_355 = arith.mulf %add3A_354, %mul3A_336 : vector<200x128xf32>
    %add3A_356 = arith.constant -0.499999881 : f32
    %add3A_357 = vector.broadcast %add3A_356 : f32 to vector<200x128xf32>
    %add3A_358 = arith.addf %mul3A_355, %add3A_357 : vector<200x128xf32>
    %mul3A_359 = arith.mulf %add3A_358, %mul3A_336 : vector<200x128xf32>
    %add3A_360 = arith.constant 1.000000e+00 : f32
    %add3A_361 = vector.broadcast %add3A_360 : f32 to vector<200x128xf32>
    %add3A_362 = arith.addf %mul3A_359, %add3A_361 : vector<200x128xf32>
    %mul3A_363 = vector.broadcast %mul3A_273 : vector<200x1xf32> to vector<200x128xf32>
    %mul3A_364 = arith.mulf %add3A_362, %mul3A_363 : vector<200x128xf32>
    %mul3A_365 = arith.constant 6.28318548 : f32
    %mul3A_366 = vector.broadcast %mul3A_365 : f32 to vector<200x1xf32>
    %mul3A_367 = arith.mulf %mul3A_366, %log3A_264 : vector<200x1xf32>
    %mul3A_368 = vector.broadcast %mul3A_367 : vector<200x1xf32> to vector<200x128xf32>
    %mul3A_369 = vector.broadcast %get3A_10 : vector<1x128xf32> to vector<200x128xf32>
    %mul3A_370 = arith.mulf %mul3A_368, %mul3A_369 : vector<200x128xf32>
    %mul3A_371 = arith.constant 0.159154937 : f32
    %mul3A_372 = vector.broadcast %mul3A_371 : f32 to vector<200x128xf32>
    %mul3A_373 = arith.mulf %mul3A_370, %mul3A_372 : vector<200x128xf32>
    %round3A_374 = math.roundeven %mul3A_373 : vector<200x128xf32>
    %mul3A_375 = arith.constant 6.28318548 : f32
    %mul3A_376 = vector.broadcast %mul3A_375 : f32 to vector<200x128xf32>
    %mul3A_377 = arith.mulf %round3A_374, %mul3A_376 : vector<200x128xf32>
    %sub3A_378 = arith.subf %mul3A_370, %mul3A_377 : vector<200x128xf32>
    %mul3A_379 = arith.constant -1.74845553E-7 : f32
    %mul3A_380 = vector.broadcast %mul3A_379 : f32 to vector<200x128xf32>
    %mul3A_381 = arith.mulf %round3A_374, %mul3A_380 : vector<200x128xf32>
    %sub3A_382 = arith.subf %sub3A_378, %mul3A_381 : vector<200x128xf32>
    %mul3A_383 = arith.mulf %sub3A_382, %sub3A_382 : vector<200x128xf32>
    %mul3A_384 = arith.constant -2.03622115E-8 : f32
    %mul3A_385 = vector.broadcast %mul3A_384 : f32 to vector<200x128xf32>
    %mul3A_386 = arith.mulf %mul3A_385, %mul3A_383 : vector<200x128xf32>
    %add3A_387 = arith.constant 2.69971383E-6 : f32
    %add3A_388 = vector.broadcast %add3A_387 : f32 to vector<200x128xf32>
    %add3A_389 = arith.addf %mul3A_386, %add3A_388 : vector<200x128xf32>
    %mul3A_390 = arith.mulf %add3A_389, %mul3A_383 : vector<200x128xf32>
    %add3A_391 = arith.constant -1.98086331E-4 : f32
    %add3A_392 = vector.broadcast %add3A_391 : f32 to vector<200x128xf32>
    %add3A_393 = arith.addf %mul3A_390, %add3A_392 : vector<200x128xf32>
    %mul3A_394 = arith.mulf %add3A_393, %mul3A_383 : vector<200x128xf32>
    %add3A_395 = arith.constant 0.00833240337 : f32
    %add3A_396 = vector.broadcast %add3A_395 : f32 to vector<200x128xf32>
    %add3A_397 = arith.addf %mul3A_394, %add3A_396 : vector<200x128xf32>
    %mul3A_398 = arith.mulf %add3A_397, %mul3A_383 : vector<200x128xf32>
    %add3A_399 = arith.constant -0.166665524 : f32
    %add3A_400 = vector.broadcast %add3A_399 : f32 to vector<200x128xf32>
    %add3A_401 = arith.addf %mul3A_398, %add3A_400 : vector<200x128xf32>
    %mul3A_402 = arith.mulf %add3A_401, %mul3A_383 : vector<200x128xf32>
    %add3A_403 = arith.constant 0.999999582 : f32
    %add3A_404 = vector.broadcast %add3A_403 : f32 to vector<200x128xf32>
    %add3A_405 = arith.addf %mul3A_402, %add3A_404 : vector<200x128xf32>
    %mul3A_406 = arith.mulf %add3A_405, %sub3A_382 : vector<200x128xf32>
    %mul3A_407 = vector.broadcast %mul3A_273 : vector<200x1xf32> to vector<200x128xf32>
    %mul3A_408 = arith.mulf %mul3A_406, %mul3A_407 : vector<200x128xf32>
    %mul3A_409 = arith.constant 6.28318548 : f32
    %mul3A_410 = vector.broadcast %mul3A_409 : f32 to vector<200x1xf32>
    %mul3A_411 = arith.mulf %mul3A_410, %log3A_271 : vector<200x1xf32>
    %mul3A_412 = vector.broadcast %mul3A_411 : vector<200x1xf32> to vector<200x128xf32>
    %mul3A_413 = vector.broadcast %get3A_10 : vector<1x128xf32> to vector<200x128xf32>
    %mul3A_414 = arith.mulf %mul3A_412, %mul3A_413 : vector<200x128xf32>
    %mul3A_415 = arith.constant 0.159154937 : f32
    %mul3A_416 = vector.broadcast %mul3A_415 : f32 to vector<200x128xf32>
    %mul3A_417 = arith.mulf %mul3A_414, %mul3A_416 : vector<200x128xf32>
    %round3A_418 = math.roundeven %mul3A_417 : vector<200x128xf32>
    %mul3A_419 = arith.constant 6.28318548 : f32
    %mul3A_420 = vector.broadcast %mul3A_419 : f32 to vector<200x128xf32>
    %mul3A_421 = arith.mulf %round3A_418, %mul3A_420 : vector<200x128xf32>
    %sub3A_422 = arith.subf %mul3A_414, %mul3A_421 : vector<200x128xf32>
    %mul3A_423 = arith.constant -1.74845553E-7 : f32
    %mul3A_424 = vector.broadcast %mul3A_423 : f32 to vector<200x128xf32>
    %mul3A_425 = arith.mulf %round3A_418, %mul3A_424 : vector<200x128xf32>
    %sub3A_426 = arith.subf %sub3A_422, %mul3A_425 : vector<200x128xf32>
    %mul3A_427 = arith.mulf %sub3A_426, %sub3A_426 : vector<200x128xf32>
    %mul3A_428 = arith.constant 1.72450665E-9 : f32
    %mul3A_429 = vector.broadcast %mul3A_428 : f32 to vector<200x128xf32>
    %mul3A_430 = arith.mulf %mul3A_429, %mul3A_427 : vector<200x128xf32>
    %add3A_431 = arith.constant -2.70790252E-7 : f32
    %add3A_432 = vector.broadcast %add3A_431 : f32 to vector<200x128xf32>
    %add3A_433 = arith.addf %mul3A_430, %add3A_432 : vector<200x128xf32>
    %mul3A_434 = arith.mulf %add3A_433, %mul3A_427 : vector<200x128xf32>
    %add3A_435 = arith.constant 2.47698827E-5 : f32
    %add3A_436 = vector.broadcast %add3A_435 : f32 to vector<200x128xf32>
    %add3A_437 = arith.addf %mul3A_434, %add3A_436 : vector<200x128xf32>
    %mul3A_438 = arith.mulf %add3A_437, %mul3A_427 : vector<200x128xf32>
    %add3A_439 = arith.constant -0.00138878042 : f32
    %add3A_440 = vector.broadcast %add3A_439 : f32 to vector<200x128xf32>
    %add3A_441 = arith.addf %mul3A_438, %add3A_440 : vector<200x128xf32>
    %mul3A_442 = arith.mulf %add3A_441, %mul3A_427 : vector<200x128xf32>
    %add3A_443 = arith.constant 0.0416664891 : f32
    %add3A_444 = vector.broadcast %add3A_443 : f32 to vector<200x128xf32>
    %add3A_445 = arith.addf %mul3A_442, %add3A_444 : vector<200x128xf32>
    %mul3A_446 = arith.mulf %add3A_445, %mul3A_427 : vector<200x128xf32>
    %add3A_447 = arith.constant -0.499999881 : f32
    %add3A_448 = vector.broadcast %add3A_447 : f32 to vector<200x128xf32>
    %add3A_449 = arith.addf %mul3A_446, %add3A_448 : vector<200x128xf32>
    %mul3A_450 = arith.mulf %add3A_449, %mul3A_427 : vector<200x128xf32>
    %add3A_451 = arith.constant 1.000000e+00 : f32
    %add3A_452 = vector.broadcast %add3A_451 : f32 to vector<200x128xf32>
    %add3A_453 = arith.addf %mul3A_450, %add3A_452 : vector<200x128xf32>
    %mul3A_454 = vector.broadcast %mul3A_273 : vector<200x1xf32> to vector<200x128xf32>
    %mul3A_455 = arith.mulf %add3A_453, %mul3A_454 : vector<200x128xf32>
    %concatenate3A_456 = tpu.concatenate %mul3A_317, %mul3A_364, %mul3A_408, %mul3A_455 in 1 : vector<200x128xf32>, vector<200x128xf32>, vector<200x128xf32>, vector<200x128xf32> -> vector<200x512xf32>
    %mul3A_457 = arith.mulf %get3A_235, %mul3A_243 : vector<200x1xf32>
    %get3A_458 = arith.constant 0 : index
    %get3A_459 = arith.constant 256 : index
    %get3A_460 = vector.load %arg3[%get3A_458, %get3A_459] : memref<200x1280xf32, #tpu.memory_space<vmem>>, vector<200x128xf32>
    %get3A_461 = arith.constant 0 : index
    %get3A_462 = arith.constant 2 : index
    %get3A_463 = vector.load %arg2[%get3A_461, %get3A_462] : memref<200x10xf32, #tpu.memory_space<vmem>>, vector<200x1xf32>
    %slice3A_464 = vector.extract_strided_slice %get3A_460 {offsets = [0, 4], sizes = [200, 1], strides = [1, 1]} : vector<200x128xf32> to vector<200x1xf32>
    %slice3A_465 = vector.extract_strided_slice %get3A_460 {offsets = [0, 5], sizes = [200, 1], strides = [1, 1]} : vector<200x128xf32> to vector<200x1xf32>
    %ge3A_466 = arith.constant 4.000000e-01 : f32
    %ge3A_467 = vector.broadcast %ge3A_466 : f32 to vector<200x1xf32>
    %ge3A_468 = arith.cmpf oge, %get3A_463, %ge3A_467 : vector<200x1xf32>
    %convert_element_type3A_469 = arith.extui %ge3A_468 : vector<200x1xi1> to vector<200x1xi32>
    %convert_element_type3A_470 = arith.sitofp %convert_element_type3A_469 : vector<200x1xi32> to vector<200x1xf32>
    %mul3A_471 = arith.mulf %slice3A_464, %convert_element_type3A_470 : vector<200x1xf32>
    %slice3A_472 = vector.extract_strided_slice %get3A_460 {offsets = [0, 0], sizes = [200, 1], strides = [1, 1]} : vector<200x128xf32> to vector<200x1xf32>
    %sub3A_473 = arith.subf %slice3A_472, %slice3A : vector<200x1xf32>
    %abs3A_474 = math.absf %sub3A_473 : vector<200x1xf32>
    %max3A_475 = arith.constant 1.000000e-07 : f32
    %max3A_476 = vector.broadcast %max3A_475 : f32 to vector<200x1xf32>
    %max3A_477 = arith.maximumf %abs3A_474, %max3A_476 : vector<200x1xf32>
    %log3A_478 = math.log %max3A_477 : vector<200x1xf32>
    %slice3A_479 = vector.extract_strided_slice %get3A_460 {offsets = [0, 1], sizes = [200, 1], strides = [1, 1]} : vector<200x128xf32> to vector<200x1xf32>
    %sub3A_480 = arith.subf %slice3A_479, %slice3A_2 : vector<200x1xf32>
    %abs3A_481 = math.absf %sub3A_480 : vector<200x1xf32>
    %max3A_482 = arith.constant 1.000000e-07 : f32
    %max3A_483 = vector.broadcast %max3A_482 : f32 to vector<200x1xf32>
    %max3A_484 = arith.maximumf %abs3A_481, %max3A_483 : vector<200x1xf32>
    %log3A_485 = math.log %max3A_484 : vector<200x1xf32>
    %slice3A_486 = vector.extract_strided_slice %get3A_460 {offsets = [0, 2], sizes = [200, 1], strides = [1, 1]} : vector<200x128xf32> to vector<200x1xf32>
    %sub3A_487 = arith.subf %slice3A_486, %slice3A_3 : vector<200x1xf32>
    %abs3A_488 = math.absf %sub3A_487 : vector<200x1xf32>
    %max3A_489 = arith.constant 1.000000e-07 : f32
    %max3A_490 = vector.broadcast %max3A_489 : f32 to vector<200x1xf32>
    %max3A_491 = arith.maximumf %abs3A_488, %max3A_490 : vector<200x1xf32>
    %log3A_492 = math.log %max3A_491 : vector<200x1xf32>
    %slice3A_493 = vector.extract_strided_slice %get3A_460 {offsets = [0, 3], sizes = [200, 1], strides = [1, 1]} : vector<200x128xf32> to vector<200x1xf32>
    %sub3A_494 = arith.subf %slice3A_493, %slice3A_4 : vector<200x1xf32>
    %abs3A_495 = math.absf %sub3A_494 : vector<200x1xf32>
    %max3A_496 = arith.constant 1.000000e-07 : f32
    %max3A_497 = vector.broadcast %max3A_496 : f32 to vector<200x1xf32>
    %max3A_498 = arith.maximumf %abs3A_495, %max3A_497 : vector<200x1xf32>
    %log3A_499 = math.log %max3A_498 : vector<200x1xf32>
    %mul3A_500 = arith.mulf %sub3A_7, %slice3A_465 : vector<200x1xf32>
    %mul3A_501 = arith.mulf %mul3A_500, %mul3A_471 : vector<200x1xf32>
    %mul3A_502 = arith.constant 6.28318548 : f32
    %mul3A_503 = vector.broadcast %mul3A_502 : f32 to vector<200x1xf32>
    %mul3A_504 = arith.mulf %mul3A_503, %log3A_478 : vector<200x1xf32>
    %mul3A_505 = vector.broadcast %mul3A_504 : vector<200x1xf32> to vector<200x128xf32>
    %mul3A_506 = vector.broadcast %get3A_10 : vector<1x128xf32> to vector<200x128xf32>
    %mul3A_507 = arith.mulf %mul3A_505, %mul3A_506 : vector<200x128xf32>
    %mul3A_508 = arith.constant 0.159154937 : f32
    %mul3A_509 = vector.broadcast %mul3A_508 : f32 to vector<200x128xf32>
    %mul3A_510 = arith.mulf %mul3A_507, %mul3A_509 : vector<200x128xf32>
    %round3A_511 = math.roundeven %mul3A_510 : vector<200x128xf32>
    %mul3A_512 = arith.constant 6.28318548 : f32
    %mul3A_513 = vector.broadcast %mul3A_512 : f32 to vector<200x128xf32>
    %mul3A_514 = arith.mulf %round3A_511, %mul3A_513 : vector<200x128xf32>
    %sub3A_515 = arith.subf %mul3A_507, %mul3A_514 : vector<200x128xf32>
    %mul3A_516 = arith.constant -1.74845553E-7 : f32
    %mul3A_517 = vector.broadcast %mul3A_516 : f32 to vector<200x128xf32>
    %mul3A_518 = arith.mulf %round3A_511, %mul3A_517 : vector<200x128xf32>
    %sub3A_519 = arith.subf %sub3A_515, %mul3A_518 : vector<200x128xf32>
    %mul3A_520 = arith.mulf %sub3A_519, %sub3A_519 : vector<200x128xf32>
    %mul3A_521 = arith.constant -2.03622115E-8 : f32
    %mul3A_522 = vector.broadcast %mul3A_521 : f32 to vector<200x128xf32>
    %mul3A_523 = arith.mulf %mul3A_522, %mul3A_520 : vector<200x128xf32>
    %add3A_524 = arith.constant 2.69971383E-6 : f32
    %add3A_525 = vector.broadcast %add3A_524 : f32 to vector<200x128xf32>
    %add3A_526 = arith.addf %mul3A_523, %add3A_525 : vector<200x128xf32>
    %mul3A_527 = arith.mulf %add3A_526, %mul3A_520 : vector<200x128xf32>
    %add3A_528 = arith.constant -1.98086331E-4 : f32
    %add3A_529 = vector.broadcast %add3A_528 : f32 to vector<200x128xf32>
    %add3A_530 = arith.addf %mul3A_527, %add3A_529 : vector<200x128xf32>
    %mul3A_531 = arith.mulf %add3A_530, %mul3A_520 : vector<200x128xf32>
    %add3A_532 = arith.constant 0.00833240337 : f32
    %add3A_533 = vector.broadcast %add3A_532 : f32 to vector<200x128xf32>
    %add3A_534 = arith.addf %mul3A_531, %add3A_533 : vector<200x128xf32>
    %mul3A_535 = arith.mulf %add3A_534, %mul3A_520 : vector<200x128xf32>
    %add3A_536 = arith.constant -0.166665524 : f32
    %add3A_537 = vector.broadcast %add3A_536 : f32 to vector<200x128xf32>
    %add3A_538 = arith.addf %mul3A_535, %add3A_537 : vector<200x128xf32>
    %mul3A_539 = arith.mulf %add3A_538, %mul3A_520 : vector<200x128xf32>
    %add3A_540 = arith.constant 0.999999582 : f32
    %add3A_541 = vector.broadcast %add3A_540 : f32 to vector<200x128xf32>
    %add3A_542 = arith.addf %mul3A_539, %add3A_541 : vector<200x128xf32>
    %mul3A_543 = arith.mulf %add3A_542, %sub3A_519 : vector<200x128xf32>
    %mul3A_544 = vector.broadcast %mul3A_501 : vector<200x1xf32> to vector<200x128xf32>
    %mul3A_545 = arith.mulf %mul3A_543, %mul3A_544 : vector<200x128xf32>
    %mul3A_546 = arith.constant 6.28318548 : f32
    %mul3A_547 = vector.broadcast %mul3A_546 : f32 to vector<200x1xf32>
    %mul3A_548 = arith.mulf %mul3A_547, %log3A_485 : vector<200x1xf32>
    %mul3A_549 = vector.broadcast %mul3A_548 : vector<200x1xf32> to vector<200x128xf32>
    %mul3A_550 = vector.broadcast %get3A_10 : vector<1x128xf32> to vector<200x128xf32>
    %mul3A_551 = arith.mulf %mul3A_549, %mul3A_550 : vector<200x128xf32>
    %mul3A_552 = arith.constant 0.159154937 : f32
    %mul3A_553 = vector.broadcast %mul3A_552 : f32 to vector<200x128xf32>
    %mul3A_554 = arith.mulf %mul3A_551, %mul3A_553 : vector<200x128xf32>
    %round3A_555 = math.roundeven %mul3A_554 : vector<200x128xf32>
    %mul3A_556 = arith.constant 6.28318548 : f32
    %mul3A_557 = vector.broadcast %mul3A_556 : f32 to vector<200x128xf32>
    %mul3A_558 = arith.mulf %round3A_555, %mul3A_557 : vector<200x128xf32>
    %sub3A_559 = arith.subf %mul3A_551, %mul3A_558 : vector<200x128xf32>
    %mul3A_560 = arith.constant -1.74845553E-7 : f32
    %mul3A_561 = vector.broadcast %mul3A_560 : f32 to vector<200x128xf32>
    %mul3A_562 = arith.mulf %round3A_555, %mul3A_561 : vector<200x128xf32>
    %sub3A_563 = arith.subf %sub3A_559, %mul3A_562 : vector<200x128xf32>
    %mul3A_564 = arith.mulf %sub3A_563, %sub3A_563 : vector<200x128xf32>
    %mul3A_565 = arith.constant 1.72450665E-9 : f32
    %mul3A_566 = vector.broadcast %mul3A_565 : f32 to vector<200x128xf32>
    %mul3A_567 = arith.mulf %mul3A_566, %mul3A_564 : vector<200x128xf32>
    %add3A_568 = arith.constant -2.70790252E-7 : f32
    %add3A_569 = vector.broadcast %add3A_568 : f32 to vector<200x128xf32>
    %add3A_570 = arith.addf %mul3A_567, %add3A_569 : vector<200x128xf32>
    %mul3A_571 = arith.mulf %add3A_570, %mul3A_564 : vector<200x128xf32>
    %add3A_572 = arith.constant 2.47698827E-5 : f32
    %add3A_573 = vector.broadcast %add3A_572 : f32 to vector<200x128xf32>
    %add3A_574 = arith.addf %mul3A_571, %add3A_573 : vector<200x128xf32>
    %mul3A_575 = arith.mulf %add3A_574, %mul3A_564 : vector<200x128xf32>
    %add3A_576 = arith.constant -0.00138878042 : f32
    %add3A_577 = vector.broadcast %add3A_576 : f32 to vector<200x128xf32>
    %add3A_578 = arith.addf %mul3A_575, %add3A_577 : vector<200x128xf32>
    %mul3A_579 = arith.mulf %add3A_578, %mul3A_564 : vector<200x128xf32>
    %add3A_580 = arith.constant 0.0416664891 : f32
    %add3A_581 = vector.broadcast %add3A_580 : f32 to vector<200x128xf32>
    %add3A_582 = arith.addf %mul3A_579, %add3A_581 : vector<200x128xf32>
    %mul3A_583 = arith.mulf %add3A_582, %mul3A_564 : vector<200x128xf32>
    %add3A_584 = arith.constant -0.499999881 : f32
    %add3A_585 = vector.broadcast %add3A_584 : f32 to vector<200x128xf32>
    %add3A_586 = arith.addf %mul3A_583, %add3A_585 : vector<200x128xf32>
    %mul3A_587 = arith.mulf %add3A_586, %mul3A_564 : vector<200x128xf32>
    %add3A_588 = arith.constant 1.000000e+00 : f32
    %add3A_589 = vector.broadcast %add3A_588 : f32 to vector<200x128xf32>
    %add3A_590 = arith.addf %mul3A_587, %add3A_589 : vector<200x128xf32>
    %mul3A_591 = vector.broadcast %mul3A_501 : vector<200x1xf32> to vector<200x128xf32>
    %mul3A_592 = arith.mulf %add3A_590, %mul3A_591 : vector<200x128xf32>
    %mul3A_593 = arith.constant 6.28318548 : f32
    %mul3A_594 = vector.broadcast %mul3A_593 : f32 to vector<200x1xf32>
    %mul3A_595 = arith.mulf %mul3A_594, %log3A_492 : vector<200x1xf32>
    %mul3A_596 = vector.broadcast %mul3A_595 : vector<200x1xf32> to vector<200x128xf32>
    %mul3A_597 = vector.broadcast %get3A_10 : vector<1x128xf32> to vector<200x128xf32>
    %mul3A_598 = arith.mulf %mul3A_596, %mul3A_597 : vector<200x128xf32>
    %mul3A_599 = arith.constant 0.159154937 : f32
    %mul3A_600 = vector.broadcast %mul3A_599 : f32 to vector<200x128xf32>
    %mul3A_601 = arith.mulf %mul3A_598, %mul3A_600 : vector<200x128xf32>
    %round3A_602 = math.roundeven %mul3A_601 : vector<200x128xf32>
    %mul3A_603 = arith.constant 6.28318548 : f32
    %mul3A_604 = vector.broadcast %mul3A_603 : f32 to vector<200x128xf32>
    %mul3A_605 = arith.mulf %round3A_602, %mul3A_604 : vector<200x128xf32>
    %sub3A_606 = arith.subf %mul3A_598, %mul3A_605 : vector<200x128xf32>
    %mul3A_607 = arith.constant -1.74845553E-7 : f32
    %mul3A_608 = vector.broadcast %mul3A_607 : f32 to vector<200x128xf32>
    %mul3A_609 = arith.mulf %round3A_602, %mul3A_608 : vector<200x128xf32>
    %sub3A_610 = arith.subf %sub3A_606, %mul3A_609 : vector<200x128xf32>
    %mul3A_611 = arith.mulf %sub3A_610, %sub3A_610 : vector<200x128xf32>
    %mul3A_612 = arith.constant -2.03622115E-8 : f32
    %mul3A_613 = vector.broadcast %mul3A_612 : f32 to vector<200x128xf32>
    %mul3A_614 = arith.mulf %mul3A_613, %mul3A_611 : vector<200x128xf32>
    %add3A_615 = arith.constant 2.69971383E-6 : f32
    %add3A_616 = vector.broadcast %add3A_615 : f32 to vector<200x128xf32>
    %add3A_617 = arith.addf %mul3A_614, %add3A_616 : vector<200x128xf32>
    %mul3A_618 = arith.mulf %add3A_617, %mul3A_611 : vector<200x128xf32>
    %add3A_619 = arith.constant -1.98086331E-4 : f32
    %add3A_620 = vector.broadcast %add3A_619 : f32 to vector<200x128xf32>
    %add3A_621 = arith.addf %mul3A_618, %add3A_620 : vector<200x128xf32>
    %mul3A_622 = arith.mulf %add3A_621, %mul3A_611 : vector<200x128xf32>
    %add3A_623 = arith.constant 0.00833240337 : f32
    %add3A_624 = vector.broadcast %add3A_623 : f32 to vector<200x128xf32>
    %add3A_625 = arith.addf %mul3A_622, %add3A_624 : vector<200x128xf32>
    %mul3A_626 = arith.mulf %add3A_625, %mul3A_611 : vector<200x128xf32>
    %add3A_627 = arith.constant -0.166665524 : f32
    %add3A_628 = vector.broadcast %add3A_627 : f32 to vector<200x128xf32>
    %add3A_629 = arith.addf %mul3A_626, %add3A_628 : vector<200x128xf32>
    %mul3A_630 = arith.mulf %add3A_629, %mul3A_611 : vector<200x128xf32>
    %add3A_631 = arith.constant 0.999999582 : f32
    %add3A_632 = vector.broadcast %add3A_631 : f32 to vector<200x128xf32>
    %add3A_633 = arith.addf %mul3A_630, %add3A_632 : vector<200x128xf32>
    %mul3A_634 = arith.mulf %add3A_633, %sub3A_610 : vector<200x128xf32>
    %mul3A_635 = vector.broadcast %mul3A_501 : vector<200x1xf32> to vector<200x128xf32>
    %mul3A_636 = arith.mulf %mul3A_634, %mul3A_635 : vector<200x128xf32>
    %mul3A_637 = arith.constant 6.28318548 : f32
    %mul3A_638 = vector.broadcast %mul3A_637 : f32 to vector<200x1xf32>
    %mul3A_639 = arith.mulf %mul3A_638, %log3A_499 : vector<200x1xf32>
    %mul3A_640 = vector.broadcast %mul3A_639 : vector<200x1xf32> to vector<200x128xf32>
    %mul3A_641 = vector.broadcast %get3A_10 : vector<1x128xf32> to vector<200x128xf32>
    %mul3A_642 = arith.mulf %mul3A_640, %mul3A_641 : vector<200x128xf32>
    %mul3A_643 = arith.constant 0.159154937 : f32
    %mul3A_644 = vector.broadcast %mul3A_643 : f32 to vector<200x128xf32>
    %mul3A_645 = arith.mulf %mul3A_642, %mul3A_644 : vector<200x128xf32>
    %round3A_646 = math.roundeven %mul3A_645 : vector<200x128xf32>
    %mul3A_647 = arith.constant 6.28318548 : f32
    %mul3A_648 = vector.broadcast %mul3A_647 : f32 to vector<200x128xf32>
    %mul3A_649 = arith.mulf %round3A_646, %mul3A_648 : vector<200x128xf32>
    %sub3A_650 = arith.subf %mul3A_642, %mul3A_649 : vector<200x128xf32>
    %mul3A_651 = arith.constant -1.74845553E-7 : f32
    %mul3A_652 = vector.broadcast %mul3A_651 : f32 to vector<200x128xf32>
    %mul3A_653 = arith.mulf %round3A_646, %mul3A_652 : vector<200x128xf32>
    %sub3A_654 = arith.subf %sub3A_650, %mul3A_653 : vector<200x128xf32>
    %mul3A_655 = arith.mulf %sub3A_654, %sub3A_654 : vector<200x128xf32>
    %mul3A_656 = arith.constant 1.72450665E-9 : f32
    %mul3A_657 = vector.broadcast %mul3A_656 : f32 to vector<200x128xf32>
    %mul3A_658 = arith.mulf %mul3A_657, %mul3A_655 : vector<200x128xf32>
    %add3A_659 = arith.constant -2.70790252E-7 : f32
    %add3A_660 = vector.broadcast %add3A_659 : f32 to vector<200x128xf32>
    %add3A_661 = arith.addf %mul3A_658, %add3A_660 : vector<200x128xf32>
    %mul3A_662 = arith.mulf %add3A_661, %mul3A_655 : vector<200x128xf32>
    %add3A_663 = arith.constant 2.47698827E-5 : f32
    %add3A_664 = vector.broadcast %add3A_663 : f32 to vector<200x128xf32>
    %add3A_665 = arith.addf %mul3A_662, %add3A_664 : vector<200x128xf32>
    %mul3A_666 = arith.mulf %add3A_665, %mul3A_655 : vector<200x128xf32>
    %add3A_667 = arith.constant -0.00138878042 : f32
    %add3A_668 = vector.broadcast %add3A_667 : f32 to vector<200x128xf32>
    %add3A_669 = arith.addf %mul3A_666, %add3A_668 : vector<200x128xf32>
    %mul3A_670 = arith.mulf %add3A_669, %mul3A_655 : vector<200x128xf32>
    %add3A_671 = arith.constant 0.0416664891 : f32
    %add3A_672 = vector.broadcast %add3A_671 : f32 to vector<200x128xf32>
    %add3A_673 = arith.addf %mul3A_670, %add3A_672 : vector<200x128xf32>
    %mul3A_674 = arith.mulf %add3A_673, %mul3A_655 : vector<200x128xf32>
    %add3A_675 = arith.constant -0.499999881 : f32
    %add3A_676 = vector.broadcast %add3A_675 : f32 to vector<200x128xf32>
    %add3A_677 = arith.addf %mul3A_674, %add3A_676 : vector<200x128xf32>
    %mul3A_678 = arith.mulf %add3A_677, %mul3A_655 : vector<200x128xf32>
    %add3A_679 = arith.constant 1.000000e+00 : f32
    %add3A_680 = vector.broadcast %add3A_679 : f32 to vector<200x128xf32>
    %add3A_681 = arith.addf %mul3A_678, %add3A_680 : vector<200x128xf32>
    %mul3A_682 = vector.broadcast %mul3A_501 : vector<200x1xf32> to vector<200x128xf32>
    %mul3A_683 = arith.mulf %add3A_681, %mul3A_682 : vector<200x128xf32>
    %concatenate3A_684 = tpu.concatenate %mul3A_545, %mul3A_592, %mul3A_636, %mul3A_683 in 1 : vector<200x128xf32>, vector<200x128xf32>, vector<200x128xf32>, vector<200x128xf32> -> vector<200x512xf32>
    %mul3A_685 = arith.mulf %get3A_463, %mul3A_471 : vector<200x1xf32>
    %get3A_686 = arith.constant 0 : index
    %get3A_687 = arith.constant 384 : index
    %get3A_688 = vector.load %arg3[%get3A_686, %get3A_687] : memref<200x1280xf32, #tpu.memory_space<vmem>>, vector<200x128xf32>
    %get3A_689 = arith.constant 0 : index
    %get3A_690 = arith.constant 3 : index
    %get3A_691 = vector.load %arg2[%get3A_689, %get3A_690] : memref<200x10xf32, #tpu.memory_space<vmem>>, vector<200x1xf32>
    %slice3A_692 = vector.extract_strided_slice %get3A_688 {offsets = [0, 4], sizes = [200, 1], strides = [1, 1]} : vector<200x128xf32> to vector<200x1xf32>
    %slice3A_693 = vector.extract_strided_slice %get3A_688 {offsets = [0, 5], sizes = [200, 1], strides = [1, 1]} : vector<200x128xf32> to vector<200x1xf32>
    %ge3A_694 = arith.constant 4.000000e-01 : f32
    %ge3A_695 = vector.broadcast %ge3A_694 : f32 to vector<200x1xf32>
    %ge3A_696 = arith.cmpf oge, %get3A_691, %ge3A_695 : vector<200x1xf32>
    %convert_element_type3A_697 = arith.extui %ge3A_696 : vector<200x1xi1> to vector<200x1xi32>
    %convert_element_type3A_698 = arith.sitofp %convert_element_type3A_697 : vector<200x1xi32> to vector<200x1xf32>
    %mul3A_699 = arith.mulf %slice3A_692, %convert_element_type3A_698 : vector<200x1xf32>
    %slice3A_700 = vector.extract_strided_slice %get3A_688 {offsets = [0, 0], sizes = [200, 1], strides = [1, 1]} : vector<200x128xf32> to vector<200x1xf32>
    %sub3A_701 = arith.subf %slice3A_700, %slice3A : vector<200x1xf32>
    %abs3A_702 = math.absf %sub3A_701 : vector<200x1xf32>
    %max3A_703 = arith.constant 1.000000e-07 : f32
    %max3A_704 = vector.broadcast %max3A_703 : f32 to vector<200x1xf32>
    %max3A_705 = arith.maximumf %abs3A_702, %max3A_704 : vector<200x1xf32>
    %log3A_706 = math.log %max3A_705 : vector<200x1xf32>
    %slice3A_707 = vector.extract_strided_slice %get3A_688 {offsets = [0, 1], sizes = [200, 1], strides = [1, 1]} : vector<200x128xf32> to vector<200x1xf32>
    %sub3A_708 = arith.subf %slice3A_707, %slice3A_2 : vector<200x1xf32>
    %abs3A_709 = math.absf %sub3A_708 : vector<200x1xf32>
    %max3A_710 = arith.constant 1.000000e-07 : f32
    %max3A_711 = vector.broadcast %max3A_710 : f32 to vector<200x1xf32>
    %max3A_712 = arith.maximumf %abs3A_709, %max3A_711 : vector<200x1xf32>
    %log3A_713 = math.log %max3A_712 : vector<200x1xf32>
    %slice3A_714 = vector.extract_strided_slice %get3A_688 {offsets = [0, 2], sizes = [200, 1], strides = [1, 1]} : vector<200x128xf32> to vector<200x1xf32>
    %sub3A_715 = arith.subf %slice3A_714, %slice3A_3 : vector<200x1xf32>
    %abs3A_716 = math.absf %sub3A_715 : vector<200x1xf32>
    %max3A_717 = arith.constant 1.000000e-07 : f32
    %max3A_718 = vector.broadcast %max3A_717 : f32 to vector<200x1xf32>
    %max3A_719 = arith.maximumf %abs3A_716, %max3A_718 : vector<200x1xf32>
    %log3A_720 = math.log %max3A_719 : vector<200x1xf32>
    %slice3A_721 = vector.extract_strided_slice %get3A_688 {offsets = [0, 3], sizes = [200, 1], strides = [1, 1]} : vector<200x128xf32> to vector<200x1xf32>
    %sub3A_722 = arith.subf %slice3A_721, %slice3A_4 : vector<200x1xf32>
    %abs3A_723 = math.absf %sub3A_722 : vector<200x1xf32>
    %max3A_724 = arith.constant 1.000000e-07 : f32
    %max3A_725 = vector.broadcast %max3A_724 : f32 to vector<200x1xf32>
    %max3A_726 = arith.maximumf %abs3A_723, %max3A_725 : vector<200x1xf32>
    %log3A_727 = math.log %max3A_726 : vector<200x1xf32>
    %mul3A_728 = arith.mulf %sub3A_7, %slice3A_693 : vector<200x1xf32>
    %mul3A_729 = arith.mulf %mul3A_728, %mul3A_699 : vector<200x1xf32>
    %mul3A_730 = arith.constant 6.28318548 : f32
    %mul3A_731 = vector.broadcast %mul3A_730 : f32 to vector<200x1xf32>
    %mul3A_732 = arith.mulf %mul3A_731, %log3A_706 : vector<200x1xf32>
    %mul3A_733 = vector.broadcast %mul3A_732 : vector<200x1xf32> to vector<200x128xf32>
    %mul3A_734 = vector.broadcast %get3A_10 : vector<1x128xf32> to vector<200x128xf32>
    %mul3A_735 = arith.mulf %mul3A_733, %mul3A_734 : vector<200x128xf32>
    %mul3A_736 = arith.constant 0.159154937 : f32
    %mul3A_737 = vector.broadcast %mul3A_736 : f32 to vector<200x128xf32>
    %mul3A_738 = arith.mulf %mul3A_735, %mul3A_737 : vector<200x128xf32>
    %round3A_739 = math.roundeven %mul3A_738 : vector<200x128xf32>
    %mul3A_740 = arith.constant 6.28318548 : f32
    %mul3A_741 = vector.broadcast %mul3A_740 : f32 to vector<200x128xf32>
    %mul3A_742 = arith.mulf %round3A_739, %mul3A_741 : vector<200x128xf32>
    %sub3A_743 = arith.subf %mul3A_735, %mul3A_742 : vector<200x128xf32>
    %mul3A_744 = arith.constant -1.74845553E-7 : f32
    %mul3A_745 = vector.broadcast %mul3A_744 : f32 to vector<200x128xf32>
    %mul3A_746 = arith.mulf %round3A_739, %mul3A_745 : vector<200x128xf32>
    %sub3A_747 = arith.subf %sub3A_743, %mul3A_746 : vector<200x128xf32>
    %mul3A_748 = arith.mulf %sub3A_747, %sub3A_747 : vector<200x128xf32>
    %mul3A_749 = arith.constant -2.03622115E-8 : f32
    %mul3A_750 = vector.broadcast %mul3A_749 : f32 to vector<200x128xf32>
    %mul3A_751 = arith.mulf %mul3A_750, %mul3A_748 : vector<200x128xf32>
    %add3A_752 = arith.constant 2.69971383E-6 : f32
    %add3A_753 = vector.broadcast %add3A_752 : f32 to vector<200x128xf32>
    %add3A_754 = arith.addf %mul3A_751, %add3A_753 : vector<200x128xf32>
    %mul3A_755 = arith.mulf %add3A_754, %mul3A_748 : vector<200x128xf32>
    %add3A_756 = arith.constant -1.98086331E-4 : f32
    %add3A_757 = vector.broadcast %add3A_756 : f32 to vector<200x128xf32>
    %add3A_758 = arith.addf %mul3A_755, %add3A_757 : vector<200x128xf32>
    %mul3A_759 = arith.mulf %add3A_758, %mul3A_748 : vector<200x128xf32>
    %add3A_760 = arith.constant 0.00833240337 : f32
    %add3A_761 = vector.broadcast %add3A_760 : f32 to vector<200x128xf32>
    %add3A_762 = arith.addf %mul3A_759, %add3A_761 : vector<200x128xf32>
    %mul3A_763 = arith.mulf %add3A_762, %mul3A_748 : vector<200x128xf32>
    %add3A_764 = arith.constant -0.166665524 : f32
    %add3A_765 = vector.broadcast %add3A_764 : f32 to vector<200x128xf32>
    %add3A_766 = arith.addf %mul3A_763, %add3A_765 : vector<200x128xf32>
    %mul3A_767 = arith.mulf %add3A_766, %mul3A_748 : vector<200x128xf32>
    %add3A_768 = arith.constant 0.999999582 : f32
    %add3A_769 = vector.broadcast %add3A_768 : f32 to vector<200x128xf32>
    %add3A_770 = arith.addf %mul3A_767, %add3A_769 : vector<200x128xf32>
    %mul3A_771 = arith.mulf %add3A_770, %sub3A_747 : vector<200x128xf32>
    %mul3A_772 = vector.broadcast %mul3A_729 : vector<200x1xf32> to vector<200x128xf32>
    %mul3A_773 = arith.mulf %mul3A_771, %mul3A_772 : vector<200x128xf32>
    %mul3A_774 = arith.constant 6.28318548 : f32
    %mul3A_775 = vector.broadcast %mul3A_774 : f32 to vector<200x1xf32>
    %mul3A_776 = arith.mulf %mul3A_775, %log3A_713 : vector<200x1xf32>
    %mul3A_777 = vector.broadcast %mul3A_776 : vector<200x1xf32> to vector<200x128xf32>
    %mul3A_778 = vector.broadcast %get3A_10 : vector<1x128xf32> to vector<200x128xf32>
    %mul3A_779 = arith.mulf %mul3A_777, %mul3A_778 : vector<200x128xf32>
    %mul3A_780 = arith.constant 0.159154937 : f32
    %mul3A_781 = vector.broadcast %mul3A_780 : f32 to vector<200x128xf32>
    %mul3A_782 = arith.mulf %mul3A_779, %mul3A_781 : vector<200x128xf32>
    %round3A_783 = math.roundeven %mul3A_782 : vector<200x128xf32>
    %mul3A_784 = arith.constant 6.28318548 : f32
    %mul3A_785 = vector.broadcast %mul3A_784 : f32 to vector<200x128xf32>
    %mul3A_786 = arith.mulf %round3A_783, %mul3A_785 : vector<200x128xf32>
    %sub3A_787 = arith.subf %mul3A_779, %mul3A_786 : vector<200x128xf32>
    %mul3A_788 = arith.constant -1.74845553E-7 : f32
    %mul3A_789 = vector.broadcast %mul3A_788 : f32 to vector<200x128xf32>
    %mul3A_790 = arith.mulf %round3A_783, %mul3A_789 : vector<200x128xf32>
    %sub3A_791 = arith.subf %sub3A_787, %mul3A_790 : vector<200x128xf32>
    %mul3A_792 = arith.mulf %sub3A_791, %sub3A_791 : vector<200x128xf32>
    %mul3A_793 = arith.constant 1.72450665E-9 : f32
    %mul3A_794 = vector.broadcast %mul3A_793 : f32 to vector<200x128xf32>
    %mul3A_795 = arith.mulf %mul3A_794, %mul3A_792 : vector<200x128xf32>
    %add3A_796 = arith.constant -2.70790252E-7 : f32
    %add3A_797 = vector.broadcast %add3A_796 : f32 to vector<200x128xf32>
    %add3A_798 = arith.addf %mul3A_795, %add3A_797 : vector<200x128xf32>
    %mul3A_799 = arith.mulf %add3A_798, %mul3A_792 : vector<200x128xf32>
    %add3A_800 = arith.constant 2.47698827E-5 : f32
    %add3A_801 = vector.broadcast %add3A_800 : f32 to vector<200x128xf32>
    %add3A_802 = arith.addf %mul3A_799, %add3A_801 : vector<200x128xf32>
    %mul3A_803 = arith.mulf %add3A_802, %mul3A_792 : vector<200x128xf32>
    %add3A_804 = arith.constant -0.00138878042 : f32
    %add3A_805 = vector.broadcast %add3A_804 : f32 to vector<200x128xf32>
    %add3A_806 = arith.addf %mul3A_803, %add3A_805 : vector<200x128xf32>
    %mul3A_807 = arith.mulf %add3A_806, %mul3A_792 : vector<200x128xf32>
    %add3A_808 = arith.constant 0.0416664891 : f32
    %add3A_809 = vector.broadcast %add3A_808 : f32 to vector<200x128xf32>
    %add3A_810 = arith.addf %mul3A_807, %add3A_809 : vector<200x128xf32>
    %mul3A_811 = arith.mulf %add3A_810, %mul3A_792 : vector<200x128xf32>
    %add3A_812 = arith.constant -0.499999881 : f32
    %add3A_813 = vector.broadcast %add3A_812 : f32 to vector<200x128xf32>
    %add3A_814 = arith.addf %mul3A_811, %add3A_813 : vector<200x128xf32>
    %mul3A_815 = arith.mulf %add3A_814, %mul3A_792 : vector<200x128xf32>
    %add3A_816 = arith.constant 1.000000e+00 : f32
    %add3A_817 = vector.broadcast %add3A_816 : f32 to vector<200x128xf32>
    %add3A_818 = arith.addf %mul3A_815, %add3A_817 : vector<200x128xf32>
    %mul3A_819 = vector.broadcast %mul3A_729 : vector<200x1xf32> to vector<200x128xf32>
    %mul3A_820 = arith.mulf %add3A_818, %mul3A_819 : vector<200x128xf32>
    %mul3A_821 = arith.constant 6.28318548 : f32
    %mul3A_822 = vector.broadcast %mul3A_821 : f32 to vector<200x1xf32>
    %mul3A_823 = arith.mulf %mul3A_822, %log3A_720 : vector<200x1xf32>
    %mul3A_824 = vector.broadcast %mul3A_823 : vector<200x1xf32> to vector<200x128xf32>
    %mul3A_825 = vector.broadcast %get3A_10 : vector<1x128xf32> to vector<200x128xf32>
    %mul3A_826 = arith.mulf %mul3A_824, %mul3A_825 : vector<200x128xf32>
    %mul3A_827 = arith.constant 0.159154937 : f32
    %mul3A_828 = vector.broadcast %mul3A_827 : f32 to vector<200x128xf32>
    %mul3A_829 = arith.mulf %mul3A_826, %mul3A_828 : vector<200x128xf32>
    %round3A_830 = math.roundeven %mul3A_829 : vector<200x128xf32>
    %mul3A_831 = arith.constant 6.28318548 : f32
    %mul3A_832 = vector.broadcast %mul3A_831 : f32 to vector<200x128xf32>
    %mul3A_833 = arith.mulf %round3A_830, %mul3A_832 : vector<200x128xf32>
    %sub3A_834 = arith.subf %mul3A_826, %mul3A_833 : vector<200x128xf32>
    %mul3A_835 = arith.constant -1.74845553E-7 : f32
    %mul3A_836 = vector.broadcast %mul3A_835 : f32 to vector<200x128xf32>
    %mul3A_837 = arith.mulf %round3A_830, %mul3A_836 : vector<200x128xf32>
    %sub3A_838 = arith.subf %sub3A_834, %mul3A_837 : vector<200x128xf32>
    %mul3A_839 = arith.mulf %sub3A_838, %sub3A_838 : vector<200x128xf32>
    %mul3A_840 = arith.constant -2.03622115E-8 : f32
    %mul3A_841 = vector.broadcast %mul3A_840 : f32 to vector<200x128xf32>
    %mul3A_842 = arith.mulf %mul3A_841, %mul3A_839 : vector<200x128xf32>
    %add3A_843 = arith.constant 2.69971383E-6 : f32
    %add3A_844 = vector.broadcast %add3A_843 : f32 to vector<200x128xf32>
    %add3A_845 = arith.addf %mul3A_842, %add3A_844 : vector<200x128xf32>
    %mul3A_846 = arith.mulf %add3A_845, %mul3A_839 : vector<200x128xf32>
    %add3A_847 = arith.constant -1.98086331E-4 : f32
    %add3A_848 = vector.broadcast %add3A_847 : f32 to vector<200x128xf32>
    %add3A_849 = arith.addf %mul3A_846, %add3A_848 : vector<200x128xf32>
    %mul3A_850 = arith.mulf %add3A_849, %mul3A_839 : vector<200x128xf32>
    %add3A_851 = arith.constant 0.00833240337 : f32
    %add3A_852 = vector.broadcast %add3A_851 : f32 to vector<200x128xf32>
    %add3A_853 = arith.addf %mul3A_850, %add3A_852 : vector<200x128xf32>
    %mul3A_854 = arith.mulf %add3A_853, %mul3A_839 : vector<200x128xf32>
    %add3A_855 = arith.constant -0.166665524 : f32
    %add3A_856 = vector.broadcast %add3A_855 : f32 to vector<200x128xf32>
    %add3A_857 = arith.addf %mul3A_854, %add3A_856 : vector<200x128xf32>
    %mul3A_858 = arith.mulf %add3A_857, %mul3A_839 : vector<200x128xf32>
    %add3A_859 = arith.constant 0.999999582 : f32
    %add3A_860 = vector.broadcast %add3A_859 : f32 to vector<200x128xf32>
    %add3A_861 = arith.addf %mul3A_858, %add3A_860 : vector<200x128xf32>
    %mul3A_862 = arith.mulf %add3A_861, %sub3A_838 : vector<200x128xf32>
    %mul3A_863 = vector.broadcast %mul3A_729 : vector<200x1xf32> to vector<200x128xf32>
    %mul3A_864 = arith.mulf %mul3A_862, %mul3A_863 : vector<200x128xf32>
    %mul3A_865 = arith.constant 6.28318548 : f32
    %mul3A_866 = vector.broadcast %mul3A_865 : f32 to vector<200x1xf32>
    %mul3A_867 = arith.mulf %mul3A_866, %log3A_727 : vector<200x1xf32>
    %mul3A_868 = vector.broadcast %mul3A_867 : vector<200x1xf32> to vector<200x128xf32>
    %mul3A_869 = vector.broadcast %get3A_10 : vector<1x128xf32> to vector<200x128xf32>
    %mul3A_870 = arith.mulf %mul3A_868, %mul3A_869 : vector<200x128xf32>
    %mul3A_871 = arith.constant 0.159154937 : f32
    %mul3A_872 = vector.broadcast %mul3A_871 : f32 to vector<200x128xf32>
    %mul3A_873 = arith.mulf %mul3A_870, %mul3A_872 : vector<200x128xf32>
    %round3A_874 = math.roundeven %mul3A_873 : vector<200x128xf32>
    %mul3A_875 = arith.constant 6.28318548 : f32
    %mul3A_876 = vector.broadcast %mul3A_875 : f32 to vector<200x128xf32>
    %mul3A_877 = arith.mulf %round3A_874, %mul3A_876 : vector<200x128xf32>
    %sub3A_878 = arith.subf %mul3A_870, %mul3A_877 : vector<200x128xf32>
    %mul3A_879 = arith.constant -1.74845553E-7 : f32
    %mul3A_880 = vector.broadcast %mul3A_879 : f32 to vector<200x128xf32>
    %mul3A_881 = arith.mulf %round3A_874, %mul3A_880 : vector<200x128xf32>
    %sub3A_882 = arith.subf %sub3A_878, %mul3A_881 : vector<200x128xf32>
    %mul3A_883 = arith.mulf %sub3A_882, %sub3A_882 : vector<200x128xf32>
    %mul3A_884 = arith.constant 1.72450665E-9 : f32
    %mul3A_885 = vector.broadcast %mul3A_884 : f32 to vector<200x128xf32>
    %mul3A_886 = arith.mulf %mul3A_885, %mul3A_883 : vector<200x128xf32>
    %add3A_887 = arith.constant -2.70790252E-7 : f32
    %add3A_888 = vector.broadcast %add3A_887 : f32 to vector<200x128xf32>
    %add3A_889 = arith.addf %mul3A_886, %add3A_888 : vector<200x128xf32>
    %mul3A_890 = arith.mulf %add3A_889, %mul3A_883 : vector<200x128xf32>
    %add3A_891 = arith.constant 2.47698827E-5 : f32
    %add3A_892 = vector.broadcast %add3A_891 : f32 to vector<200x128xf32>
    %add3A_893 = arith.addf %mul3A_890, %add3A_892 : vector<200x128xf32>
    %mul3A_894 = arith.mulf %add3A_893, %mul3A_883 : vector<200x128xf32>
    %add3A_895 = arith.constant -0.00138878042 : f32
    %add3A_896 = vector.broadcast %add3A_895 : f32 to vector<200x128xf32>
    %add3A_897 = arith.addf %mul3A_894, %add3A_896 : vector<200x128xf32>
    %mul3A_898 = arith.mulf %add3A_897, %mul3A_883 : vector<200x128xf32>
    %add3A_899 = arith.constant 0.0416664891 : f32
    %add3A_900 = vector.broadcast %add3A_899 : f32 to vector<200x128xf32>
    %add3A_901 = arith.addf %mul3A_898, %add3A_900 : vector<200x128xf32>
    %mul3A_902 = arith.mulf %add3A_901, %mul3A_883 : vector<200x128xf32>
    %add3A_903 = arith.constant -0.499999881 : f32
    %add3A_904 = vector.broadcast %add3A_903 : f32 to vector<200x128xf32>
    %add3A_905 = arith.addf %mul3A_902, %add3A_904 : vector<200x128xf32>
    %mul3A_906 = arith.mulf %add3A_905, %mul3A_883 : vector<200x128xf32>
    %add3A_907 = arith.constant 1.000000e+00 : f32
    %add3A_908 = vector.broadcast %add3A_907 : f32 to vector<200x128xf32>
    %add3A_909 = arith.addf %mul3A_906, %add3A_908 : vector<200x128xf32>
    %mul3A_910 = vector.broadcast %mul3A_729 : vector<200x1xf32> to vector<200x128xf32>
    %mul3A_911 = arith.mulf %add3A_909, %mul3A_910 : vector<200x128xf32>
    %concatenate3A_912 = tpu.concatenate %mul3A_773, %mul3A_820, %mul3A_864, %mul3A_911 in 1 : vector<200x128xf32>, vector<200x128xf32>, vector<200x128xf32>, vector<200x128xf32> -> vector<200x512xf32>
    %mul3A_913 = arith.mulf %get3A_691, %mul3A_699 : vector<200x1xf32>
    %get3A_914 = arith.constant 0 : index
    %get3A_915 = arith.constant 512 : index
    %get3A_916 = vector.load %arg3[%get3A_914, %get3A_915] : memref<200x1280xf32, #tpu.memory_space<vmem>>, vector<200x128xf32>
    %get3A_917 = arith.constant 0 : index
    %get3A_918 = arith.constant 4 : index
    %get3A_919 = vector.load %arg2[%get3A_917, %get3A_918] : memref<200x10xf32, #tpu.memory_space<vmem>>, vector<200x1xf32>
    %slice3A_920 = vector.extract_strided_slice %get3A_916 {offsets = [0, 4], sizes = [200, 1], strides = [1, 1]} : vector<200x128xf32> to vector<200x1xf32>
    %slice3A_921 = vector.extract_strided_slice %get3A_916 {offsets = [0, 5], sizes = [200, 1], strides = [1, 1]} : vector<200x128xf32> to vector<200x1xf32>
    %ge3A_922 = arith.constant 4.000000e-01 : f32
    %ge3A_923 = vector.broadcast %ge3A_922 : f32 to vector<200x1xf32>
    %ge3A_924 = arith.cmpf oge, %get3A_919, %ge3A_923 : vector<200x1xf32>
    %convert_element_type3A_925 = arith.extui %ge3A_924 : vector<200x1xi1> to vector<200x1xi32>
    %convert_element_type3A_926 = arith.sitofp %convert_element_type3A_925 : vector<200x1xi32> to vector<200x1xf32>
    %mul3A_927 = arith.mulf %slice3A_920, %convert_element_type3A_926 : vector<200x1xf32>
    %slice3A_928 = vector.extract_strided_slice %get3A_916 {offsets = [0, 0], sizes = [200, 1], strides = [1, 1]} : vector<200x128xf32> to vector<200x1xf32>
    %sub3A_929 = arith.subf %slice3A_928, %slice3A : vector<200x1xf32>
    %abs3A_930 = math.absf %sub3A_929 : vector<200x1xf32>
    %max3A_931 = arith.constant 1.000000e-07 : f32
    %max3A_932 = vector.broadcast %max3A_931 : f32 to vector<200x1xf32>
    %max3A_933 = arith.maximumf %abs3A_930, %max3A_932 : vector<200x1xf32>
    %log3A_934 = math.log %max3A_933 : vector<200x1xf32>
    %slice3A_935 = vector.extract_strided_slice %get3A_916 {offsets = [0, 1], sizes = [200, 1], strides = [1, 1]} : vector<200x128xf32> to vector<200x1xf32>
    %sub3A_936 = arith.subf %slice3A_935, %slice3A_2 : vector<200x1xf32>
    %abs3A_937 = math.absf %sub3A_936 : vector<200x1xf32>
    %max3A_938 = arith.constant 1.000000e-07 : f32
    %max3A_939 = vector.broadcast %max3A_938 : f32 to vector<200x1xf32>
    %max3A_940 = arith.maximumf %abs3A_937, %max3A_939 : vector<200x1xf32>
    %log3A_941 = math.log %max3A_940 : vector<200x1xf32>
    %slice3A_942 = vector.extract_strided_slice %get3A_916 {offsets = [0, 2], sizes = [200, 1], strides = [1, 1]} : vector<200x128xf32> to vector<200x1xf32>
    %sub3A_943 = arith.subf %slice3A_942, %slice3A_3 : vector<200x1xf32>
    %abs3A_944 = math.absf %sub3A_943 : vector<200x1xf32>
    %max3A_945 = arith.constant 1.000000e-07 : f32
    %max3A_946 = vector.broadcast %max3A_945 : f32 to vector<200x1xf32>
    %max3A_947 = arith.maximumf %abs3A_944, %max3A_946 : vector<200x1xf32>
    %log3A_948 = math.log %max3A_947 : vector<200x1xf32>
    %slice3A_949 = vector.extract_strided_slice %get3A_916 {offsets = [0, 3], sizes = [200, 1], strides = [1, 1]} : vector<200x128xf32> to vector<200x1xf32>
    %sub3A_950 = arith.subf %slice3A_949, %slice3A_4 : vector<200x1xf32>
    %abs3A_951 = math.absf %sub3A_950 : vector<200x1xf32>
    %max3A_952 = arith.constant 1.000000e-07 : f32
    %max3A_953 = vector.broadcast %max3A_952 : f32 to vector<200x1xf32>
    %max3A_954 = arith.maximumf %abs3A_951, %max3A_953 : vector<200x1xf32>
    %log3A_955 = math.log %max3A_954 : vector<200x1xf32>
    %mul3A_956 = arith.mulf %sub3A_7, %slice3A_921 : vector<200x1xf32>
    %mul3A_957 = arith.mulf %mul3A_956, %mul3A_927 : vector<200x1xf32>
    %mul3A_958 = arith.constant 6.28318548 : f32
    %mul3A_959 = vector.broadcast %mul3A_958 : f32 to vector<200x1xf32>
    %mul3A_960 = arith.mulf %mul3A_959, %log3A_934 : vector<200x1xf32>
    %mul3A_961 = vector.broadcast %mul3A_960 : vector<200x1xf32> to vector<200x128xf32>
    %mul3A_962 = vector.broadcast %get3A_10 : vector<1x128xf32> to vector<200x128xf32>
    %mul3A_963 = arith.mulf %mul3A_961, %mul3A_962 : vector<200x128xf32>
    %mul3A_964 = arith.constant 0.159154937 : f32
    %mul3A_965 = vector.broadcast %mul3A_964 : f32 to vector<200x128xf32>
    %mul3A_966 = arith.mulf %mul3A_963, %mul3A_965 : vector<200x128xf32>
    %round3A_967 = math.roundeven %mul3A_966 : vector<200x128xf32>
    %mul3A_968 = arith.constant 6.28318548 : f32
    %mul3A_969 = vector.broadcast %mul3A_968 : f32 to vector<200x128xf32>
    %mul3A_970 = arith.mulf %round3A_967, %mul3A_969 : vector<200x128xf32>
    %sub3A_971 = arith.subf %mul3A_963, %mul3A_970 : vector<200x128xf32>
    %mul3A_972 = arith.constant -1.74845553E-7 : f32
    %mul3A_973 = vector.broadcast %mul3A_972 : f32 to vector<200x128xf32>
    %mul3A_974 = arith.mulf %round3A_967, %mul3A_973 : vector<200x128xf32>
    %sub3A_975 = arith.subf %sub3A_971, %mul3A_974 : vector<200x128xf32>
    %mul3A_976 = arith.mulf %sub3A_975, %sub3A_975 : vector<200x128xf32>
    %mul3A_977 = arith.constant -2.03622115E-8 : f32
    %mul3A_978 = vector.broadcast %mul3A_977 : f32 to vector<200x128xf32>
    %mul3A_979 = arith.mulf %mul3A_978, %mul3A_976 : vector<200x128xf32>
    %add3A_980 = arith.constant 2.69971383E-6 : f32
    %add3A_981 = vector.broadcast %add3A_980 : f32 to vector<200x128xf32>
    %add3A_982 = arith.addf %mul3A_979, %add3A_981 : vector<200x128xf32>
    %mul3A_983 = arith.mulf %add3A_982, %mul3A_976 : vector<200x128xf32>
    %add3A_984 = arith.constant -1.98086331E-4 : f32
    %add3A_985 = vector.broadcast %add3A_984 : f32 to vector<200x128xf32>
    %add3A_986 = arith.addf %mul3A_983, %add3A_985 : vector<200x128xf32>
    %mul3A_987 = arith.mulf %add3A_986, %mul3A_976 : vector<200x128xf32>
    %add3A_988 = arith.constant 0.00833240337 : f32
    %add3A_989 = vector.broadcast %add3A_988 : f32 to vector<200x128xf32>
    %add3A_990 = arith.addf %mul3A_987, %add3A_989 : vector<200x128xf32>
    %mul3A_991 = arith.mulf %add3A_990, %mul3A_976 : vector<200x128xf32>
    %add3A_992 = arith.constant -0.166665524 : f32
    %add3A_993 = vector.broadcast %add3A_992 : f32 to vector<200x128xf32>
    %add3A_994 = arith.addf %mul3A_991, %add3A_993 : vector<200x128xf32>
    %mul3A_995 = arith.mulf %add3A_994, %mul3A_976 : vector<200x128xf32>
    %add3A_996 = arith.constant 0.999999582 : f32
    %add3A_997 = vector.broadcast %add3A_996 : f32 to vector<200x128xf32>
    %add3A_998 = arith.addf %mul3A_995, %add3A_997 : vector<200x128xf32>
    %mul3A_999 = arith.mulf %add3A_998, %sub3A_975 : vector<200x128xf32>
    %mul3A_1000 = vector.broadcast %mul3A_957 : vector<200x1xf32> to vector<200x128xf32>
    %mul3A_1001 = arith.mulf %mul3A_999, %mul3A_1000 : vector<200x128xf32>
    %mul3A_1002 = arith.constant 6.28318548 : f32
    %mul3A_1003 = vector.broadcast %mul3A_1002 : f32 to vector<200x1xf32>
    %mul3A_1004 = arith.mulf %mul3A_1003, %log3A_941 : vector<200x1xf32>
    %mul3A_1005 = vector.broadcast %mul3A_1004 : vector<200x1xf32> to vector<200x128xf32>
    %mul3A_1006 = vector.broadcast %get3A_10 : vector<1x128xf32> to vector<200x128xf32>
    %mul3A_1007 = arith.mulf %mul3A_1005, %mul3A_1006 : vector<200x128xf32>
    %mul3A_1008 = arith.constant 0.159154937 : f32
    %mul3A_1009 = vector.broadcast %mul3A_1008 : f32 to vector<200x128xf32>
    %mul3A_1010 = arith.mulf %mul3A_1007, %mul3A_1009 : vector<200x128xf32>
    %round3A_1011 = math.roundeven %mul3A_1010 : vector<200x128xf32>
    %mul3A_1012 = arith.constant 6.28318548 : f32
    %mul3A_1013 = vector.broadcast %mul3A_1012 : f32 to vector<200x128xf32>
    %mul3A_1014 = arith.mulf %round3A_1011, %mul3A_1013 : vector<200x128xf32>
    %sub3A_1015 = arith.subf %mul3A_1007, %mul3A_1014 : vector<200x128xf32>
    %mul3A_1016 = arith.constant -1.74845553E-7 : f32
    %mul3A_1017 = vector.broadcast %mul3A_1016 : f32 to vector<200x128xf32>
    %mul3A_1018 = arith.mulf %round3A_1011, %mul3A_1017 : vector<200x128xf32>
    %sub3A_1019 = arith.subf %sub3A_1015, %mul3A_1018 : vector<200x128xf32>
    %mul3A_1020 = arith.mulf %sub3A_1019, %sub3A_1019 : vector<200x128xf32>
    %mul3A_1021 = arith.constant 1.72450665E-9 : f32
    %mul3A_1022 = vector.broadcast %mul3A_1021 : f32 to vector<200x128xf32>
    %mul3A_1023 = arith.mulf %mul3A_1022, %mul3A_1020 : vector<200x128xf32>
    %add3A_1024 = arith.constant -2.70790252E-7 : f32
    %add3A_1025 = vector.broadcast %add3A_1024 : f32 to vector<200x128xf32>
    %add3A_1026 = arith.addf %mul3A_1023, %add3A_1025 : vector<200x128xf32>
    %mul3A_1027 = arith.mulf %add3A_1026, %mul3A_1020 : vector<200x128xf32>
    %add3A_1028 = arith.constant 2.47698827E-5 : f32
    %add3A_1029 = vector.broadcast %add3A_1028 : f32 to vector<200x128xf32>
    %add3A_1030 = arith.addf %mul3A_1027, %add3A_1029 : vector<200x128xf32>
    %mul3A_1031 = arith.mulf %add3A_1030, %mul3A_1020 : vector<200x128xf32>
    %add3A_1032 = arith.constant -0.00138878042 : f32
    %add3A_1033 = vector.broadcast %add3A_1032 : f32 to vector<200x128xf32>
    %add3A_1034 = arith.addf %mul3A_1031, %add3A_1033 : vector<200x128xf32>
    %mul3A_1035 = arith.mulf %add3A_1034, %mul3A_1020 : vector<200x128xf32>
    %add3A_1036 = arith.constant 0.0416664891 : f32
    %add3A_1037 = vector.broadcast %add3A_1036 : f32 to vector<200x128xf32>
    %add3A_1038 = arith.addf %mul3A_1035, %add3A_1037 : vector<200x128xf32>
    %mul3A_1039 = arith.mulf %add3A_1038, %mul3A_1020 : vector<200x128xf32>
    %add3A_1040 = arith.constant -0.499999881 : f32
    %add3A_1041 = vector.broadcast %add3A_1040 : f32 to vector<200x128xf32>
    %add3A_1042 = arith.addf %mul3A_1039, %add3A_1041 : vector<200x128xf32>
    %mul3A_1043 = arith.mulf %add3A_1042, %mul3A_1020 : vector<200x128xf32>
    %add3A_1044 = arith.constant 1.000000e+00 : f32
    %add3A_1045 = vector.broadcast %add3A_1044 : f32 to vector<200x128xf32>
    %add3A_1046 = arith.addf %mul3A_1043, %add3A_1045 : vector<200x128xf32>
    %mul3A_1047 = vector.broadcast %mul3A_957 : vector<200x1xf32> to vector<200x128xf32>
    %mul3A_1048 = arith.mulf %add3A_1046, %mul3A_1047 : vector<200x128xf32>
    %mul3A_1049 = arith.constant 6.28318548 : f32
    %mul3A_1050 = vector.broadcast %mul3A_1049 : f32 to vector<200x1xf32>
    %mul3A_1051 = arith.mulf %mul3A_1050, %log3A_948 : vector<200x1xf32>
    %mul3A_1052 = vector.broadcast %mul3A_1051 : vector<200x1xf32> to vector<200x128xf32>
    %mul3A_1053 = vector.broadcast %get3A_10 : vector<1x128xf32> to vector<200x128xf32>
    %mul3A_1054 = arith.mulf %mul3A_1052, %mul3A_1053 : vector<200x128xf32>
    %mul3A_1055 = arith.constant 0.159154937 : f32
    %mul3A_1056 = vector.broadcast %mul3A_1055 : f32 to vector<200x128xf32>
    %mul3A_1057 = arith.mulf %mul3A_1054, %mul3A_1056 : vector<200x128xf32>
    %round3A_1058 = math.roundeven %mul3A_1057 : vector<200x128xf32>
    %mul3A_1059 = arith.constant 6.28318548 : f32
    %mul3A_1060 = vector.broadcast %mul3A_1059 : f32 to vector<200x128xf32>
    %mul3A_1061 = arith.mulf %round3A_1058, %mul3A_1060 : vector<200x128xf32>
    %sub3A_1062 = arith.subf %mul3A_1054, %mul3A_1061 : vector<200x128xf32>
    %mul3A_1063 = arith.constant -1.74845553E-7 : f32
    %mul3A_1064 = vector.broadcast %mul3A_1063 : f32 to vector<200x128xf32>
    %mul3A_1065 = arith.mulf %round3A_1058, %mul3A_1064 : vector<200x128xf32>
    %sub3A_1066 = arith.subf %sub3A_1062, %mul3A_1065 : vector<200x128xf32>
    %mul3A_1067 = arith.mulf %sub3A_1066, %sub3A_1066 : vector<200x128xf32>
    %mul3A_1068 = arith.constant -2.03622115E-8 : f32
    %mul3A_1069 = vector.broadcast %mul3A_1068 : f32 to vector<200x128xf32>
    %mul3A_1070 = arith.mulf %mul3A_1069, %mul3A_1067 : vector<200x128xf32>
    %add3A_1071 = arith.constant 2.69971383E-6 : f32
    %add3A_1072 = vector.broadcast %add3A_1071 : f32 to vector<200x128xf32>
    %add3A_1073 = arith.addf %mul3A_1070, %add3A_1072 : vector<200x128xf32>
    %mul3A_1074 = arith.mulf %add3A_1073, %mul3A_1067 : vector<200x128xf32>
    %add3A_1075 = arith.constant -1.98086331E-4 : f32
    %add3A_1076 = vector.broadcast %add3A_1075 : f32 to vector<200x128xf32>
    %add3A_1077 = arith.addf %mul3A_1074, %add3A_1076 : vector<200x128xf32>
    %mul3A_1078 = arith.mulf %add3A_1077, %mul3A_1067 : vector<200x128xf32>
    %add3A_1079 = arith.constant 0.00833240337 : f32
    %add3A_1080 = vector.broadcast %add3A_1079 : f32 to vector<200x128xf32>
    %add3A_1081 = arith.addf %mul3A_1078, %add3A_1080 : vector<200x128xf32>
    %mul3A_1082 = arith.mulf %add3A_1081, %mul3A_1067 : vector<200x128xf32>
    %add3A_1083 = arith.constant -0.166665524 : f32
    %add3A_1084 = vector.broadcast %add3A_1083 : f32 to vector<200x128xf32>
    %add3A_1085 = arith.addf %mul3A_1082, %add3A_1084 : vector<200x128xf32>
    %mul3A_1086 = arith.mulf %add3A_1085, %mul3A_1067 : vector<200x128xf32>
    %add3A_1087 = arith.constant 0.999999582 : f32
    %add3A_1088 = vector.broadcast %add3A_1087 : f32 to vector<200x128xf32>
    %add3A_1089 = arith.addf %mul3A_1086, %add3A_1088 : vector<200x128xf32>
    %mul3A_1090 = arith.mulf %add3A_1089, %sub3A_1066 : vector<200x128xf32>
    %mul3A_1091 = vector.broadcast %mul3A_957 : vector<200x1xf32> to vector<200x128xf32>
    %mul3A_1092 = arith.mulf %mul3A_1090, %mul3A_1091 : vector<200x128xf32>
    %mul3A_1093 = arith.constant 6.28318548 : f32
    %mul3A_1094 = vector.broadcast %mul3A_1093 : f32 to vector<200x1xf32>
    %mul3A_1095 = arith.mulf %mul3A_1094, %log3A_955 : vector<200x1xf32>
    %mul3A_1096 = vector.broadcast %mul3A_1095 : vector<200x1xf32> to vector<200x128xf32>
    %mul3A_1097 = vector.broadcast %get3A_10 : vector<1x128xf32> to vector<200x128xf32>
    %mul3A_1098 = arith.mulf %mul3A_1096, %mul3A_1097 : vector<200x128xf32>
    %mul3A_1099 = arith.constant 0.159154937 : f32
    %mul3A_1100 = vector.broadcast %mul3A_1099 : f32 to vector<200x128xf32>
    %mul3A_1101 = arith.mulf %mul3A_1098, %mul3A_1100 : vector<200x128xf32>
    %round3A_1102 = math.roundeven %mul3A_1101 : vector<200x128xf32>
    %mul3A_1103 = arith.constant 6.28318548 : f32
    %mul3A_1104 = vector.broadcast %mul3A_1103 : f32 to vector<200x128xf32>
    %mul3A_1105 = arith.mulf %round3A_1102, %mul3A_1104 : vector<200x128xf32>
    %sub3A_1106 = arith.subf %mul3A_1098, %mul3A_1105 : vector<200x128xf32>
    %mul3A_1107 = arith.constant -1.74845553E-7 : f32
    %mul3A_1108 = vector.broadcast %mul3A_1107 : f32 to vector<200x128xf32>
    %mul3A_1109 = arith.mulf %round3A_1102, %mul3A_1108 : vector<200x128xf32>
    %sub3A_1110 = arith.subf %sub3A_1106, %mul3A_1109 : vector<200x128xf32>
    %mul3A_1111 = arith.mulf %sub3A_1110, %sub3A_1110 : vector<200x128xf32>
    %mul3A_1112 = arith.constant 1.72450665E-9 : f32
    %mul3A_1113 = vector.broadcast %mul3A_1112 : f32 to vector<200x128xf32>
    %mul3A_1114 = arith.mulf %mul3A_1113, %mul3A_1111 : vector<200x128xf32>
    %add3A_1115 = arith.constant -2.70790252E-7 : f32
    %add3A_1116 = vector.broadcast %add3A_1115 : f32 to vector<200x128xf32>
    %add3A_1117 = arith.addf %mul3A_1114, %add3A_1116 : vector<200x128xf32>
    %mul3A_1118 = arith.mulf %add3A_1117, %mul3A_1111 : vector<200x128xf32>
    %add3A_1119 = arith.constant 2.47698827E-5 : f32
    %add3A_1120 = vector.broadcast %add3A_1119 : f32 to vector<200x128xf32>
    %add3A_1121 = arith.addf %mul3A_1118, %add3A_1120 : vector<200x128xf32>
    %mul3A_1122 = arith.mulf %add3A_1121, %mul3A_1111 : vector<200x128xf32>
    %add3A_1123 = arith.constant -0.00138878042 : f32
    %add3A_1124 = vector.broadcast %add3A_1123 : f32 to vector<200x128xf32>
    %add3A_1125 = arith.addf %mul3A_1122, %add3A_1124 : vector<200x128xf32>
    %mul3A_1126 = arith.mulf %add3A_1125, %mul3A_1111 : vector<200x128xf32>
    %add3A_1127 = arith.constant 0.0416664891 : f32
    %add3A_1128 = vector.broadcast %add3A_1127 : f32 to vector<200x128xf32>
    %add3A_1129 = arith.addf %mul3A_1126, %add3A_1128 : vector<200x128xf32>
    %mul3A_1130 = arith.mulf %add3A_1129, %mul3A_1111 : vector<200x128xf32>
    %add3A_1131 = arith.constant -0.499999881 : f32
    %add3A_1132 = vector.broadcast %add3A_1131 : f32 to vector<200x128xf32>
    %add3A_1133 = arith.addf %mul3A_1130, %add3A_1132 : vector<200x128xf32>
    %mul3A_1134 = arith.mulf %add3A_1133, %mul3A_1111 : vector<200x128xf32>
    %add3A_1135 = arith.constant 1.000000e+00 : f32
    %add3A_1136 = vector.broadcast %add3A_1135 : f32 to vector<200x128xf32>
    %add3A_1137 = arith.addf %mul3A_1134, %add3A_1136 : vector<200x128xf32>
    %mul3A_1138 = vector.broadcast %mul3A_957 : vector<200x1xf32> to vector<200x128xf32>
    %mul3A_1139 = arith.mulf %add3A_1137, %mul3A_1138 : vector<200x128xf32>
    %concatenate3A_1140 = tpu.concatenate %mul3A_1001, %mul3A_1048, %mul3A_1092, %mul3A_1139 in 1 : vector<200x128xf32>, vector<200x128xf32>, vector<200x128xf32>, vector<200x128xf32> -> vector<200x512xf32>
    %mul3A_1141 = arith.mulf %get3A_919, %mul3A_927 : vector<200x1xf32>
    %get3A_1142 = arith.constant 0 : index
    %get3A_1143 = arith.constant 640 : index
    %get3A_1144 = vector.load %arg3[%get3A_1142, %get3A_1143] : memref<200x1280xf32, #tpu.memory_space<vmem>>, vector<200x128xf32>
    %get3A_1145 = arith.constant 0 : index
    %get3A_1146 = arith.constant 5 : index
    %get3A_1147 = vector.load %arg2[%get3A_1145, %get3A_1146] : memref<200x10xf32, #tpu.memory_space<vmem>>, vector<200x1xf32>
    %slice3A_1148 = vector.extract_strided_slice %get3A_1144 {offsets = [0, 4], sizes = [200, 1], strides = [1, 1]} : vector<200x128xf32> to vector<200x1xf32>
    %slice3A_1149 = vector.extract_strided_slice %get3A_1144 {offsets = [0, 5], sizes = [200, 1], strides = [1, 1]} : vector<200x128xf32> to vector<200x1xf32>
    %ge3A_1150 = arith.constant 4.000000e-01 : f32
    %ge3A_1151 = vector.broadcast %ge3A_1150 : f32 to vector<200x1xf32>
    %ge3A_1152 = arith.cmpf oge, %get3A_1147, %ge3A_1151 : vector<200x1xf32>
    %convert_element_type3A_1153 = arith.extui %ge3A_1152 : vector<200x1xi1> to vector<200x1xi32>
    %convert_element_type3A_1154 = arith.sitofp %convert_element_type3A_1153 : vector<200x1xi32> to vector<200x1xf32>
    %mul3A_1155 = arith.mulf %slice3A_1148, %convert_element_type3A_1154 : vector<200x1xf32>
    %slice3A_1156 = vector.extract_strided_slice %get3A_1144 {offsets = [0, 0], sizes = [200, 1], strides = [1, 1]} : vector<200x128xf32> to vector<200x1xf32>
    %sub3A_1157 = arith.subf %slice3A_1156, %slice3A : vector<200x1xf32>
    %abs3A_1158 = math.absf %sub3A_1157 : vector<200x1xf32>
    %max3A_1159 = arith.constant 1.000000e-07 : f32
    %max3A_1160 = vector.broadcast %max3A_1159 : f32 to vector<200x1xf32>
    %max3A_1161 = arith.maximumf %abs3A_1158, %max3A_1160 : vector<200x1xf32>
    %log3A_1162 = math.log %max3A_1161 : vector<200x1xf32>
    %slice3A_1163 = vector.extract_strided_slice %get3A_1144 {offsets = [0, 1], sizes = [200, 1], strides = [1, 1]} : vector<200x128xf32> to vector<200x1xf32>
    %sub3A_1164 = arith.subf %slice3A_1163, %slice3A_2 : vector<200x1xf32>
    %abs3A_1165 = math.absf %sub3A_1164 : vector<200x1xf32>
    %max3A_1166 = arith.constant 1.000000e-07 : f32
    %max3A_1167 = vector.broadcast %max3A_1166 : f32 to vector<200x1xf32>
    %max3A_1168 = arith.maximumf %abs3A_1165, %max3A_1167 : vector<200x1xf32>
    %log3A_1169 = math.log %max3A_1168 : vector<200x1xf32>
    %slice3A_1170 = vector.extract_strided_slice %get3A_1144 {offsets = [0, 2], sizes = [200, 1], strides = [1, 1]} : vector<200x128xf32> to vector<200x1xf32>
    %sub3A_1171 = arith.subf %slice3A_1170, %slice3A_3 : vector<200x1xf32>
    %abs3A_1172 = math.absf %sub3A_1171 : vector<200x1xf32>
    %max3A_1173 = arith.constant 1.000000e-07 : f32
    %max3A_1174 = vector.broadcast %max3A_1173 : f32 to vector<200x1xf32>
    %max3A_1175 = arith.maximumf %abs3A_1172, %max3A_1174 : vector<200x1xf32>
    %log3A_1176 = math.log %max3A_1175 : vector<200x1xf32>
    %slice3A_1177 = vector.extract_strided_slice %get3A_1144 {offsets = [0, 3], sizes = [200, 1], strides = [1, 1]} : vector<200x128xf32> to vector<200x1xf32>
    %sub3A_1178 = arith.subf %slice3A_1177, %slice3A_4 : vector<200x1xf32>
    %abs3A_1179 = math.absf %sub3A_1178 : vector<200x1xf32>
    %max3A_1180 = arith.constant 1.000000e-07 : f32
    %max3A_1181 = vector.broadcast %max3A_1180 : f32 to vector<200x1xf32>
    %max3A_1182 = arith.maximumf %abs3A_1179, %max3A_1181 : vector<200x1xf32>
    %log3A_1183 = math.log %max3A_1182 : vector<200x1xf32>
    %mul3A_1184 = arith.mulf %sub3A_7, %slice3A_1149 : vector<200x1xf32>
    %mul3A_1185 = arith.mulf %mul3A_1184, %mul3A_1155 : vector<200x1xf32>
    %mul3A_1186 = arith.constant 6.28318548 : f32
    %mul3A_1187 = vector.broadcast %mul3A_1186 : f32 to vector<200x1xf32>
    %mul3A_1188 = arith.mulf %mul3A_1187, %log3A_1162 : vector<200x1xf32>
    %mul3A_1189 = vector.broadcast %mul3A_1188 : vector<200x1xf32> to vector<200x128xf32>
    %mul3A_1190 = vector.broadcast %get3A_10 : vector<1x128xf32> to vector<200x128xf32>
    %mul3A_1191 = arith.mulf %mul3A_1189, %mul3A_1190 : vector<200x128xf32>
    %mul3A_1192 = arith.constant 0.159154937 : f32
    %mul3A_1193 = vector.broadcast %mul3A_1192 : f32 to vector<200x128xf32>
    %mul3A_1194 = arith.mulf %mul3A_1191, %mul3A_1193 : vector<200x128xf32>
    %round3A_1195 = math.roundeven %mul3A_1194 : vector<200x128xf32>
    %mul3A_1196 = arith.constant 6.28318548 : f32
    %mul3A_1197 = vector.broadcast %mul3A_1196 : f32 to vector<200x128xf32>
    %mul3A_1198 = arith.mulf %round3A_1195, %mul3A_1197 : vector<200x128xf32>
    %sub3A_1199 = arith.subf %mul3A_1191, %mul3A_1198 : vector<200x128xf32>
    %mul3A_1200 = arith.constant -1.74845553E-7 : f32
    %mul3A_1201 = vector.broadcast %mul3A_1200 : f32 to vector<200x128xf32>
    %mul3A_1202 = arith.mulf %round3A_1195, %mul3A_1201 : vector<200x128xf32>
    %sub3A_1203 = arith.subf %sub3A_1199, %mul3A_1202 : vector<200x128xf32>
    %mul3A_1204 = arith.mulf %sub3A_1203, %sub3A_1203 : vector<200x128xf32>
    %mul3A_1205 = arith.constant -2.03622115E-8 : f32
    %mul3A_1206 = vector.broadcast %mul3A_1205 : f32 to vector<200x128xf32>
    %mul3A_1207 = arith.mulf %mul3A_1206, %mul3A_1204 : vector<200x128xf32>
    %add3A_1208 = arith.constant 2.69971383E-6 : f32
    %add3A_1209 = vector.broadcast %add3A_1208 : f32 to vector<200x128xf32>
    %add3A_1210 = arith.addf %mul3A_1207, %add3A_1209 : vector<200x128xf32>
    %mul3A_1211 = arith.mulf %add3A_1210, %mul3A_1204 : vector<200x128xf32>
    %add3A_1212 = arith.constant -1.98086331E-4 : f32
    %add3A_1213 = vector.broadcast %add3A_1212 : f32 to vector<200x128xf32>
    %add3A_1214 = arith.addf %mul3A_1211, %add3A_1213 : vector<200x128xf32>
    %mul3A_1215 = arith.mulf %add3A_1214, %mul3A_1204 : vector<200x128xf32>
    %add3A_1216 = arith.constant 0.00833240337 : f32
    %add3A_1217 = vector.broadcast %add3A_1216 : f32 to vector<200x128xf32>
    %add3A_1218 = arith.addf %mul3A_1215, %add3A_1217 : vector<200x128xf32>
    %mul3A_1219 = arith.mulf %add3A_1218, %mul3A_1204 : vector<200x128xf32>
    %add3A_1220 = arith.constant -0.166665524 : f32
    %add3A_1221 = vector.broadcast %add3A_1220 : f32 to vector<200x128xf32>
    %add3A_1222 = arith.addf %mul3A_1219, %add3A_1221 : vector<200x128xf32>
    %mul3A_1223 = arith.mulf %add3A_1222, %mul3A_1204 : vector<200x128xf32>
    %add3A_1224 = arith.constant 0.999999582 : f32
    %add3A_1225 = vector.broadcast %add3A_1224 : f32 to vector<200x128xf32>
    %add3A_1226 = arith.addf %mul3A_1223, %add3A_1225 : vector<200x128xf32>
    %mul3A_1227 = arith.mulf %add3A_1226, %sub3A_1203 : vector<200x128xf32>
    %mul3A_1228 = vector.broadcast %mul3A_1185 : vector<200x1xf32> to vector<200x128xf32>
    %mul3A_1229 = arith.mulf %mul3A_1227, %mul3A_1228 : vector<200x128xf32>
    %mul3A_1230 = arith.constant 6.28318548 : f32
    %mul3A_1231 = vector.broadcast %mul3A_1230 : f32 to vector<200x1xf32>
    %mul3A_1232 = arith.mulf %mul3A_1231, %log3A_1169 : vector<200x1xf32>
    %mul3A_1233 = vector.broadcast %mul3A_1232 : vector<200x1xf32> to vector<200x128xf32>
    %mul3A_1234 = vector.broadcast %get3A_10 : vector<1x128xf32> to vector<200x128xf32>
    %mul3A_1235 = arith.mulf %mul3A_1233, %mul3A_1234 : vector<200x128xf32>
    %mul3A_1236 = arith.constant 0.159154937 : f32
    %mul3A_1237 = vector.broadcast %mul3A_1236 : f32 to vector<200x128xf32>
    %mul3A_1238 = arith.mulf %mul3A_1235, %mul3A_1237 : vector<200x128xf32>
    %round3A_1239 = math.roundeven %mul3A_1238 : vector<200x128xf32>
    %mul3A_1240 = arith.constant 6.28318548 : f32
    %mul3A_1241 = vector.broadcast %mul3A_1240 : f32 to vector<200x128xf32>
    %mul3A_1242 = arith.mulf %round3A_1239, %mul3A_1241 : vector<200x128xf32>
    %sub3A_1243 = arith.subf %mul3A_1235, %mul3A_1242 : vector<200x128xf32>
    %mul3A_1244 = arith.constant -1.74845553E-7 : f32
    %mul3A_1245 = vector.broadcast %mul3A_1244 : f32 to vector<200x128xf32>
    %mul3A_1246 = arith.mulf %round3A_1239, %mul3A_1245 : vector<200x128xf32>
    %sub3A_1247 = arith.subf %sub3A_1243, %mul3A_1246 : vector<200x128xf32>
    %mul3A_1248 = arith.mulf %sub3A_1247, %sub3A_1247 : vector<200x128xf32>
    %mul3A_1249 = arith.constant 1.72450665E-9 : f32
    %mul3A_1250 = vector.broadcast %mul3A_1249 : f32 to vector<200x128xf32>
    %mul3A_1251 = arith.mulf %mul3A_1250, %mul3A_1248 : vector<200x128xf32>
    %add3A_1252 = arith.constant -2.70790252E-7 : f32
    %add3A_1253 = vector.broadcast %add3A_1252 : f32 to vector<200x128xf32>
    %add3A_1254 = arith.addf %mul3A_1251, %add3A_1253 : vector<200x128xf32>
    %mul3A_1255 = arith.mulf %add3A_1254, %mul3A_1248 : vector<200x128xf32>
    %add3A_1256 = arith.constant 2.47698827E-5 : f32
    %add3A_1257 = vector.broadcast %add3A_1256 : f32 to vector<200x128xf32>
    %add3A_1258 = arith.addf %mul3A_1255, %add3A_1257 : vector<200x128xf32>
    %mul3A_1259 = arith.mulf %add3A_1258, %mul3A_1248 : vector<200x128xf32>
    %add3A_1260 = arith.constant -0.00138878042 : f32
    %add3A_1261 = vector.broadcast %add3A_1260 : f32 to vector<200x128xf32>
    %add3A_1262 = arith.addf %mul3A_1259, %add3A_1261 : vector<200x128xf32>
    %mul3A_1263 = arith.mulf %add3A_1262, %mul3A_1248 : vector<200x128xf32>
    %add3A_1264 = arith.constant 0.0416664891 : f32
    %add3A_1265 = vector.broadcast %add3A_1264 : f32 to vector<200x128xf32>
    %add3A_1266 = arith.addf %mul3A_1263, %add3A_1265 : vector<200x128xf32>
    %mul3A_1267 = arith.mulf %add3A_1266, %mul3A_1248 : vector<200x128xf32>
    %add3A_1268 = arith.constant -0.499999881 : f32
    %add3A_1269 = vector.broadcast %add3A_1268 : f32 to vector<200x128xf32>
    %add3A_1270 = arith.addf %mul3A_1267, %add3A_1269 : vector<200x128xf32>
    %mul3A_1271 = arith.mulf %add3A_1270, %mul3A_1248 : vector<200x128xf32>
    %add3A_1272 = arith.constant 1.000000e+00 : f32
    %add3A_1273 = vector.broadcast %add3A_1272 : f32 to vector<200x128xf32>
    %add3A_1274 = arith.addf %mul3A_1271, %add3A_1273 : vector<200x128xf32>
    %mul3A_1275 = vector.broadcast %mul3A_1185 : vector<200x1xf32> to vector<200x128xf32>
    %mul3A_1276 = arith.mulf %add3A_1274, %mul3A_1275 : vector<200x128xf32>
    %mul3A_1277 = arith.constant 6.28318548 : f32
    %mul3A_1278 = vector.broadcast %mul3A_1277 : f32 to vector<200x1xf32>
    %mul3A_1279 = arith.mulf %mul3A_1278, %log3A_1176 : vector<200x1xf32>
    %mul3A_1280 = vector.broadcast %mul3A_1279 : vector<200x1xf32> to vector<200x128xf32>
    %mul3A_1281 = vector.broadcast %get3A_10 : vector<1x128xf32> to vector<200x128xf32>
    %mul3A_1282 = arith.mulf %mul3A_1280, %mul3A_1281 : vector<200x128xf32>
    %mul3A_1283 = arith.constant 0.159154937 : f32
    %mul3A_1284 = vector.broadcast %mul3A_1283 : f32 to vector<200x128xf32>
    %mul3A_1285 = arith.mulf %mul3A_1282, %mul3A_1284 : vector<200x128xf32>
    %round3A_1286 = math.roundeven %mul3A_1285 : vector<200x128xf32>
    %mul3A_1287 = arith.constant 6.28318548 : f32
    %mul3A_1288 = vector.broadcast %mul3A_1287 : f32 to vector<200x128xf32>
    %mul3A_1289 = arith.mulf %round3A_1286, %mul3A_1288 : vector<200x128xf32>
    %sub3A_1290 = arith.subf %mul3A_1282, %mul3A_1289 : vector<200x128xf32>
    %mul3A_1291 = arith.constant -1.74845553E-7 : f32
    %mul3A_1292 = vector.broadcast %mul3A_1291 : f32 to vector<200x128xf32>
    %mul3A_1293 = arith.mulf %round3A_1286, %mul3A_1292 : vector<200x128xf32>
    %sub3A_1294 = arith.subf %sub3A_1290, %mul3A_1293 : vector<200x128xf32>
    %mul3A_1295 = arith.mulf %sub3A_1294, %sub3A_1294 : vector<200x128xf32>
    %mul3A_1296 = arith.constant -2.03622115E-8 : f32
    %mul3A_1297 = vector.broadcast %mul3A_1296 : f32 to vector<200x128xf32>
    %mul3A_1298 = arith.mulf %mul3A_1297, %mul3A_1295 : vector<200x128xf32>
    %add3A_1299 = arith.constant 2.69971383E-6 : f32
    %add3A_1300 = vector.broadcast %add3A_1299 : f32 to vector<200x128xf32>
    %add3A_1301 = arith.addf %mul3A_1298, %add3A_1300 : vector<200x128xf32>
    %mul3A_1302 = arith.mulf %add3A_1301, %mul3A_1295 : vector<200x128xf32>
    %add3A_1303 = arith.constant -1.98086331E-4 : f32
    %add3A_1304 = vector.broadcast %add3A_1303 : f32 to vector<200x128xf32>
    %add3A_1305 = arith.addf %mul3A_1302, %add3A_1304 : vector<200x128xf32>
    %mul3A_1306 = arith.mulf %add3A_1305, %mul3A_1295 : vector<200x128xf32>
    %add3A_1307 = arith.constant 0.00833240337 : f32
    %add3A_1308 = vector.broadcast %add3A_1307 : f32 to vector<200x128xf32>
    %add3A_1309 = arith.addf %mul3A_1306, %add3A_1308 : vector<200x128xf32>
    %mul3A_1310 = arith.mulf %add3A_1309, %mul3A_1295 : vector<200x128xf32>
    %add3A_1311 = arith.constant -0.166665524 : f32
    %add3A_1312 = vector.broadcast %add3A_1311 : f32 to vector<200x128xf32>
    %add3A_1313 = arith.addf %mul3A_1310, %add3A_1312 : vector<200x128xf32>
    %mul3A_1314 = arith.mulf %add3A_1313, %mul3A_1295 : vector<200x128xf32>
    %add3A_1315 = arith.constant 0.999999582 : f32
    %add3A_1316 = vector.broadcast %add3A_1315 : f32 to vector<200x128xf32>
    %add3A_1317 = arith.addf %mul3A_1314, %add3A_1316 : vector<200x128xf32>
    %mul3A_1318 = arith.mulf %add3A_1317, %sub3A_1294 : vector<200x128xf32>
    %mul3A_1319 = vector.broadcast %mul3A_1185 : vector<200x1xf32> to vector<200x128xf32>
    %mul3A_1320 = arith.mulf %mul3A_1318, %mul3A_1319 : vector<200x128xf32>
    %mul3A_1321 = arith.constant 6.28318548 : f32
    %mul3A_1322 = vector.broadcast %mul3A_1321 : f32 to vector<200x1xf32>
    %mul3A_1323 = arith.mulf %mul3A_1322, %log3A_1183 : vector<200x1xf32>
    %mul3A_1324 = vector.broadcast %mul3A_1323 : vector<200x1xf32> to vector<200x128xf32>
    %mul3A_1325 = vector.broadcast %get3A_10 : vector<1x128xf32> to vector<200x128xf32>
    %mul3A_1326 = arith.mulf %mul3A_1324, %mul3A_1325 : vector<200x128xf32>
    %mul3A_1327 = arith.constant 0.159154937 : f32
    %mul3A_1328 = vector.broadcast %mul3A_1327 : f32 to vector<200x128xf32>
    %mul3A_1329 = arith.mulf %mul3A_1326, %mul3A_1328 : vector<200x128xf32>
    %round3A_1330 = math.roundeven %mul3A_1329 : vector<200x128xf32>
    %mul3A_1331 = arith.constant 6.28318548 : f32
    %mul3A_1332 = vector.broadcast %mul3A_1331 : f32 to vector<200x128xf32>
    %mul3A_1333 = arith.mulf %round3A_1330, %mul3A_1332 : vector<200x128xf32>
    %sub3A_1334 = arith.subf %mul3A_1326, %mul3A_1333 : vector<200x128xf32>
    %mul3A_1335 = arith.constant -1.74845553E-7 : f32
    %mul3A_1336 = vector.broadcast %mul3A_1335 : f32 to vector<200x128xf32>
    %mul3A_1337 = arith.mulf %round3A_1330, %mul3A_1336 : vector<200x128xf32>
    %sub3A_1338 = arith.subf %sub3A_1334, %mul3A_1337 : vector<200x128xf32>
    %mul3A_1339 = arith.mulf %sub3A_1338, %sub3A_1338 : vector<200x128xf32>
    %mul3A_1340 = arith.constant 1.72450665E-9 : f32
    %mul3A_1341 = vector.broadcast %mul3A_1340 : f32 to vector<200x128xf32>
    %mul3A_1342 = arith.mulf %mul3A_1341, %mul3A_1339 : vector<200x128xf32>
    %add3A_1343 = arith.constant -2.70790252E-7 : f32
    %add3A_1344 = vector.broadcast %add3A_1343 : f32 to vector<200x128xf32>
    %add3A_1345 = arith.addf %mul3A_1342, %add3A_1344 : vector<200x128xf32>
    %mul3A_1346 = arith.mulf %add3A_1345, %mul3A_1339 : vector<200x128xf32>
    %add3A_1347 = arith.constant 2.47698827E-5 : f32
    %add3A_1348 = vector.broadcast %add3A_1347 : f32 to vector<200x128xf32>
    %add3A_1349 = arith.addf %mul3A_1346, %add3A_1348 : vector<200x128xf32>
    %mul3A_1350 = arith.mulf %add3A_1349, %mul3A_1339 : vector<200x128xf32>
    %add3A_1351 = arith.constant -0.00138878042 : f32
    %add3A_1352 = vector.broadcast %add3A_1351 : f32 to vector<200x128xf32>
    %add3A_1353 = arith.addf %mul3A_1350, %add3A_1352 : vector<200x128xf32>
    %mul3A_1354 = arith.mulf %add3A_1353, %mul3A_1339 : vector<200x128xf32>
    %add3A_1355 = arith.constant 0.0416664891 : f32
    %add3A_1356 = vector.broadcast %add3A_1355 : f32 to vector<200x128xf32>
    %add3A_1357 = arith.addf %mul3A_1354, %add3A_1356 : vector<200x128xf32>
    %mul3A_1358 = arith.mulf %add3A_1357, %mul3A_1339 : vector<200x128xf32>
    %add3A_1359 = arith.constant -0.499999881 : f32
    %add3A_1360 = vector.broadcast %add3A_1359 : f32 to vector<200x128xf32>
    %add3A_1361 = arith.addf %mul3A_1358, %add3A_1360 : vector<200x128xf32>
    %mul3A_1362 = arith.mulf %add3A_1361, %mul3A_1339 : vector<200x128xf32>
    %add3A_1363 = arith.constant 1.000000e+00 : f32
    %add3A_1364 = vector.broadcast %add3A_1363 : f32 to vector<200x128xf32>
    %add3A_1365 = arith.addf %mul3A_1362, %add3A_1364 : vector<200x128xf32>
    %mul3A_1366 = vector.broadcast %mul3A_1185 : vector<200x1xf32> to vector<200x128xf32>
    %mul3A_1367 = arith.mulf %add3A_1365, %mul3A_1366 : vector<200x128xf32>
    %concatenate3A_1368 = tpu.concatenate %mul3A_1229, %mul3A_1276, %mul3A_1320, %mul3A_1367 in 1 : vector<200x128xf32>, vector<200x128xf32>, vector<200x128xf32>, vector<200x128xf32> -> vector<200x512xf32>
    %mul3A_1369 = arith.mulf %get3A_1147, %mul3A_1155 : vector<200x1xf32>
    %get3A_1370 = arith.constant 0 : index
    %get3A_1371 = arith.constant 768 : index
    %get3A_1372 = vector.load %arg3[%get3A_1370, %get3A_1371] : memref<200x1280xf32, #tpu.memory_space<vmem>>, vector<200x128xf32>
    %get3A_1373 = arith.constant 0 : index
    %get3A_1374 = arith.constant 6 : index
    %get3A_1375 = vector.load %arg2[%get3A_1373, %get3A_1374] : memref<200x10xf32, #tpu.memory_space<vmem>>, vector<200x1xf32>
    %slice3A_1376 = vector.extract_strided_slice %get3A_1372 {offsets = [0, 4], sizes = [200, 1], strides = [1, 1]} : vector<200x128xf32> to vector<200x1xf32>
    %slice3A_1377 = vector.extract_strided_slice %get3A_1372 {offsets = [0, 5], sizes = [200, 1], strides = [1, 1]} : vector<200x128xf32> to vector<200x1xf32>
    %ge3A_1378 = arith.constant 4.000000e-01 : f32
    %ge3A_1379 = vector.broadcast %ge3A_1378 : f32 to vector<200x1xf32>
    %ge3A_1380 = arith.cmpf oge, %get3A_1375, %ge3A_1379 : vector<200x1xf32>
    %convert_element_type3A_1381 = arith.extui %ge3A_1380 : vector<200x1xi1> to vector<200x1xi32>
    %convert_element_type3A_1382 = arith.sitofp %convert_element_type3A_1381 : vector<200x1xi32> to vector<200x1xf32>
    %mul3A_1383 = arith.mulf %slice3A_1376, %convert_element_type3A_1382 : vector<200x1xf32>
    %slice3A_1384 = vector.extract_strided_slice %get3A_1372 {offsets = [0, 0], sizes = [200, 1], strides = [1, 1]} : vector<200x128xf32> to vector<200x1xf32>
    %sub3A_1385 = arith.subf %slice3A_1384, %slice3A : vector<200x1xf32>
    %abs3A_1386 = math.absf %sub3A_1385 : vector<200x1xf32>
    %max3A_1387 = arith.constant 1.000000e-07 : f32
    %max3A_1388 = vector.broadcast %max3A_1387 : f32 to vector<200x1xf32>
    %max3A_1389 = arith.maximumf %abs3A_1386, %max3A_1388 : vector<200x1xf32>
    %log3A_1390 = math.log %max3A_1389 : vector<200x1xf32>
    %slice3A_1391 = vector.extract_strided_slice %get3A_1372 {offsets = [0, 1], sizes = [200, 1], strides = [1, 1]} : vector<200x128xf32> to vector<200x1xf32>
    %sub3A_1392 = arith.subf %slice3A_1391, %slice3A_2 : vector<200x1xf32>
    %abs3A_1393 = math.absf %sub3A_1392 : vector<200x1xf32>
    %max3A_1394 = arith.constant 1.000000e-07 : f32
    %max3A_1395 = vector.broadcast %max3A_1394 : f32 to vector<200x1xf32>
    %max3A_1396 = arith.maximumf %abs3A_1393, %max3A_1395 : vector<200x1xf32>
    %log3A_1397 = math.log %max3A_1396 : vector<200x1xf32>
    %slice3A_1398 = vector.extract_strided_slice %get3A_1372 {offsets = [0, 2], sizes = [200, 1], strides = [1, 1]} : vector<200x128xf32> to vector<200x1xf32>
    %sub3A_1399 = arith.subf %slice3A_1398, %slice3A_3 : vector<200x1xf32>
    %abs3A_1400 = math.absf %sub3A_1399 : vector<200x1xf32>
    %max3A_1401 = arith.constant 1.000000e-07 : f32
    %max3A_1402 = vector.broadcast %max3A_1401 : f32 to vector<200x1xf32>
    %max3A_1403 = arith.maximumf %abs3A_1400, %max3A_1402 : vector<200x1xf32>
    %log3A_1404 = math.log %max3A_1403 : vector<200x1xf32>
    %slice3A_1405 = vector.extract_strided_slice %get3A_1372 {offsets = [0, 3], sizes = [200, 1], strides = [1, 1]} : vector<200x128xf32> to vector<200x1xf32>
    %sub3A_1406 = arith.subf %slice3A_1405, %slice3A_4 : vector<200x1xf32>
    %abs3A_1407 = math.absf %sub3A_1406 : vector<200x1xf32>
    %max3A_1408 = arith.constant 1.000000e-07 : f32
    %max3A_1409 = vector.broadcast %max3A_1408 : f32 to vector<200x1xf32>
    %max3A_1410 = arith.maximumf %abs3A_1407, %max3A_1409 : vector<200x1xf32>
    %log3A_1411 = math.log %max3A_1410 : vector<200x1xf32>
    %mul3A_1412 = arith.mulf %sub3A_7, %slice3A_1377 : vector<200x1xf32>
    %mul3A_1413 = arith.mulf %mul3A_1412, %mul3A_1383 : vector<200x1xf32>
    %mul3A_1414 = arith.constant 6.28318548 : f32
    %mul3A_1415 = vector.broadcast %mul3A_1414 : f32 to vector<200x1xf32>
    %mul3A_1416 = arith.mulf %mul3A_1415, %log3A_1390 : vector<200x1xf32>
    %mul3A_1417 = vector.broadcast %mul3A_1416 : vector<200x1xf32> to vector<200x128xf32>
    %mul3A_1418 = vector.broadcast %get3A_10 : vector<1x128xf32> to vector<200x128xf32>
    %mul3A_1419 = arith.mulf %mul3A_1417, %mul3A_1418 : vector<200x128xf32>
    %mul3A_1420 = arith.constant 0.159154937 : f32
    %mul3A_1421 = vector.broadcast %mul3A_1420 : f32 to vector<200x128xf32>
    %mul3A_1422 = arith.mulf %mul3A_1419, %mul3A_1421 : vector<200x128xf32>
    %round3A_1423 = math.roundeven %mul3A_1422 : vector<200x128xf32>
    %mul3A_1424 = arith.constant 6.28318548 : f32
    %mul3A_1425 = vector.broadcast %mul3A_1424 : f32 to vector<200x128xf32>
    %mul3A_1426 = arith.mulf %round3A_1423, %mul3A_1425 : vector<200x128xf32>
    %sub3A_1427 = arith.subf %mul3A_1419, %mul3A_1426 : vector<200x128xf32>
    %mul3A_1428 = arith.constant -1.74845553E-7 : f32
    %mul3A_1429 = vector.broadcast %mul3A_1428 : f32 to vector<200x128xf32>
    %mul3A_1430 = arith.mulf %round3A_1423, %mul3A_1429 : vector<200x128xf32>
    %sub3A_1431 = arith.subf %sub3A_1427, %mul3A_1430 : vector<200x128xf32>
    %mul3A_1432 = arith.mulf %sub3A_1431, %sub3A_1431 : vector<200x128xf32>
    %mul3A_1433 = arith.constant -2.03622115E-8 : f32
    %mul3A_1434 = vector.broadcast %mul3A_1433 : f32 to vector<200x128xf32>
    %mul3A_1435 = arith.mulf %mul3A_1434, %mul3A_1432 : vector<200x128xf32>
    %add3A_1436 = arith.constant 2.69971383E-6 : f32
    %add3A_1437 = vector.broadcast %add3A_1436 : f32 to vector<200x128xf32>
    %add3A_1438 = arith.addf %mul3A_1435, %add3A_1437 : vector<200x128xf32>
    %mul3A_1439 = arith.mulf %add3A_1438, %mul3A_1432 : vector<200x128xf32>
    %add3A_1440 = arith.constant -1.98086331E-4 : f32
    %add3A_1441 = vector.broadcast %add3A_1440 : f32 to vector<200x128xf32>
    %add3A_1442 = arith.addf %mul3A_1439, %add3A_1441 : vector<200x128xf32>
    %mul3A_1443 = arith.mulf %add3A_1442, %mul3A_1432 : vector<200x128xf32>
    %add3A_1444 = arith.constant 0.00833240337 : f32
    %add3A_1445 = vector.broadcast %add3A_1444 : f32 to vector<200x128xf32>
    %add3A_1446 = arith.addf %mul3A_1443, %add3A_1445 : vector<200x128xf32>
    %mul3A_1447 = arith.mulf %add3A_1446, %mul3A_1432 : vector<200x128xf32>
    %add3A_1448 = arith.constant -0.166665524 : f32
    %add3A_1449 = vector.broadcast %add3A_1448 : f32 to vector<200x128xf32>
    %add3A_1450 = arith.addf %mul3A_1447, %add3A_1449 : vector<200x128xf32>
    %mul3A_1451 = arith.mulf %add3A_1450, %mul3A_1432 : vector<200x128xf32>
    %add3A_1452 = arith.constant 0.999999582 : f32
    %add3A_1453 = vector.broadcast %add3A_1452 : f32 to vector<200x128xf32>
    %add3A_1454 = arith.addf %mul3A_1451, %add3A_1453 : vector<200x128xf32>
    %mul3A_1455 = arith.mulf %add3A_1454, %sub3A_1431 : vector<200x128xf32>
    %mul3A_1456 = vector.broadcast %mul3A_1413 : vector<200x1xf32> to vector<200x128xf32>
    %mul3A_1457 = arith.mulf %mul3A_1455, %mul3A_1456 : vector<200x128xf32>
    %mul3A_1458 = arith.constant 6.28318548 : f32
    %mul3A_1459 = vector.broadcast %mul3A_1458 : f32 to vector<200x1xf32>
    %mul3A_1460 = arith.mulf %mul3A_1459, %log3A_1397 : vector<200x1xf32>
    %mul3A_1461 = vector.broadcast %mul3A_1460 : vector<200x1xf32> to vector<200x128xf32>
    %mul3A_1462 = vector.broadcast %get3A_10 : vector<1x128xf32> to vector<200x128xf32>
    %mul3A_1463 = arith.mulf %mul3A_1461, %mul3A_1462 : vector<200x128xf32>
    %mul3A_1464 = arith.constant 0.159154937 : f32
    %mul3A_1465 = vector.broadcast %mul3A_1464 : f32 to vector<200x128xf32>
    %mul3A_1466 = arith.mulf %mul3A_1463, %mul3A_1465 : vector<200x128xf32>
    %round3A_1467 = math.roundeven %mul3A_1466 : vector<200x128xf32>
    %mul3A_1468 = arith.constant 6.28318548 : f32
    %mul3A_1469 = vector.broadcast %mul3A_1468 : f32 to vector<200x128xf32>
    %mul3A_1470 = arith.mulf %round3A_1467, %mul3A_1469 : vector<200x128xf32>
    %sub3A_1471 = arith.subf %mul3A_1463, %mul3A_1470 : vector<200x128xf32>
    %mul3A_1472 = arith.constant -1.74845553E-7 : f32
    %mul3A_1473 = vector.broadcast %mul3A_1472 : f32 to vector<200x128xf32>
    %mul3A_1474 = arith.mulf %round3A_1467, %mul3A_1473 : vector<200x128xf32>
    %sub3A_1475 = arith.subf %sub3A_1471, %mul3A_1474 : vector<200x128xf32>
    %mul3A_1476 = arith.mulf %sub3A_1475, %sub3A_1475 : vector<200x128xf32>
    %mul3A_1477 = arith.constant 1.72450665E-9 : f32
    %mul3A_1478 = vector.broadcast %mul3A_1477 : f32 to vector<200x128xf32>
    %mul3A_1479 = arith.mulf %mul3A_1478, %mul3A_1476 : vector<200x128xf32>
    %add3A_1480 = arith.constant -2.70790252E-7 : f32
    %add3A_1481 = vector.broadcast %add3A_1480 : f32 to vector<200x128xf32>
    %add3A_1482 = arith.addf %mul3A_1479, %add3A_1481 : vector<200x128xf32>
    %mul3A_1483 = arith.mulf %add3A_1482, %mul3A_1476 : vector<200x128xf32>
    %add3A_1484 = arith.constant 2.47698827E-5 : f32
    %add3A_1485 = vector.broadcast %add3A_1484 : f32 to vector<200x128xf32>
    %add3A_1486 = arith.addf %mul3A_1483, %add3A_1485 : vector<200x128xf32>
    %mul3A_1487 = arith.mulf %add3A_1486, %mul3A_1476 : vector<200x128xf32>
    %add3A_1488 = arith.constant -0.00138878042 : f32
    %add3A_1489 = vector.broadcast %add3A_1488 : f32 to vector<200x128xf32>
    %add3A_1490 = arith.addf %mul3A_1487, %add3A_1489 : vector<200x128xf32>
    %mul3A_1491 = arith.mulf %add3A_1490, %mul3A_1476 : vector<200x128xf32>
    %add3A_1492 = arith.constant 0.0416664891 : f32
    %add3A_1493 = vector.broadcast %add3A_1492 : f32 to vector<200x128xf32>
    %add3A_1494 = arith.addf %mul3A_1491, %add3A_1493 : vector<200x128xf32>
    %mul3A_1495 = arith.mulf %add3A_1494, %mul3A_1476 : vector<200x128xf32>
    %add3A_1496 = arith.constant -0.499999881 : f32
    %add3A_1497 = vector.broadcast %add3A_1496 : f32 to vector<200x128xf32>
    %add3A_1498 = arith.addf %mul3A_1495, %add3A_1497 : vector<200x128xf32>
    %mul3A_1499 = arith.mulf %add3A_1498, %mul3A_1476 : vector<200x128xf32>
    %add3A_1500 = arith.constant 1.000000e+00 : f32
    %add3A_1501 = vector.broadcast %add3A_1500 : f32 to vector<200x128xf32>
    %add3A_1502 = arith.addf %mul3A_1499, %add3A_1501 : vector<200x128xf32>
    %mul3A_1503 = vector.broadcast %mul3A_1413 : vector<200x1xf32> to vector<200x128xf32>
    %mul3A_1504 = arith.mulf %add3A_1502, %mul3A_1503 : vector<200x128xf32>
    %mul3A_1505 = arith.constant 6.28318548 : f32
    %mul3A_1506 = vector.broadcast %mul3A_1505 : f32 to vector<200x1xf32>
    %mul3A_1507 = arith.mulf %mul3A_1506, %log3A_1404 : vector<200x1xf32>
    %mul3A_1508 = vector.broadcast %mul3A_1507 : vector<200x1xf32> to vector<200x128xf32>
    %mul3A_1509 = vector.broadcast %get3A_10 : vector<1x128xf32> to vector<200x128xf32>
    %mul3A_1510 = arith.mulf %mul3A_1508, %mul3A_1509 : vector<200x128xf32>
    %mul3A_1511 = arith.constant 0.159154937 : f32
    %mul3A_1512 = vector.broadcast %mul3A_1511 : f32 to vector<200x128xf32>
    %mul3A_1513 = arith.mulf %mul3A_1510, %mul3A_1512 : vector<200x128xf32>
    %round3A_1514 = math.roundeven %mul3A_1513 : vector<200x128xf32>
    %mul3A_1515 = arith.constant 6.28318548 : f32
    %mul3A_1516 = vector.broadcast %mul3A_1515 : f32 to vector<200x128xf32>
    %mul3A_1517 = arith.mulf %round3A_1514, %mul3A_1516 : vector<200x128xf32>
    %sub3A_1518 = arith.subf %mul3A_1510, %mul3A_1517 : vector<200x128xf32>
    %mul3A_1519 = arith.constant -1.74845553E-7 : f32
    %mul3A_1520 = vector.broadcast %mul3A_1519 : f32 to vector<200x128xf32>
    %mul3A_1521 = arith.mulf %round3A_1514, %mul3A_1520 : vector<200x128xf32>
    %sub3A_1522 = arith.subf %sub3A_1518, %mul3A_1521 : vector<200x128xf32>
    %mul3A_1523 = arith.mulf %sub3A_1522, %sub3A_1522 : vector<200x128xf32>
    %mul3A_1524 = arith.constant -2.03622115E-8 : f32
    %mul3A_1525 = vector.broadcast %mul3A_1524 : f32 to vector<200x128xf32>
    %mul3A_1526 = arith.mulf %mul3A_1525, %mul3A_1523 : vector<200x128xf32>
    %add3A_1527 = arith.constant 2.69971383E-6 : f32
    %add3A_1528 = vector.broadcast %add3A_1527 : f32 to vector<200x128xf32>
    %add3A_1529 = arith.addf %mul3A_1526, %add3A_1528 : vector<200x128xf32>
    %mul3A_1530 = arith.mulf %add3A_1529, %mul3A_1523 : vector<200x128xf32>
    %add3A_1531 = arith.constant -1.98086331E-4 : f32
    %add3A_1532 = vector.broadcast %add3A_1531 : f32 to vector<200x128xf32>
    %add3A_1533 = arith.addf %mul3A_1530, %add3A_1532 : vector<200x128xf32>
    %mul3A_1534 = arith.mulf %add3A_1533, %mul3A_1523 : vector<200x128xf32>
    %add3A_1535 = arith.constant 0.00833240337 : f32
    %add3A_1536 = vector.broadcast %add3A_1535 : f32 to vector<200x128xf32>
    %add3A_1537 = arith.addf %mul3A_1534, %add3A_1536 : vector<200x128xf32>
    %mul3A_1538 = arith.mulf %add3A_1537, %mul3A_1523 : vector<200x128xf32>
    %add3A_1539 = arith.constant -0.166665524 : f32
    %add3A_1540 = vector.broadcast %add3A_1539 : f32 to vector<200x128xf32>
    %add3A_1541 = arith.addf %mul3A_1538, %add3A_1540 : vector<200x128xf32>
    %mul3A_1542 = arith.mulf %add3A_1541, %mul3A_1523 : vector<200x128xf32>
    %add3A_1543 = arith.constant 0.999999582 : f32
    %add3A_1544 = vector.broadcast %add3A_1543 : f32 to vector<200x128xf32>
    %add3A_1545 = arith.addf %mul3A_1542, %add3A_1544 : vector<200x128xf32>
    %mul3A_1546 = arith.mulf %add3A_1545, %sub3A_1522 : vector<200x128xf32>
    %mul3A_1547 = vector.broadcast %mul3A_1413 : vector<200x1xf32> to vector<200x128xf32>
    %mul3A_1548 = arith.mulf %mul3A_1546, %mul3A_1547 : vector<200x128xf32>
    %mul3A_1549 = arith.constant 6.28318548 : f32
    %mul3A_1550 = vector.broadcast %mul3A_1549 : f32 to vector<200x1xf32>
    %mul3A_1551 = arith.mulf %mul3A_1550, %log3A_1411 : vector<200x1xf32>
    %mul3A_1552 = vector.broadcast %mul3A_1551 : vector<200x1xf32> to vector<200x128xf32>
    %mul3A_1553 = vector.broadcast %get3A_10 : vector<1x128xf32> to vector<200x128xf32>
    %mul3A_1554 = arith.mulf %mul3A_1552, %mul3A_1553 : vector<200x128xf32>
    %mul3A_1555 = arith.constant 0.159154937 : f32
    %mul3A_1556 = vector.broadcast %mul3A_1555 : f32 to vector<200x128xf32>
    %mul3A_1557 = arith.mulf %mul3A_1554, %mul3A_1556 : vector<200x128xf32>
    %round3A_1558 = math.roundeven %mul3A_1557 : vector<200x128xf32>
    %mul3A_1559 = arith.constant 6.28318548 : f32
    %mul3A_1560 = vector.broadcast %mul3A_1559 : f32 to vector<200x128xf32>
    %mul3A_1561 = arith.mulf %round3A_1558, %mul3A_1560 : vector<200x128xf32>
    %sub3A_1562 = arith.subf %mul3A_1554, %mul3A_1561 : vector<200x128xf32>
    %mul3A_1563 = arith.constant -1.74845553E-7 : f32
    %mul3A_1564 = vector.broadcast %mul3A_1563 : f32 to vector<200x128xf32>
    %mul3A_1565 = arith.mulf %round3A_1558, %mul3A_1564 : vector<200x128xf32>
    %sub3A_1566 = arith.subf %sub3A_1562, %mul3A_1565 : vector<200x128xf32>
    %mul3A_1567 = arith.mulf %sub3A_1566, %sub3A_1566 : vector<200x128xf32>
    %mul3A_1568 = arith.constant 1.72450665E-9 : f32
    %mul3A_1569 = vector.broadcast %mul3A_1568 : f32 to vector<200x128xf32>
    %mul3A_1570 = arith.mulf %mul3A_1569, %mul3A_1567 : vector<200x128xf32>
    %add3A_1571 = arith.constant -2.70790252E-7 : f32
    %add3A_1572 = vector.broadcast %add3A_1571 : f32 to vector<200x128xf32>
    %add3A_1573 = arith.addf %mul3A_1570, %add3A_1572 : vector<200x128xf32>
    %mul3A_1574 = arith.mulf %add3A_1573, %mul3A_1567 : vector<200x128xf32>
    %add3A_1575 = arith.constant 2.47698827E-5 : f32
    %add3A_1576 = vector.broadcast %add3A_1575 : f32 to vector<200x128xf32>
    %add3A_1577 = arith.addf %mul3A_1574, %add3A_1576 : vector<200x128xf32>
    %mul3A_1578 = arith.mulf %add3A_1577, %mul3A_1567 : vector<200x128xf32>
    %add3A_1579 = arith.constant -0.00138878042 : f32
    %add3A_1580 = vector.broadcast %add3A_1579 : f32 to vector<200x128xf32>
    %add3A_1581 = arith.addf %mul3A_1578, %add3A_1580 : vector<200x128xf32>
    %mul3A_1582 = arith.mulf %add3A_1581, %mul3A_1567 : vector<200x128xf32>
    %add3A_1583 = arith.constant 0.0416664891 : f32
    %add3A_1584 = vector.broadcast %add3A_1583 : f32 to vector<200x128xf32>
    %add3A_1585 = arith.addf %mul3A_1582, %add3A_1584 : vector<200x128xf32>
    %mul3A_1586 = arith.mulf %add3A_1585, %mul3A_1567 : vector<200x128xf32>
    %add3A_1587 = arith.constant -0.499999881 : f32
    %add3A_1588 = vector.broadcast %add3A_1587 : f32 to vector<200x128xf32>
    %add3A_1589 = arith.addf %mul3A_1586, %add3A_1588 : vector<200x128xf32>
    %mul3A_1590 = arith.mulf %add3A_1589, %mul3A_1567 : vector<200x128xf32>
    %add3A_1591 = arith.constant 1.000000e+00 : f32
    %add3A_1592 = vector.broadcast %add3A_1591 : f32 to vector<200x128xf32>
    %add3A_1593 = arith.addf %mul3A_1590, %add3A_1592 : vector<200x128xf32>
    %mul3A_1594 = vector.broadcast %mul3A_1413 : vector<200x1xf32> to vector<200x128xf32>
    %mul3A_1595 = arith.mulf %add3A_1593, %mul3A_1594 : vector<200x128xf32>
    %concatenate3A_1596 = tpu.concatenate %mul3A_1457, %mul3A_1504, %mul3A_1548, %mul3A_1595 in 1 : vector<200x128xf32>, vector<200x128xf32>, vector<200x128xf32>, vector<200x128xf32> -> vector<200x512xf32>
    %mul3A_1597 = arith.mulf %get3A_1375, %mul3A_1383 : vector<200x1xf32>
    %get3A_1598 = arith.constant 0 : index
    %get3A_1599 = arith.constant 896 : index
    %get3A_1600 = vector.load %arg3[%get3A_1598, %get3A_1599] : memref<200x1280xf32, #tpu.memory_space<vmem>>, vector<200x128xf32>
    %get3A_1601 = arith.constant 0 : index
    %get3A_1602 = arith.constant 7 : index
    %get3A_1603 = vector.load %arg2[%get3A_1601, %get3A_1602] : memref<200x10xf32, #tpu.memory_space<vmem>>, vector<200x1xf32>
    %slice3A_1604 = vector.extract_strided_slice %get3A_1600 {offsets = [0, 4], sizes = [200, 1], strides = [1, 1]} : vector<200x128xf32> to vector<200x1xf32>
    %slice3A_1605 = vector.extract_strided_slice %get3A_1600 {offsets = [0, 5], sizes = [200, 1], strides = [1, 1]} : vector<200x128xf32> to vector<200x1xf32>
    %ge3A_1606 = arith.constant 4.000000e-01 : f32
    %ge3A_1607 = vector.broadcast %ge3A_1606 : f32 to vector<200x1xf32>
    %ge3A_1608 = arith.cmpf oge, %get3A_1603, %ge3A_1607 : vector<200x1xf32>
    %convert_element_type3A_1609 = arith.extui %ge3A_1608 : vector<200x1xi1> to vector<200x1xi32>
    %convert_element_type3A_1610 = arith.sitofp %convert_element_type3A_1609 : vector<200x1xi32> to vector<200x1xf32>
    %mul3A_1611 = arith.mulf %slice3A_1604, %convert_element_type3A_1610 : vector<200x1xf32>
    %slice3A_1612 = vector.extract_strided_slice %get3A_1600 {offsets = [0, 0], sizes = [200, 1], strides = [1, 1]} : vector<200x128xf32> to vector<200x1xf32>
    %sub3A_1613 = arith.subf %slice3A_1612, %slice3A : vector<200x1xf32>
    %abs3A_1614 = math.absf %sub3A_1613 : vector<200x1xf32>
    %max3A_1615 = arith.constant 1.000000e-07 : f32
    %max3A_1616 = vector.broadcast %max3A_1615 : f32 to vector<200x1xf32>
    %max3A_1617 = arith.maximumf %abs3A_1614, %max3A_1616 : vector<200x1xf32>
    %log3A_1618 = math.log %max3A_1617 : vector<200x1xf32>
    %slice3A_1619 = vector.extract_strided_slice %get3A_1600 {offsets = [0, 1], sizes = [200, 1], strides = [1, 1]} : vector<200x128xf32> to vector<200x1xf32>
    %sub3A_1620 = arith.subf %slice3A_1619, %slice3A_2 : vector<200x1xf32>
    %abs3A_1621 = math.absf %sub3A_1620 : vector<200x1xf32>
    %max3A_1622 = arith.constant 1.000000e-07 : f32
    %max3A_1623 = vector.broadcast %max3A_1622 : f32 to vector<200x1xf32>
    %max3A_1624 = arith.maximumf %abs3A_1621, %max3A_1623 : vector<200x1xf32>
    %log3A_1625 = math.log %max3A_1624 : vector<200x1xf32>
    %slice3A_1626 = vector.extract_strided_slice %get3A_1600 {offsets = [0, 2], sizes = [200, 1], strides = [1, 1]} : vector<200x128xf32> to vector<200x1xf32>
    %sub3A_1627 = arith.subf %slice3A_1626, %slice3A_3 : vector<200x1xf32>
    %abs3A_1628 = math.absf %sub3A_1627 : vector<200x1xf32>
    %max3A_1629 = arith.constant 1.000000e-07 : f32
    %max3A_1630 = vector.broadcast %max3A_1629 : f32 to vector<200x1xf32>
    %max3A_1631 = arith.maximumf %abs3A_1628, %max3A_1630 : vector<200x1xf32>
    %log3A_1632 = math.log %max3A_1631 : vector<200x1xf32>
    %slice3A_1633 = vector.extract_strided_slice %get3A_1600 {offsets = [0, 3], sizes = [200, 1], strides = [1, 1]} : vector<200x128xf32> to vector<200x1xf32>
    %sub3A_1634 = arith.subf %slice3A_1633, %slice3A_4 : vector<200x1xf32>
    %abs3A_1635 = math.absf %sub3A_1634 : vector<200x1xf32>
    %max3A_1636 = arith.constant 1.000000e-07 : f32
    %max3A_1637 = vector.broadcast %max3A_1636 : f32 to vector<200x1xf32>
    %max3A_1638 = arith.maximumf %abs3A_1635, %max3A_1637 : vector<200x1xf32>
    %log3A_1639 = math.log %max3A_1638 : vector<200x1xf32>
    %mul3A_1640 = arith.mulf %sub3A_7, %slice3A_1605 : vector<200x1xf32>
    %mul3A_1641 = arith.mulf %mul3A_1640, %mul3A_1611 : vector<200x1xf32>
    %mul3A_1642 = arith.constant 6.28318548 : f32
    %mul3A_1643 = vector.broadcast %mul3A_1642 : f32 to vector<200x1xf32>
    %mul3A_1644 = arith.mulf %mul3A_1643, %log3A_1618 : vector<200x1xf32>
    %mul3A_1645 = vector.broadcast %mul3A_1644 : vector<200x1xf32> to vector<200x128xf32>
    %mul3A_1646 = vector.broadcast %get3A_10 : vector<1x128xf32> to vector<200x128xf32>
    %mul3A_1647 = arith.mulf %mul3A_1645, %mul3A_1646 : vector<200x128xf32>
    %mul3A_1648 = arith.constant 0.159154937 : f32
    %mul3A_1649 = vector.broadcast %mul3A_1648 : f32 to vector<200x128xf32>
    %mul3A_1650 = arith.mulf %mul3A_1647, %mul3A_1649 : vector<200x128xf32>
    %round3A_1651 = math.roundeven %mul3A_1650 : vector<200x128xf32>
    %mul3A_1652 = arith.constant 6.28318548 : f32
    %mul3A_1653 = vector.broadcast %mul3A_1652 : f32 to vector<200x128xf32>
    %mul3A_1654 = arith.mulf %round3A_1651, %mul3A_1653 : vector<200x128xf32>
    %sub3A_1655 = arith.subf %mul3A_1647, %mul3A_1654 : vector<200x128xf32>
    %mul3A_1656 = arith.constant -1.74845553E-7 : f32
    %mul3A_1657 = vector.broadcast %mul3A_1656 : f32 to vector<200x128xf32>
    %mul3A_1658 = arith.mulf %round3A_1651, %mul3A_1657 : vector<200x128xf32>
    %sub3A_1659 = arith.subf %sub3A_1655, %mul3A_1658 : vector<200x128xf32>
    %mul3A_1660 = arith.mulf %sub3A_1659, %sub3A_1659 : vector<200x128xf32>
    %mul3A_1661 = arith.constant -2.03622115E-8 : f32
    %mul3A_1662 = vector.broadcast %mul3A_1661 : f32 to vector<200x128xf32>
    %mul3A_1663 = arith.mulf %mul3A_1662, %mul3A_1660 : vector<200x128xf32>
    %add3A_1664 = arith.constant 2.69971383E-6 : f32
    %add3A_1665 = vector.broadcast %add3A_1664 : f32 to vector<200x128xf32>
    %add3A_1666 = arith.addf %mul3A_1663, %add3A_1665 : vector<200x128xf32>
    %mul3A_1667 = arith.mulf %add3A_1666, %mul3A_1660 : vector<200x128xf32>
    %add3A_1668 = arith.constant -1.98086331E-4 : f32
    %add3A_1669 = vector.broadcast %add3A_1668 : f32 to vector<200x128xf32>
    %add3A_1670 = arith.addf %mul3A_1667, %add3A_1669 : vector<200x128xf32>
    %mul3A_1671 = arith.mulf %add3A_1670, %mul3A_1660 : vector<200x128xf32>
    %add3A_1672 = arith.constant 0.00833240337 : f32
    %add3A_1673 = vector.broadcast %add3A_1672 : f32 to vector<200x128xf32>
    %add3A_1674 = arith.addf %mul3A_1671, %add3A_1673 : vector<200x128xf32>
    %mul3A_1675 = arith.mulf %add3A_1674, %mul3A_1660 : vector<200x128xf32>
    %add3A_1676 = arith.constant -0.166665524 : f32
    %add3A_1677 = vector.broadcast %add3A_1676 : f32 to vector<200x128xf32>
    %add3A_1678 = arith.addf %mul3A_1675, %add3A_1677 : vector<200x128xf32>
    %mul3A_1679 = arith.mulf %add3A_1678, %mul3A_1660 : vector<200x128xf32>
    %add3A_1680 = arith.constant 0.999999582 : f32
    %add3A_1681 = vector.broadcast %add3A_1680 : f32 to vector<200x128xf32>
    %add3A_1682 = arith.addf %mul3A_1679, %add3A_1681 : vector<200x128xf32>
    %mul3A_1683 = arith.mulf %add3A_1682, %sub3A_1659 : vector<200x128xf32>
    %mul3A_1684 = vector.broadcast %mul3A_1641 : vector<200x1xf32> to vector<200x128xf32>
    %mul3A_1685 = arith.mulf %mul3A_1683, %mul3A_1684 : vector<200x128xf32>
    %mul3A_1686 = arith.constant 6.28318548 : f32
    %mul3A_1687 = vector.broadcast %mul3A_1686 : f32 to vector<200x1xf32>
    %mul3A_1688 = arith.mulf %mul3A_1687, %log3A_1625 : vector<200x1xf32>
    %mul3A_1689 = vector.broadcast %mul3A_1688 : vector<200x1xf32> to vector<200x128xf32>
    %mul3A_1690 = vector.broadcast %get3A_10 : vector<1x128xf32> to vector<200x128xf32>
    %mul3A_1691 = arith.mulf %mul3A_1689, %mul3A_1690 : vector<200x128xf32>
    %mul3A_1692 = arith.constant 0.159154937 : f32
    %mul3A_1693 = vector.broadcast %mul3A_1692 : f32 to vector<200x128xf32>
    %mul3A_1694 = arith.mulf %mul3A_1691, %mul3A_1693 : vector<200x128xf32>
    %round3A_1695 = math.roundeven %mul3A_1694 : vector<200x128xf32>
    %mul3A_1696 = arith.constant 6.28318548 : f32
    %mul3A_1697 = vector.broadcast %mul3A_1696 : f32 to vector<200x128xf32>
    %mul3A_1698 = arith.mulf %round3A_1695, %mul3A_1697 : vector<200x128xf32>
    %sub3A_1699 = arith.subf %mul3A_1691, %mul3A_1698 : vector<200x128xf32>
    %mul3A_1700 = arith.constant -1.74845553E-7 : f32
    %mul3A_1701 = vector.broadcast %mul3A_1700 : f32 to vector<200x128xf32>
    %mul3A_1702 = arith.mulf %round3A_1695, %mul3A_1701 : vector<200x128xf32>
    %sub3A_1703 = arith.subf %sub3A_1699, %mul3A_1702 : vector<200x128xf32>
    %mul3A_1704 = arith.mulf %sub3A_1703, %sub3A_1703 : vector<200x128xf32>
    %mul3A_1705 = arith.constant 1.72450665E-9 : f32
    %mul3A_1706 = vector.broadcast %mul3A_1705 : f32 to vector<200x128xf32>
    %mul3A_1707 = arith.mulf %mul3A_1706, %mul3A_1704 : vector<200x128xf32>
    %add3A_1708 = arith.constant -2.70790252E-7 : f32
    %add3A_1709 = vector.broadcast %add3A_1708 : f32 to vector<200x128xf32>
    %add3A_1710 = arith.addf %mul3A_1707, %add3A_1709 : vector<200x128xf32>
    %mul3A_1711 = arith.mulf %add3A_1710, %mul3A_1704 : vector<200x128xf32>
    %add3A_1712 = arith.constant 2.47698827E-5 : f32
    %add3A_1713 = vector.broadcast %add3A_1712 : f32 to vector<200x128xf32>
    %add3A_1714 = arith.addf %mul3A_1711, %add3A_1713 : vector<200x128xf32>
    %mul3A_1715 = arith.mulf %add3A_1714, %mul3A_1704 : vector<200x128xf32>
    %add3A_1716 = arith.constant -0.00138878042 : f32
    %add3A_1717 = vector.broadcast %add3A_1716 : f32 to vector<200x128xf32>
    %add3A_1718 = arith.addf %mul3A_1715, %add3A_1717 : vector<200x128xf32>
    %mul3A_1719 = arith.mulf %add3A_1718, %mul3A_1704 : vector<200x128xf32>
    %add3A_1720 = arith.constant 0.0416664891 : f32
    %add3A_1721 = vector.broadcast %add3A_1720 : f32 to vector<200x128xf32>
    %add3A_1722 = arith.addf %mul3A_1719, %add3A_1721 : vector<200x128xf32>
    %mul3A_1723 = arith.mulf %add3A_1722, %mul3A_1704 : vector<200x128xf32>
    %add3A_1724 = arith.constant -0.499999881 : f32
    %add3A_1725 = vector.broadcast %add3A_1724 : f32 to vector<200x128xf32>
    %add3A_1726 = arith.addf %mul3A_1723, %add3A_1725 : vector<200x128xf32>
    %mul3A_1727 = arith.mulf %add3A_1726, %mul3A_1704 : vector<200x128xf32>
    %add3A_1728 = arith.constant 1.000000e+00 : f32
    %add3A_1729 = vector.broadcast %add3A_1728 : f32 to vector<200x128xf32>
    %add3A_1730 = arith.addf %mul3A_1727, %add3A_1729 : vector<200x128xf32>
    %mul3A_1731 = vector.broadcast %mul3A_1641 : vector<200x1xf32> to vector<200x128xf32>
    %mul3A_1732 = arith.mulf %add3A_1730, %mul3A_1731 : vector<200x128xf32>
    %mul3A_1733 = arith.constant 6.28318548 : f32
    %mul3A_1734 = vector.broadcast %mul3A_1733 : f32 to vector<200x1xf32>
    %mul3A_1735 = arith.mulf %mul3A_1734, %log3A_1632 : vector<200x1xf32>
    %mul3A_1736 = vector.broadcast %mul3A_1735 : vector<200x1xf32> to vector<200x128xf32>
    %mul3A_1737 = vector.broadcast %get3A_10 : vector<1x128xf32> to vector<200x128xf32>
    %mul3A_1738 = arith.mulf %mul3A_1736, %mul3A_1737 : vector<200x128xf32>
    %mul3A_1739 = arith.constant 0.159154937 : f32
    %mul3A_1740 = vector.broadcast %mul3A_1739 : f32 to vector<200x128xf32>
    %mul3A_1741 = arith.mulf %mul3A_1738, %mul3A_1740 : vector<200x128xf32>
    %round3A_1742 = math.roundeven %mul3A_1741 : vector<200x128xf32>
    %mul3A_1743 = arith.constant 6.28318548 : f32
    %mul3A_1744 = vector.broadcast %mul3A_1743 : f32 to vector<200x128xf32>
    %mul3A_1745 = arith.mulf %round3A_1742, %mul3A_1744 : vector<200x128xf32>
    %sub3A_1746 = arith.subf %mul3A_1738, %mul3A_1745 : vector<200x128xf32>
    %mul3A_1747 = arith.constant -1.74845553E-7 : f32
    %mul3A_1748 = vector.broadcast %mul3A_1747 : f32 to vector<200x128xf32>
    %mul3A_1749 = arith.mulf %round3A_1742, %mul3A_1748 : vector<200x128xf32>
    %sub3A_1750 = arith.subf %sub3A_1746, %mul3A_1749 : vector<200x128xf32>
    %mul3A_1751 = arith.mulf %sub3A_1750, %sub3A_1750 : vector<200x128xf32>
    %mul3A_1752 = arith.constant -2.03622115E-8 : f32
    %mul3A_1753 = vector.broadcast %mul3A_1752 : f32 to vector<200x128xf32>
    %mul3A_1754 = arith.mulf %mul3A_1753, %mul3A_1751 : vector<200x128xf32>
    %add3A_1755 = arith.constant 2.69971383E-6 : f32
    %add3A_1756 = vector.broadcast %add3A_1755 : f32 to vector<200x128xf32>
    %add3A_1757 = arith.addf %mul3A_1754, %add3A_1756 : vector<200x128xf32>
    %mul3A_1758 = arith.mulf %add3A_1757, %mul3A_1751 : vector<200x128xf32>
    %add3A_1759 = arith.constant -1.98086331E-4 : f32
    %add3A_1760 = vector.broadcast %add3A_1759 : f32 to vector<200x128xf32>
    %add3A_1761 = arith.addf %mul3A_1758, %add3A_1760 : vector<200x128xf32>
    %mul3A_1762 = arith.mulf %add3A_1761, %mul3A_1751 : vector<200x128xf32>
    %add3A_1763 = arith.constant 0.00833240337 : f32
    %add3A_1764 = vector.broadcast %add3A_1763 : f32 to vector<200x128xf32>
    %add3A_1765 = arith.addf %mul3A_1762, %add3A_1764 : vector<200x128xf32>
    %mul3A_1766 = arith.mulf %add3A_1765, %mul3A_1751 : vector<200x128xf32>
    %add3A_1767 = arith.constant -0.166665524 : f32
    %add3A_1768 = vector.broadcast %add3A_1767 : f32 to vector<200x128xf32>
    %add3A_1769 = arith.addf %mul3A_1766, %add3A_1768 : vector<200x128xf32>
    %mul3A_1770 = arith.mulf %add3A_1769, %mul3A_1751 : vector<200x128xf32>
    %add3A_1771 = arith.constant 0.999999582 : f32
    %add3A_1772 = vector.broadcast %add3A_1771 : f32 to vector<200x128xf32>
    %add3A_1773 = arith.addf %mul3A_1770, %add3A_1772 : vector<200x128xf32>
    %mul3A_1774 = arith.mulf %add3A_1773, %sub3A_1750 : vector<200x128xf32>
    %mul3A_1775 = vector.broadcast %mul3A_1641 : vector<200x1xf32> to vector<200x128xf32>
    %mul3A_1776 = arith.mulf %mul3A_1774, %mul3A_1775 : vector<200x128xf32>
    %mul3A_1777 = arith.constant 6.28318548 : f32
    %mul3A_1778 = vector.broadcast %mul3A_1777 : f32 to vector<200x1xf32>
    %mul3A_1779 = arith.mulf %mul3A_1778, %log3A_1639 : vector<200x1xf32>
    %mul3A_1780 = vector.broadcast %mul3A_1779 : vector<200x1xf32> to vector<200x128xf32>
    %mul3A_1781 = vector.broadcast %get3A_10 : vector<1x128xf32> to vector<200x128xf32>
    %mul3A_1782 = arith.mulf %mul3A_1780, %mul3A_1781 : vector<200x128xf32>
    %mul3A_1783 = arith.constant 0.159154937 : f32
    %mul3A_1784 = vector.broadcast %mul3A_1783 : f32 to vector<200x128xf32>
    %mul3A_1785 = arith.mulf %mul3A_1782, %mul3A_1784 : vector<200x128xf32>
    %round3A_1786 = math.roundeven %mul3A_1785 : vector<200x128xf32>
    %mul3A_1787 = arith.constant 6.28318548 : f32
    %mul3A_1788 = vector.broadcast %mul3A_1787 : f32 to vector<200x128xf32>
    %mul3A_1789 = arith.mulf %round3A_1786, %mul3A_1788 : vector<200x128xf32>
    %sub3A_1790 = arith.subf %mul3A_1782, %mul3A_1789 : vector<200x128xf32>
    %mul3A_1791 = arith.constant -1.74845553E-7 : f32
    %mul3A_1792 = vector.broadcast %mul3A_1791 : f32 to vector<200x128xf32>
    %mul3A_1793 = arith.mulf %round3A_1786, %mul3A_1792 : vector<200x128xf32>
    %sub3A_1794 = arith.subf %sub3A_1790, %mul3A_1793 : vector<200x128xf32>
    %mul3A_1795 = arith.mulf %sub3A_1794, %sub3A_1794 : vector<200x128xf32>
    %mul3A_1796 = arith.constant 1.72450665E-9 : f32
    %mul3A_1797 = vector.broadcast %mul3A_1796 : f32 to vector<200x128xf32>
    %mul3A_1798 = arith.mulf %mul3A_1797, %mul3A_1795 : vector<200x128xf32>
    %add3A_1799 = arith.constant -2.70790252E-7 : f32
    %add3A_1800 = vector.broadcast %add3A_1799 : f32 to vector<200x128xf32>
    %add3A_1801 = arith.addf %mul3A_1798, %add3A_1800 : vector<200x128xf32>
    %mul3A_1802 = arith.mulf %add3A_1801, %mul3A_1795 : vector<200x128xf32>
    %add3A_1803 = arith.constant 2.47698827E-5 : f32
    %add3A_1804 = vector.broadcast %add3A_1803 : f32 to vector<200x128xf32>
    %add3A_1805 = arith.addf %mul3A_1802, %add3A_1804 : vector<200x128xf32>
    %mul3A_1806 = arith.mulf %add3A_1805, %mul3A_1795 : vector<200x128xf32>
    %add3A_1807 = arith.constant -0.00138878042 : f32
    %add3A_1808 = vector.broadcast %add3A_1807 : f32 to vector<200x128xf32>
    %add3A_1809 = arith.addf %mul3A_1806, %add3A_1808 : vector<200x128xf32>
    %mul3A_1810 = arith.mulf %add3A_1809, %mul3A_1795 : vector<200x128xf32>
    %add3A_1811 = arith.constant 0.0416664891 : f32
    %add3A_1812 = vector.broadcast %add3A_1811 : f32 to vector<200x128xf32>
    %add3A_1813 = arith.addf %mul3A_1810, %add3A_1812 : vector<200x128xf32>
    %mul3A_1814 = arith.mulf %add3A_1813, %mul3A_1795 : vector<200x128xf32>
    %add3A_1815 = arith.constant -0.499999881 : f32
    %add3A_1816 = vector.broadcast %add3A_1815 : f32 to vector<200x128xf32>
    %add3A_1817 = arith.addf %mul3A_1814, %add3A_1816 : vector<200x128xf32>
    %mul3A_1818 = arith.mulf %add3A_1817, %mul3A_1795 : vector<200x128xf32>
    %add3A_1819 = arith.constant 1.000000e+00 : f32
    %add3A_1820 = vector.broadcast %add3A_1819 : f32 to vector<200x128xf32>
    %add3A_1821 = arith.addf %mul3A_1818, %add3A_1820 : vector<200x128xf32>
    %mul3A_1822 = vector.broadcast %mul3A_1641 : vector<200x1xf32> to vector<200x128xf32>
    %mul3A_1823 = arith.mulf %add3A_1821, %mul3A_1822 : vector<200x128xf32>
    %concatenate3A_1824 = tpu.concatenate %mul3A_1685, %mul3A_1732, %mul3A_1776, %mul3A_1823 in 1 : vector<200x128xf32>, vector<200x128xf32>, vector<200x128xf32>, vector<200x128xf32> -> vector<200x512xf32>
    %mul3A_1825 = arith.mulf %get3A_1603, %mul3A_1611 : vector<200x1xf32>
    %get3A_1826 = arith.constant 0 : index
    %get3A_1827 = arith.constant 1024 : index
    %get3A_1828 = vector.load %arg3[%get3A_1826, %get3A_1827] : memref<200x1280xf32, #tpu.memory_space<vmem>>, vector<200x128xf32>
    %get3A_1829 = arith.constant 0 : index
    %get3A_1830 = arith.constant 8 : index
    %get3A_1831 = vector.load %arg2[%get3A_1829, %get3A_1830] : memref<200x10xf32, #tpu.memory_space<vmem>>, vector<200x1xf32>
    %slice3A_1832 = vector.extract_strided_slice %get3A_1828 {offsets = [0, 4], sizes = [200, 1], strides = [1, 1]} : vector<200x128xf32> to vector<200x1xf32>
    %slice3A_1833 = vector.extract_strided_slice %get3A_1828 {offsets = [0, 5], sizes = [200, 1], strides = [1, 1]} : vector<200x128xf32> to vector<200x1xf32>
    %ge3A_1834 = arith.constant 4.000000e-01 : f32
    %ge3A_1835 = vector.broadcast %ge3A_1834 : f32 to vector<200x1xf32>
    %ge3A_1836 = arith.cmpf oge, %get3A_1831, %ge3A_1835 : vector<200x1xf32>
    %convert_element_type3A_1837 = arith.extui %ge3A_1836 : vector<200x1xi1> to vector<200x1xi32>
    %convert_element_type3A_1838 = arith.sitofp %convert_element_type3A_1837 : vector<200x1xi32> to vector<200x1xf32>
    %mul3A_1839 = arith.mulf %slice3A_1832, %convert_element_type3A_1838 : vector<200x1xf32>
    %slice3A_1840 = vector.extract_strided_slice %get3A_1828 {offsets = [0, 0], sizes = [200, 1], strides = [1, 1]} : vector<200x128xf32> to vector<200x1xf32>
    %sub3A_1841 = arith.subf %slice3A_1840, %slice3A : vector<200x1xf32>
    %abs3A_1842 = math.absf %sub3A_1841 : vector<200x1xf32>
    %max3A_1843 = arith.constant 1.000000e-07 : f32
    %max3A_1844 = vector.broadcast %max3A_1843 : f32 to vector<200x1xf32>
    %max3A_1845 = arith.maximumf %abs3A_1842, %max3A_1844 : vector<200x1xf32>
    %log3A_1846 = math.log %max3A_1845 : vector<200x1xf32>
    %slice3A_1847 = vector.extract_strided_slice %get3A_1828 {offsets = [0, 1], sizes = [200, 1], strides = [1, 1]} : vector<200x128xf32> to vector<200x1xf32>
    %sub3A_1848 = arith.subf %slice3A_1847, %slice3A_2 : vector<200x1xf32>
    %abs3A_1849 = math.absf %sub3A_1848 : vector<200x1xf32>
    %max3A_1850 = arith.constant 1.000000e-07 : f32
    %max3A_1851 = vector.broadcast %max3A_1850 : f32 to vector<200x1xf32>
    %max3A_1852 = arith.maximumf %abs3A_1849, %max3A_1851 : vector<200x1xf32>
    %log3A_1853 = math.log %max3A_1852 : vector<200x1xf32>
    %slice3A_1854 = vector.extract_strided_slice %get3A_1828 {offsets = [0, 2], sizes = [200, 1], strides = [1, 1]} : vector<200x128xf32> to vector<200x1xf32>
    %sub3A_1855 = arith.subf %slice3A_1854, %slice3A_3 : vector<200x1xf32>
    %abs3A_1856 = math.absf %sub3A_1855 : vector<200x1xf32>
    %max3A_1857 = arith.constant 1.000000e-07 : f32
    %max3A_1858 = vector.broadcast %max3A_1857 : f32 to vector<200x1xf32>
    %max3A_1859 = arith.maximumf %abs3A_1856, %max3A_1858 : vector<200x1xf32>
    %log3A_1860 = math.log %max3A_1859 : vector<200x1xf32>
    %slice3A_1861 = vector.extract_strided_slice %get3A_1828 {offsets = [0, 3], sizes = [200, 1], strides = [1, 1]} : vector<200x128xf32> to vector<200x1xf32>
    %sub3A_1862 = arith.subf %slice3A_1861, %slice3A_4 : vector<200x1xf32>
    %abs3A_1863 = math.absf %sub3A_1862 : vector<200x1xf32>
    %max3A_1864 = arith.constant 1.000000e-07 : f32
    %max3A_1865 = vector.broadcast %max3A_1864 : f32 to vector<200x1xf32>
    %max3A_1866 = arith.maximumf %abs3A_1863, %max3A_1865 : vector<200x1xf32>
    %log3A_1867 = math.log %max3A_1866 : vector<200x1xf32>
    %mul3A_1868 = arith.mulf %sub3A_7, %slice3A_1833 : vector<200x1xf32>
    %mul3A_1869 = arith.mulf %mul3A_1868, %mul3A_1839 : vector<200x1xf32>
    %mul3A_1870 = arith.constant 6.28318548 : f32
    %mul3A_1871 = vector.broadcast %mul3A_1870 : f32 to vector<200x1xf32>
    %mul3A_1872 = arith.mulf %mul3A_1871, %log3A_1846 : vector<200x1xf32>
    %mul3A_1873 = vector.broadcast %mul3A_1872 : vector<200x1xf32> to vector<200x128xf32>
    %mul3A_1874 = vector.broadcast %get3A_10 : vector<1x128xf32> to vector<200x128xf32>
    %mul3A_1875 = arith.mulf %mul3A_1873, %mul3A_1874 : vector<200x128xf32>
    %mul3A_1876 = arith.constant 0.159154937 : f32
    %mul3A_1877 = vector.broadcast %mul3A_1876 : f32 to vector<200x128xf32>
    %mul3A_1878 = arith.mulf %mul3A_1875, %mul3A_1877 : vector<200x128xf32>
    %round3A_1879 = math.roundeven %mul3A_1878 : vector<200x128xf32>
    %mul3A_1880 = arith.constant 6.28318548 : f32
    %mul3A_1881 = vector.broadcast %mul3A_1880 : f32 to vector<200x128xf32>
    %mul3A_1882 = arith.mulf %round3A_1879, %mul3A_1881 : vector<200x128xf32>
    %sub3A_1883 = arith.subf %mul3A_1875, %mul3A_1882 : vector<200x128xf32>
    %mul3A_1884 = arith.constant -1.74845553E-7 : f32
    %mul3A_1885 = vector.broadcast %mul3A_1884 : f32 to vector<200x128xf32>
    %mul3A_1886 = arith.mulf %round3A_1879, %mul3A_1885 : vector<200x128xf32>
    %sub3A_1887 = arith.subf %sub3A_1883, %mul3A_1886 : vector<200x128xf32>
    %mul3A_1888 = arith.mulf %sub3A_1887, %sub3A_1887 : vector<200x128xf32>
    %mul3A_1889 = arith.constant -2.03622115E-8 : f32
    %mul3A_1890 = vector.broadcast %mul3A_1889 : f32 to vector<200x128xf32>
    %mul3A_1891 = arith.mulf %mul3A_1890, %mul3A_1888 : vector<200x128xf32>
    %add3A_1892 = arith.constant 2.69971383E-6 : f32
    %add3A_1893 = vector.broadcast %add3A_1892 : f32 to vector<200x128xf32>
    %add3A_1894 = arith.addf %mul3A_1891, %add3A_1893 : vector<200x128xf32>
    %mul3A_1895 = arith.mulf %add3A_1894, %mul3A_1888 : vector<200x128xf32>
    %add3A_1896 = arith.constant -1.98086331E-4 : f32
    %add3A_1897 = vector.broadcast %add3A_1896 : f32 to vector<200x128xf32>
    %add3A_1898 = arith.addf %mul3A_1895, %add3A_1897 : vector<200x128xf32>
    %mul3A_1899 = arith.mulf %add3A_1898, %mul3A_1888 : vector<200x128xf32>
    %add3A_1900 = arith.constant 0.00833240337 : f32
    %add3A_1901 = vector.broadcast %add3A_1900 : f32 to vector<200x128xf32>
    %add3A_1902 = arith.addf %mul3A_1899, %add3A_1901 : vector<200x128xf32>
    %mul3A_1903 = arith.mulf %add3A_1902, %mul3A_1888 : vector<200x128xf32>
    %add3A_1904 = arith.constant -0.166665524 : f32
    %add3A_1905 = vector.broadcast %add3A_1904 : f32 to vector<200x128xf32>
    %add3A_1906 = arith.addf %mul3A_1903, %add3A_1905 : vector<200x128xf32>
    %mul3A_1907 = arith.mulf %add3A_1906, %mul3A_1888 : vector<200x128xf32>
    %add3A_1908 = arith.constant 0.999999582 : f32
    %add3A_1909 = vector.broadcast %add3A_1908 : f32 to vector<200x128xf32>
    %add3A_1910 = arith.addf %mul3A_1907, %add3A_1909 : vector<200x128xf32>
    %mul3A_1911 = arith.mulf %add3A_1910, %sub3A_1887 : vector<200x128xf32>
    %mul3A_1912 = vector.broadcast %mul3A_1869 : vector<200x1xf32> to vector<200x128xf32>
    %mul3A_1913 = arith.mulf %mul3A_1911, %mul3A_1912 : vector<200x128xf32>
    %mul3A_1914 = arith.constant 6.28318548 : f32
    %mul3A_1915 = vector.broadcast %mul3A_1914 : f32 to vector<200x1xf32>
    %mul3A_1916 = arith.mulf %mul3A_1915, %log3A_1853 : vector<200x1xf32>
    %mul3A_1917 = vector.broadcast %mul3A_1916 : vector<200x1xf32> to vector<200x128xf32>
    %mul3A_1918 = vector.broadcast %get3A_10 : vector<1x128xf32> to vector<200x128xf32>
    %mul3A_1919 = arith.mulf %mul3A_1917, %mul3A_1918 : vector<200x128xf32>
    %mul3A_1920 = arith.constant 0.159154937 : f32
    %mul3A_1921 = vector.broadcast %mul3A_1920 : f32 to vector<200x128xf32>
    %mul3A_1922 = arith.mulf %mul3A_1919, %mul3A_1921 : vector<200x128xf32>
    %round3A_1923 = math.roundeven %mul3A_1922 : vector<200x128xf32>
    %mul3A_1924 = arith.constant 6.28318548 : f32
    %mul3A_1925 = vector.broadcast %mul3A_1924 : f32 to vector<200x128xf32>
    %mul3A_1926 = arith.mulf %round3A_1923, %mul3A_1925 : vector<200x128xf32>
    %sub3A_1927 = arith.subf %mul3A_1919, %mul3A_1926 : vector<200x128xf32>
    %mul3A_1928 = arith.constant -1.74845553E-7 : f32
    %mul3A_1929 = vector.broadcast %mul3A_1928 : f32 to vector<200x128xf32>
    %mul3A_1930 = arith.mulf %round3A_1923, %mul3A_1929 : vector<200x128xf32>
    %sub3A_1931 = arith.subf %sub3A_1927, %mul3A_1930 : vector<200x128xf32>
    %mul3A_1932 = arith.mulf %sub3A_1931, %sub3A_1931 : vector<200x128xf32>
    %mul3A_1933 = arith.constant 1.72450665E-9 : f32
    %mul3A_1934 = vector.broadcast %mul3A_1933 : f32 to vector<200x128xf32>
    %mul3A_1935 = arith.mulf %mul3A_1934, %mul3A_1932 : vector<200x128xf32>
    %add3A_1936 = arith.constant -2.70790252E-7 : f32
    %add3A_1937 = vector.broadcast %add3A_1936 : f32 to vector<200x128xf32>
    %add3A_1938 = arith.addf %mul3A_1935, %add3A_1937 : vector<200x128xf32>
    %mul3A_1939 = arith.mulf %add3A_1938, %mul3A_1932 : vector<200x128xf32>
    %add3A_1940 = arith.constant 2.47698827E-5 : f32
    %add3A_1941 = vector.broadcast %add3A_1940 : f32 to vector<200x128xf32>
    %add3A_1942 = arith.addf %mul3A_1939, %add3A_1941 : vector<200x128xf32>
    %mul3A_1943 = arith.mulf %add3A_1942, %mul3A_1932 : vector<200x128xf32>
    %add3A_1944 = arith.constant -0.00138878042 : f32
    %add3A_1945 = vector.broadcast %add3A_1944 : f32 to vector<200x128xf32>
    %add3A_1946 = arith.addf %mul3A_1943, %add3A_1945 : vector<200x128xf32>
    %mul3A_1947 = arith.mulf %add3A_1946, %mul3A_1932 : vector<200x128xf32>
    %add3A_1948 = arith.constant 0.0416664891 : f32
    %add3A_1949 = vector.broadcast %add3A_1948 : f32 to vector<200x128xf32>
    %add3A_1950 = arith.addf %mul3A_1947, %add3A_1949 : vector<200x128xf32>
    %mul3A_1951 = arith.mulf %add3A_1950, %mul3A_1932 : vector<200x128xf32>
    %add3A_1952 = arith.constant -0.499999881 : f32
    %add3A_1953 = vector.broadcast %add3A_1952 : f32 to vector<200x128xf32>
    %add3A_1954 = arith.addf %mul3A_1951, %add3A_1953 : vector<200x128xf32>
    %mul3A_1955 = arith.mulf %add3A_1954, %mul3A_1932 : vector<200x128xf32>
    %add3A_1956 = arith.constant 1.000000e+00 : f32
    %add3A_1957 = vector.broadcast %add3A_1956 : f32 to vector<200x128xf32>
    %add3A_1958 = arith.addf %mul3A_1955, %add3A_1957 : vector<200x128xf32>
    %mul3A_1959 = vector.broadcast %mul3A_1869 : vector<200x1xf32> to vector<200x128xf32>
    %mul3A_1960 = arith.mulf %add3A_1958, %mul3A_1959 : vector<200x128xf32>
    %mul3A_1961 = arith.constant 6.28318548 : f32
    %mul3A_1962 = vector.broadcast %mul3A_1961 : f32 to vector<200x1xf32>
    %mul3A_1963 = arith.mulf %mul3A_1962, %log3A_1860 : vector<200x1xf32>
    %mul3A_1964 = vector.broadcast %mul3A_1963 : vector<200x1xf32> to vector<200x128xf32>
    %mul3A_1965 = vector.broadcast %get3A_10 : vector<1x128xf32> to vector<200x128xf32>
    %mul3A_1966 = arith.mulf %mul3A_1964, %mul3A_1965 : vector<200x128xf32>
    %mul3A_1967 = arith.constant 0.159154937 : f32
    %mul3A_1968 = vector.broadcast %mul3A_1967 : f32 to vector<200x128xf32>
    %mul3A_1969 = arith.mulf %mul3A_1966, %mul3A_1968 : vector<200x128xf32>
    %round3A_1970 = math.roundeven %mul3A_1969 : vector<200x128xf32>
    %mul3A_1971 = arith.constant 6.28318548 : f32
    %mul3A_1972 = vector.broadcast %mul3A_1971 : f32 to vector<200x128xf32>
    %mul3A_1973 = arith.mulf %round3A_1970, %mul3A_1972 : vector<200x128xf32>
    %sub3A_1974 = arith.subf %mul3A_1966, %mul3A_1973 : vector<200x128xf32>
    %mul3A_1975 = arith.constant -1.74845553E-7 : f32
    %mul3A_1976 = vector.broadcast %mul3A_1975 : f32 to vector<200x128xf32>
    %mul3A_1977 = arith.mulf %round3A_1970, %mul3A_1976 : vector<200x128xf32>
    %sub3A_1978 = arith.subf %sub3A_1974, %mul3A_1977 : vector<200x128xf32>
    %mul3A_1979 = arith.mulf %sub3A_1978, %sub3A_1978 : vector<200x128xf32>
    %mul3A_1980 = arith.constant -2.03622115E-8 : f32
    %mul3A_1981 = vector.broadcast %mul3A_1980 : f32 to vector<200x128xf32>
    %mul3A_1982 = arith.mulf %mul3A_1981, %mul3A_1979 : vector<200x128xf32>
    %add3A_1983 = arith.constant 2.69971383E-6 : f32
    %add3A_1984 = vector.broadcast %add3A_1983 : f32 to vector<200x128xf32>
    %add3A_1985 = arith.addf %mul3A_1982, %add3A_1984 : vector<200x128xf32>
    %mul3A_1986 = arith.mulf %add3A_1985, %mul3A_1979 : vector<200x128xf32>
    %add3A_1987 = arith.constant -1.98086331E-4 : f32
    %add3A_1988 = vector.broadcast %add3A_1987 : f32 to vector<200x128xf32>
    %add3A_1989 = arith.addf %mul3A_1986, %add3A_1988 : vector<200x128xf32>
    %mul3A_1990 = arith.mulf %add3A_1989, %mul3A_1979 : vector<200x128xf32>
    %add3A_1991 = arith.constant 0.00833240337 : f32
    %add3A_1992 = vector.broadcast %add3A_1991 : f32 to vector<200x128xf32>
    %add3A_1993 = arith.addf %mul3A_1990, %add3A_1992 : vector<200x128xf32>
    %mul3A_1994 = arith.mulf %add3A_1993, %mul3A_1979 : vector<200x128xf32>
    %add3A_1995 = arith.constant -0.166665524 : f32
    %add3A_1996 = vector.broadcast %add3A_1995 : f32 to vector<200x128xf32>
    %add3A_1997 = arith.addf %mul3A_1994, %add3A_1996 : vector<200x128xf32>
    %mul3A_1998 = arith.mulf %add3A_1997, %mul3A_1979 : vector<200x128xf32>
    %add3A_1999 = arith.constant 0.999999582 : f32
    %add3A_2000 = vector.broadcast %add3A_1999 : f32 to vector<200x128xf32>
    %add3A_2001 = arith.addf %mul3A_1998, %add3A_2000 : vector<200x128xf32>
    %mul3A_2002 = arith.mulf %add3A_2001, %sub3A_1978 : vector<200x128xf32>
    %mul3A_2003 = vector.broadcast %mul3A_1869 : vector<200x1xf32> to vector<200x128xf32>
    %mul3A_2004 = arith.mulf %mul3A_2002, %mul3A_2003 : vector<200x128xf32>
    %mul3A_2005 = arith.constant 6.28318548 : f32
    %mul3A_2006 = vector.broadcast %mul3A_2005 : f32 to vector<200x1xf32>
    %mul3A_2007 = arith.mulf %mul3A_2006, %log3A_1867 : vector<200x1xf32>
    %mul3A_2008 = vector.broadcast %mul3A_2007 : vector<200x1xf32> to vector<200x128xf32>
    %mul3A_2009 = vector.broadcast %get3A_10 : vector<1x128xf32> to vector<200x128xf32>
    %mul3A_2010 = arith.mulf %mul3A_2008, %mul3A_2009 : vector<200x128xf32>
    %mul3A_2011 = arith.constant 0.159154937 : f32
    %mul3A_2012 = vector.broadcast %mul3A_2011 : f32 to vector<200x128xf32>
    %mul3A_2013 = arith.mulf %mul3A_2010, %mul3A_2012 : vector<200x128xf32>
    %round3A_2014 = math.roundeven %mul3A_2013 : vector<200x128xf32>
    %mul3A_2015 = arith.constant 6.28318548 : f32
    %mul3A_2016 = vector.broadcast %mul3A_2015 : f32 to vector<200x128xf32>
    %mul3A_2017 = arith.mulf %round3A_2014, %mul3A_2016 : vector<200x128xf32>
    %sub3A_2018 = arith.subf %mul3A_2010, %mul3A_2017 : vector<200x128xf32>
    %mul3A_2019 = arith.constant -1.74845553E-7 : f32
    %mul3A_2020 = vector.broadcast %mul3A_2019 : f32 to vector<200x128xf32>
    %mul3A_2021 = arith.mulf %round3A_2014, %mul3A_2020 : vector<200x128xf32>
    %sub3A_2022 = arith.subf %sub3A_2018, %mul3A_2021 : vector<200x128xf32>
    %mul3A_2023 = arith.mulf %sub3A_2022, %sub3A_2022 : vector<200x128xf32>
    %mul3A_2024 = arith.constant 1.72450665E-9 : f32
    %mul3A_2025 = vector.broadcast %mul3A_2024 : f32 to vector<200x128xf32>
    %mul3A_2026 = arith.mulf %mul3A_2025, %mul3A_2023 : vector<200x128xf32>
    %add3A_2027 = arith.constant -2.70790252E-7 : f32
    %add3A_2028 = vector.broadcast %add3A_2027 : f32 to vector<200x128xf32>
    %add3A_2029 = arith.addf %mul3A_2026, %add3A_2028 : vector<200x128xf32>
    %mul3A_2030 = arith.mulf %add3A_2029, %mul3A_2023 : vector<200x128xf32>
    %add3A_2031 = arith.constant 2.47698827E-5 : f32
    %add3A_2032 = vector.broadcast %add3A_2031 : f32 to vector<200x128xf32>
    %add3A_2033 = arith.addf %mul3A_2030, %add3A_2032 : vector<200x128xf32>
    %mul3A_2034 = arith.mulf %add3A_2033, %mul3A_2023 : vector<200x128xf32>
    %add3A_2035 = arith.constant -0.00138878042 : f32
    %add3A_2036 = vector.broadcast %add3A_2035 : f32 to vector<200x128xf32>
    %add3A_2037 = arith.addf %mul3A_2034, %add3A_2036 : vector<200x128xf32>
    %mul3A_2038 = arith.mulf %add3A_2037, %mul3A_2023 : vector<200x128xf32>
    %add3A_2039 = arith.constant 0.0416664891 : f32
    %add3A_2040 = vector.broadcast %add3A_2039 : f32 to vector<200x128xf32>
    %add3A_2041 = arith.addf %mul3A_2038, %add3A_2040 : vector<200x128xf32>
    %mul3A_2042 = arith.mulf %add3A_2041, %mul3A_2023 : vector<200x128xf32>
    %add3A_2043 = arith.constant -0.499999881 : f32
    %add3A_2044 = vector.broadcast %add3A_2043 : f32 to vector<200x128xf32>
    %add3A_2045 = arith.addf %mul3A_2042, %add3A_2044 : vector<200x128xf32>
    %mul3A_2046 = arith.mulf %add3A_2045, %mul3A_2023 : vector<200x128xf32>
    %add3A_2047 = arith.constant 1.000000e+00 : f32
    %add3A_2048 = vector.broadcast %add3A_2047 : f32 to vector<200x128xf32>
    %add3A_2049 = arith.addf %mul3A_2046, %add3A_2048 : vector<200x128xf32>
    %mul3A_2050 = vector.broadcast %mul3A_1869 : vector<200x1xf32> to vector<200x128xf32>
    %mul3A_2051 = arith.mulf %add3A_2049, %mul3A_2050 : vector<200x128xf32>
    %concatenate3A_2052 = tpu.concatenate %mul3A_1913, %mul3A_1960, %mul3A_2004, %mul3A_2051 in 1 : vector<200x128xf32>, vector<200x128xf32>, vector<200x128xf32>, vector<200x128xf32> -> vector<200x512xf32>
    %mul3A_2053 = arith.mulf %get3A_1831, %mul3A_1839 : vector<200x1xf32>
    %get3A_2054 = arith.constant 0 : index
    %get3A_2055 = arith.constant 1152 : index
    %get3A_2056 = vector.load %arg3[%get3A_2054, %get3A_2055] : memref<200x1280xf32, #tpu.memory_space<vmem>>, vector<200x128xf32>
    %get3A_2057 = arith.constant 0 : index
    %get3A_2058 = arith.constant 9 : index
    %get3A_2059 = vector.load %arg2[%get3A_2057, %get3A_2058] : memref<200x10xf32, #tpu.memory_space<vmem>>, vector<200x1xf32>
    %slice3A_2060 = vector.extract_strided_slice %get3A_2056 {offsets = [0, 4], sizes = [200, 1], strides = [1, 1]} : vector<200x128xf32> to vector<200x1xf32>
    %slice3A_2061 = vector.extract_strided_slice %get3A_2056 {offsets = [0, 5], sizes = [200, 1], strides = [1, 1]} : vector<200x128xf32> to vector<200x1xf32>
    %ge3A_2062 = arith.constant 4.000000e-01 : f32
    %ge3A_2063 = vector.broadcast %ge3A_2062 : f32 to vector<200x1xf32>
    %ge3A_2064 = arith.cmpf oge, %get3A_2059, %ge3A_2063 : vector<200x1xf32>
    %convert_element_type3A_2065 = arith.extui %ge3A_2064 : vector<200x1xi1> to vector<200x1xi32>
    %convert_element_type3A_2066 = arith.sitofp %convert_element_type3A_2065 : vector<200x1xi32> to vector<200x1xf32>
    %mul3A_2067 = arith.mulf %slice3A_2060, %convert_element_type3A_2066 : vector<200x1xf32>
    %slice3A_2068 = vector.extract_strided_slice %get3A_2056 {offsets = [0, 0], sizes = [200, 1], strides = [1, 1]} : vector<200x128xf32> to vector<200x1xf32>
    %sub3A_2069 = arith.subf %slice3A_2068, %slice3A : vector<200x1xf32>
    %abs3A_2070 = math.absf %sub3A_2069 : vector<200x1xf32>
    %max3A_2071 = arith.constant 1.000000e-07 : f32
    %max3A_2072 = vector.broadcast %max3A_2071 : f32 to vector<200x1xf32>
    %max3A_2073 = arith.maximumf %abs3A_2070, %max3A_2072 : vector<200x1xf32>
    %log3A_2074 = math.log %max3A_2073 : vector<200x1xf32>
    %slice3A_2075 = vector.extract_strided_slice %get3A_2056 {offsets = [0, 1], sizes = [200, 1], strides = [1, 1]} : vector<200x128xf32> to vector<200x1xf32>
    %sub3A_2076 = arith.subf %slice3A_2075, %slice3A_2 : vector<200x1xf32>
    %abs3A_2077 = math.absf %sub3A_2076 : vector<200x1xf32>
    %max3A_2078 = arith.constant 1.000000e-07 : f32
    %max3A_2079 = vector.broadcast %max3A_2078 : f32 to vector<200x1xf32>
    %max3A_2080 = arith.maximumf %abs3A_2077, %max3A_2079 : vector<200x1xf32>
    %log3A_2081 = math.log %max3A_2080 : vector<200x1xf32>
    %slice3A_2082 = vector.extract_strided_slice %get3A_2056 {offsets = [0, 2], sizes = [200, 1], strides = [1, 1]} : vector<200x128xf32> to vector<200x1xf32>
    %sub3A_2083 = arith.subf %slice3A_2082, %slice3A_3 : vector<200x1xf32>
    %abs3A_2084 = math.absf %sub3A_2083 : vector<200x1xf32>
    %max3A_2085 = arith.constant 1.000000e-07 : f32
    %max3A_2086 = vector.broadcast %max3A_2085 : f32 to vector<200x1xf32>
    %max3A_2087 = arith.maximumf %abs3A_2084, %max3A_2086 : vector<200x1xf32>
    %log3A_2088 = math.log %max3A_2087 : vector<200x1xf32>
    %slice3A_2089 = vector.extract_strided_slice %get3A_2056 {offsets = [0, 3], sizes = [200, 1], strides = [1, 1]} : vector<200x128xf32> to vector<200x1xf32>
    %sub3A_2090 = arith.subf %slice3A_2089, %slice3A_4 : vector<200x1xf32>
    %abs3A_2091 = math.absf %sub3A_2090 : vector<200x1xf32>
    %max3A_2092 = arith.constant 1.000000e-07 : f32
    %max3A_2093 = vector.broadcast %max3A_2092 : f32 to vector<200x1xf32>
    %max3A_2094 = arith.maximumf %abs3A_2091, %max3A_2093 : vector<200x1xf32>
    %log3A_2095 = math.log %max3A_2094 : vector<200x1xf32>
    %mul3A_2096 = arith.mulf %sub3A_7, %slice3A_2061 : vector<200x1xf32>
    %mul3A_2097 = arith.mulf %mul3A_2096, %mul3A_2067 : vector<200x1xf32>
    %mul3A_2098 = arith.constant 6.28318548 : f32
    %mul3A_2099 = vector.broadcast %mul3A_2098 : f32 to vector<200x1xf32>
    %mul3A_2100 = arith.mulf %mul3A_2099, %log3A_2074 : vector<200x1xf32>
    %mul3A_2101 = vector.broadcast %mul3A_2100 : vector<200x1xf32> to vector<200x128xf32>
    %mul3A_2102 = vector.broadcast %get3A_10 : vector<1x128xf32> to vector<200x128xf32>
    %mul3A_2103 = arith.mulf %mul3A_2101, %mul3A_2102 : vector<200x128xf32>
    %mul3A_2104 = arith.constant 0.159154937 : f32
    %mul3A_2105 = vector.broadcast %mul3A_2104 : f32 to vector<200x128xf32>
    %mul3A_2106 = arith.mulf %mul3A_2103, %mul3A_2105 : vector<200x128xf32>
    %round3A_2107 = math.roundeven %mul3A_2106 : vector<200x128xf32>
    %mul3A_2108 = arith.constant 6.28318548 : f32
    %mul3A_2109 = vector.broadcast %mul3A_2108 : f32 to vector<200x128xf32>
    %mul3A_2110 = arith.mulf %round3A_2107, %mul3A_2109 : vector<200x128xf32>
    %sub3A_2111 = arith.subf %mul3A_2103, %mul3A_2110 : vector<200x128xf32>
    %mul3A_2112 = arith.constant -1.74845553E-7 : f32
    %mul3A_2113 = vector.broadcast %mul3A_2112 : f32 to vector<200x128xf32>
    %mul3A_2114 = arith.mulf %round3A_2107, %mul3A_2113 : vector<200x128xf32>
    %sub3A_2115 = arith.subf %sub3A_2111, %mul3A_2114 : vector<200x128xf32>
    %mul3A_2116 = arith.mulf %sub3A_2115, %sub3A_2115 : vector<200x128xf32>
    %mul3A_2117 = arith.constant -2.03622115E-8 : f32
    %mul3A_2118 = vector.broadcast %mul3A_2117 : f32 to vector<200x128xf32>
    %mul3A_2119 = arith.mulf %mul3A_2118, %mul3A_2116 : vector<200x128xf32>
    %add3A_2120 = arith.constant 2.69971383E-6 : f32
    %add3A_2121 = vector.broadcast %add3A_2120 : f32 to vector<200x128xf32>
    %add3A_2122 = arith.addf %mul3A_2119, %add3A_2121 : vector<200x128xf32>
    %mul3A_2123 = arith.mulf %add3A_2122, %mul3A_2116 : vector<200x128xf32>
    %add3A_2124 = arith.constant -1.98086331E-4 : f32
    %add3A_2125 = vector.broadcast %add3A_2124 : f32 to vector<200x128xf32>
    %add3A_2126 = arith.addf %mul3A_2123, %add3A_2125 : vector<200x128xf32>
    %mul3A_2127 = arith.mulf %add3A_2126, %mul3A_2116 : vector<200x128xf32>
    %add3A_2128 = arith.constant 0.00833240337 : f32
    %add3A_2129 = vector.broadcast %add3A_2128 : f32 to vector<200x128xf32>
    %add3A_2130 = arith.addf %mul3A_2127, %add3A_2129 : vector<200x128xf32>
    %mul3A_2131 = arith.mulf %add3A_2130, %mul3A_2116 : vector<200x128xf32>
    %add3A_2132 = arith.constant -0.166665524 : f32
    %add3A_2133 = vector.broadcast %add3A_2132 : f32 to vector<200x128xf32>
    %add3A_2134 = arith.addf %mul3A_2131, %add3A_2133 : vector<200x128xf32>
    %mul3A_2135 = arith.mulf %add3A_2134, %mul3A_2116 : vector<200x128xf32>
    %add3A_2136 = arith.constant 0.999999582 : f32
    %add3A_2137 = vector.broadcast %add3A_2136 : f32 to vector<200x128xf32>
    %add3A_2138 = arith.addf %mul3A_2135, %add3A_2137 : vector<200x128xf32>
    %mul3A_2139 = arith.mulf %add3A_2138, %sub3A_2115 : vector<200x128xf32>
    %mul3A_2140 = vector.broadcast %mul3A_2097 : vector<200x1xf32> to vector<200x128xf32>
    %mul3A_2141 = arith.mulf %mul3A_2139, %mul3A_2140 : vector<200x128xf32>
    %mul3A_2142 = arith.constant 6.28318548 : f32
    %mul3A_2143 = vector.broadcast %mul3A_2142 : f32 to vector<200x1xf32>
    %mul3A_2144 = arith.mulf %mul3A_2143, %log3A_2081 : vector<200x1xf32>
    %mul3A_2145 = vector.broadcast %mul3A_2144 : vector<200x1xf32> to vector<200x128xf32>
    %mul3A_2146 = vector.broadcast %get3A_10 : vector<1x128xf32> to vector<200x128xf32>
    %mul3A_2147 = arith.mulf %mul3A_2145, %mul3A_2146 : vector<200x128xf32>
    %mul3A_2148 = arith.constant 0.159154937 : f32
    %mul3A_2149 = vector.broadcast %mul3A_2148 : f32 to vector<200x128xf32>
    %mul3A_2150 = arith.mulf %mul3A_2147, %mul3A_2149 : vector<200x128xf32>
    %round3A_2151 = math.roundeven %mul3A_2150 : vector<200x128xf32>
    %mul3A_2152 = arith.constant 6.28318548 : f32
    %mul3A_2153 = vector.broadcast %mul3A_2152 : f32 to vector<200x128xf32>
    %mul3A_2154 = arith.mulf %round3A_2151, %mul3A_2153 : vector<200x128xf32>
    %sub3A_2155 = arith.subf %mul3A_2147, %mul3A_2154 : vector<200x128xf32>
    %mul3A_2156 = arith.constant -1.74845553E-7 : f32
    %mul3A_2157 = vector.broadcast %mul3A_2156 : f32 to vector<200x128xf32>
    %mul3A_2158 = arith.mulf %round3A_2151, %mul3A_2157 : vector<200x128xf32>
    %sub3A_2159 = arith.subf %sub3A_2155, %mul3A_2158 : vector<200x128xf32>
    %mul3A_2160 = arith.mulf %sub3A_2159, %sub3A_2159 : vector<200x128xf32>
    %mul3A_2161 = arith.constant 1.72450665E-9 : f32
    %mul3A_2162 = vector.broadcast %mul3A_2161 : f32 to vector<200x128xf32>
    %mul3A_2163 = arith.mulf %mul3A_2162, %mul3A_2160 : vector<200x128xf32>
    %add3A_2164 = arith.constant -2.70790252E-7 : f32
    %add3A_2165 = vector.broadcast %add3A_2164 : f32 to vector<200x128xf32>
    %add3A_2166 = arith.addf %mul3A_2163, %add3A_2165 : vector<200x128xf32>
    %mul3A_2167 = arith.mulf %add3A_2166, %mul3A_2160 : vector<200x128xf32>
    %add3A_2168 = arith.constant 2.47698827E-5 : f32
    %add3A_2169 = vector.broadcast %add3A_2168 : f32 to vector<200x128xf32>
    %add3A_2170 = arith.addf %mul3A_2167, %add3A_2169 : vector<200x128xf32>
    %mul3A_2171 = arith.mulf %add3A_2170, %mul3A_2160 : vector<200x128xf32>
    %add3A_2172 = arith.constant -0.00138878042 : f32
    %add3A_2173 = vector.broadcast %add3A_2172 : f32 to vector<200x128xf32>
    %add3A_2174 = arith.addf %mul3A_2171, %add3A_2173 : vector<200x128xf32>
    %mul3A_2175 = arith.mulf %add3A_2174, %mul3A_2160 : vector<200x128xf32>
    %add3A_2176 = arith.constant 0.0416664891 : f32
    %add3A_2177 = vector.broadcast %add3A_2176 : f32 to vector<200x128xf32>
    %add3A_2178 = arith.addf %mul3A_2175, %add3A_2177 : vector<200x128xf32>
    %mul3A_2179 = arith.mulf %add3A_2178, %mul3A_2160 : vector<200x128xf32>
    %add3A_2180 = arith.constant -0.499999881 : f32
    %add3A_2181 = vector.broadcast %add3A_2180 : f32 to vector<200x128xf32>
    %add3A_2182 = arith.addf %mul3A_2179, %add3A_2181 : vector<200x128xf32>
    %mul3A_2183 = arith.mulf %add3A_2182, %mul3A_2160 : vector<200x128xf32>
    %add3A_2184 = arith.constant 1.000000e+00 : f32
    %add3A_2185 = vector.broadcast %add3A_2184 : f32 to vector<200x128xf32>
    %add3A_2186 = arith.addf %mul3A_2183, %add3A_2185 : vector<200x128xf32>
    %mul3A_2187 = vector.broadcast %mul3A_2097 : vector<200x1xf32> to vector<200x128xf32>
    %mul3A_2188 = arith.mulf %add3A_2186, %mul3A_2187 : vector<200x128xf32>
    %mul3A_2189 = arith.constant 6.28318548 : f32
    %mul3A_2190 = vector.broadcast %mul3A_2189 : f32 to vector<200x1xf32>
    %mul3A_2191 = arith.mulf %mul3A_2190, %log3A_2088 : vector<200x1xf32>
    %mul3A_2192 = vector.broadcast %mul3A_2191 : vector<200x1xf32> to vector<200x128xf32>
    %mul3A_2193 = vector.broadcast %get3A_10 : vector<1x128xf32> to vector<200x128xf32>
    %mul3A_2194 = arith.mulf %mul3A_2192, %mul3A_2193 : vector<200x128xf32>
    %mul3A_2195 = arith.constant 0.159154937 : f32
    %mul3A_2196 = vector.broadcast %mul3A_2195 : f32 to vector<200x128xf32>
    %mul3A_2197 = arith.mulf %mul3A_2194, %mul3A_2196 : vector<200x128xf32>
    %round3A_2198 = math.roundeven %mul3A_2197 : vector<200x128xf32>
    %mul3A_2199 = arith.constant 6.28318548 : f32
    %mul3A_2200 = vector.broadcast %mul3A_2199 : f32 to vector<200x128xf32>
    %mul3A_2201 = arith.mulf %round3A_2198, %mul3A_2200 : vector<200x128xf32>
    %sub3A_2202 = arith.subf %mul3A_2194, %mul3A_2201 : vector<200x128xf32>
    %mul3A_2203 = arith.constant -1.74845553E-7 : f32
    %mul3A_2204 = vector.broadcast %mul3A_2203 : f32 to vector<200x128xf32>
    %mul3A_2205 = arith.mulf %round3A_2198, %mul3A_2204 : vector<200x128xf32>
    %sub3A_2206 = arith.subf %sub3A_2202, %mul3A_2205 : vector<200x128xf32>
    %mul3A_2207 = arith.mulf %sub3A_2206, %sub3A_2206 : vector<200x128xf32>
    %mul3A_2208 = arith.constant -2.03622115E-8 : f32
    %mul3A_2209 = vector.broadcast %mul3A_2208 : f32 to vector<200x128xf32>
    %mul3A_2210 = arith.mulf %mul3A_2209, %mul3A_2207 : vector<200x128xf32>
    %add3A_2211 = arith.constant 2.69971383E-6 : f32
    %add3A_2212 = vector.broadcast %add3A_2211 : f32 to vector<200x128xf32>
    %add3A_2213 = arith.addf %mul3A_2210, %add3A_2212 : vector<200x128xf32>
    %mul3A_2214 = arith.mulf %add3A_2213, %mul3A_2207 : vector<200x128xf32>
    %add3A_2215 = arith.constant -1.98086331E-4 : f32
    %add3A_2216 = vector.broadcast %add3A_2215 : f32 to vector<200x128xf32>
    %add3A_2217 = arith.addf %mul3A_2214, %add3A_2216 : vector<200x128xf32>
    %mul3A_2218 = arith.mulf %add3A_2217, %mul3A_2207 : vector<200x128xf32>
    %add3A_2219 = arith.constant 0.00833240337 : f32
    %add3A_2220 = vector.broadcast %add3A_2219 : f32 to vector<200x128xf32>
    %add3A_2221 = arith.addf %mul3A_2218, %add3A_2220 : vector<200x128xf32>
    %mul3A_2222 = arith.mulf %add3A_2221, %mul3A_2207 : vector<200x128xf32>
    %add3A_2223 = arith.constant -0.166665524 : f32
    %add3A_2224 = vector.broadcast %add3A_2223 : f32 to vector<200x128xf32>
    %add3A_2225 = arith.addf %mul3A_2222, %add3A_2224 : vector<200x128xf32>
    %mul3A_2226 = arith.mulf %add3A_2225, %mul3A_2207 : vector<200x128xf32>
    %add3A_2227 = arith.constant 0.999999582 : f32
    %add3A_2228 = vector.broadcast %add3A_2227 : f32 to vector<200x128xf32>
    %add3A_2229 = arith.addf %mul3A_2226, %add3A_2228 : vector<200x128xf32>
    %mul3A_2230 = arith.mulf %add3A_2229, %sub3A_2206 : vector<200x128xf32>
    %mul3A_2231 = vector.broadcast %mul3A_2097 : vector<200x1xf32> to vector<200x128xf32>
    %mul3A_2232 = arith.mulf %mul3A_2230, %mul3A_2231 : vector<200x128xf32>
    %mul3A_2233 = arith.constant 6.28318548 : f32
    %mul3A_2234 = vector.broadcast %mul3A_2233 : f32 to vector<200x1xf32>
    %mul3A_2235 = arith.mulf %mul3A_2234, %log3A_2095 : vector<200x1xf32>
    %mul3A_2236 = vector.broadcast %mul3A_2235 : vector<200x1xf32> to vector<200x128xf32>
    %mul3A_2237 = vector.broadcast %get3A_10 : vector<1x128xf32> to vector<200x128xf32>
    %mul3A_2238 = arith.mulf %mul3A_2236, %mul3A_2237 : vector<200x128xf32>
    %mul3A_2239 = arith.constant 0.159154937 : f32
    %mul3A_2240 = vector.broadcast %mul3A_2239 : f32 to vector<200x128xf32>
    %mul3A_2241 = arith.mulf %mul3A_2238, %mul3A_2240 : vector<200x128xf32>
    %round3A_2242 = math.roundeven %mul3A_2241 : vector<200x128xf32>
    %mul3A_2243 = arith.constant 6.28318548 : f32
    %mul3A_2244 = vector.broadcast %mul3A_2243 : f32 to vector<200x128xf32>
    %mul3A_2245 = arith.mulf %round3A_2242, %mul3A_2244 : vector<200x128xf32>
    %sub3A_2246 = arith.subf %mul3A_2238, %mul3A_2245 : vector<200x128xf32>
    %mul3A_2247 = arith.constant -1.74845553E-7 : f32
    %mul3A_2248 = vector.broadcast %mul3A_2247 : f32 to vector<200x128xf32>
    %mul3A_2249 = arith.mulf %round3A_2242, %mul3A_2248 : vector<200x128xf32>
    %sub3A_2250 = arith.subf %sub3A_2246, %mul3A_2249 : vector<200x128xf32>
    %mul3A_2251 = arith.mulf %sub3A_2250, %sub3A_2250 : vector<200x128xf32>
    %mul3A_2252 = arith.constant 1.72450665E-9 : f32
    %mul3A_2253 = vector.broadcast %mul3A_2252 : f32 to vector<200x128xf32>
    %mul3A_2254 = arith.mulf %mul3A_2253, %mul3A_2251 : vector<200x128xf32>
    %add3A_2255 = arith.constant -2.70790252E-7 : f32
    %add3A_2256 = vector.broadcast %add3A_2255 : f32 to vector<200x128xf32>
    %add3A_2257 = arith.addf %mul3A_2254, %add3A_2256 : vector<200x128xf32>
    %mul3A_2258 = arith.mulf %add3A_2257, %mul3A_2251 : vector<200x128xf32>
    %add3A_2259 = arith.constant 2.47698827E-5 : f32
    %add3A_2260 = vector.broadcast %add3A_2259 : f32 to vector<200x128xf32>
    %add3A_2261 = arith.addf %mul3A_2258, %add3A_2260 : vector<200x128xf32>
    %mul3A_2262 = arith.mulf %add3A_2261, %mul3A_2251 : vector<200x128xf32>
    %add3A_2263 = arith.constant -0.00138878042 : f32
    %add3A_2264 = vector.broadcast %add3A_2263 : f32 to vector<200x128xf32>
    %add3A_2265 = arith.addf %mul3A_2262, %add3A_2264 : vector<200x128xf32>
    %mul3A_2266 = arith.mulf %add3A_2265, %mul3A_2251 : vector<200x128xf32>
    %add3A_2267 = arith.constant 0.0416664891 : f32
    %add3A_2268 = vector.broadcast %add3A_2267 : f32 to vector<200x128xf32>
    %add3A_2269 = arith.addf %mul3A_2266, %add3A_2268 : vector<200x128xf32>
    %mul3A_2270 = arith.mulf %add3A_2269, %mul3A_2251 : vector<200x128xf32>
    %add3A_2271 = arith.constant -0.499999881 : f32
    %add3A_2272 = vector.broadcast %add3A_2271 : f32 to vector<200x128xf32>
    %add3A_2273 = arith.addf %mul3A_2270, %add3A_2272 : vector<200x128xf32>
    %mul3A_2274 = arith.mulf %add3A_2273, %mul3A_2251 : vector<200x128xf32>
    %add3A_2275 = arith.constant 1.000000e+00 : f32
    %add3A_2276 = vector.broadcast %add3A_2275 : f32 to vector<200x128xf32>
    %add3A_2277 = arith.addf %mul3A_2274, %add3A_2276 : vector<200x128xf32>
    %mul3A_2278 = vector.broadcast %mul3A_2097 : vector<200x1xf32> to vector<200x128xf32>
    %mul3A_2279 = arith.mulf %add3A_2277, %mul3A_2278 : vector<200x128xf32>
    %concatenate3A_2280 = tpu.concatenate %mul3A_2141, %mul3A_2188, %mul3A_2232, %mul3A_2279 in 1 : vector<200x128xf32>, vector<200x128xf32>, vector<200x128xf32>, vector<200x128xf32> -> vector<200x512xf32>
    %mul3A_2281 = arith.mulf %get3A_2059, %mul3A_2067 : vector<200x1xf32>
    %concatenate3A_2282 = tpu.concatenate %concatenate3A, %concatenate3A_456, %concatenate3A_684, %concatenate3A_912, %concatenate3A_1140, %concatenate3A_1368, %concatenate3A_1596, %concatenate3A_1824, %concatenate3A_2052, %concatenate3A_2280 in 0 : vector<200x512xf32>, vector<200x512xf32>, vector<200x512xf32>, vector<200x512xf32>, vector<200x512xf32>, vector<200x512xf32>, vector<200x512xf32>, vector<200x512xf32>, vector<200x512xf32>, vector<200x512xf32> -> vector<2000x512xf32>
    %concatenate3A_2283 = tpu.concatenate %mul3A_229, %mul3A_457, %mul3A_685, %mul3A_913, %mul3A_1141, %mul3A_1369, %mul3A_1597, %mul3A_1825, %mul3A_2053, %mul3A_2281 in 0 : vector<200x1xf32>, vector<200x1xf32>, vector<200x1xf32>, vector<200x1xf32>, vector<200x1xf32>, vector<200x1xf32>, vector<200x1xf32>, vector<200x1xf32>, vector<200x1xf32>, vector<200x1xf32> -> vector<2000x1xf32>
    %get3A_2284 = arith.constant 64 : index
    %get3A_2285 = arith.constant 0 : index
    %get3A_2286 = vector.load %arg4[%get3A_2284, %get3A_2285] : memref<576x256xf32, #tpu.memory_space<vmem>>, vector<512x256xf32>
    %dot_general3A = arith.constant dense<0.000000e+00> : vector<2000x256xf32>
    %dot_general3A_2287 = tpu.matmul %concatenate3A_2282, %get3A_2286, %dot_general3A {dimension_numbers = #tpu.dot_dimension_numbers<[1], [0], [0], [1], [0, 0, 1, 1], [], []>, transpose_lhs_hint = false} : vector<2000x512xf32>, vector<512x256xf32>, vector<2000x256xf32> -> vector<2000x256xf32>
    %get3A_2288 = arith.constant 0 : index
    %get3A_2289 = arith.constant 0 : index
    %get3A_2290 = vector.load %arg5[%get3A_2288, %get3A_2289] : memref<1x256xf32, #tpu.memory_space<vmem>>, vector<1x256xf32>
    %mul3A_2291 = vector.broadcast %concatenate3A_2283 : vector<2000x1xf32> to vector<2000x256xf32>
    %mul3A_2292 = vector.broadcast %get3A_2290 : vector<1x256xf32> to vector<2000x256xf32>
    %mul3A_2293 = arith.mulf %mul3A_2291, %mul3A_2292 : vector<2000x256xf32>
    %add3A_2294 = arith.addf %dot_general3A_2287, %mul3A_2293 : vector<2000x256xf32>
    %get3A_2295 = arith.constant 0 : index
    %get3A_2296 = arith.constant 0 : index
    %get3A_2297 = vector.load %arg6[%get3A_2295, %get3A_2296] : memref<1x256xf32, #tpu.memory_space<vmem>>, vector<1x256xf32>
    %add3A_2298 = vector.broadcast %get3A_2297 : vector<1x256xf32> to vector<2000x256xf32>
    %add3A_2299 = arith.addf %add3A_2294, %add3A_2298 : vector<2000x256xf32>
    %max3A_2300 = arith.constant 0.000000e+00 : f32
    %max3A_2301 = vector.broadcast %max3A_2300 : f32 to vector<2000x256xf32>
    %max3A_2302 = arith.maximumf %add3A_2299, %max3A_2301 : vector<2000x256xf32>
    %get3A_2303 = arith.constant 0 : index
    %get3A_2304 = arith.constant 0 : index
    %get3A_2305 = vector.load %arg7[%get3A_2303, %get3A_2304] : memref<256x256xf32, #tpu.memory_space<vmem>>, vector<256x256xf32>
    %dot_general3A_2306 = arith.constant dense<0.000000e+00> : vector<2000x256xf32>
    %dot_general3A_2307 = tpu.matmul %max3A_2302, %get3A_2305, %dot_general3A_2306 {dimension_numbers = #tpu.dot_dimension_numbers<[1], [0], [0], [1], [0, 0, 1, 1], [], []>, transpose_lhs_hint = false} : vector<2000x256xf32>, vector<256x256xf32>, vector<2000x256xf32> -> vector<2000x256xf32>
    %get3A_2308 = arith.constant 0 : index
    %get3A_2309 = arith.constant 0 : index
    %get3A_2310 = vector.load %arg8[%get3A_2308, %get3A_2309] : memref<1x256xf32, #tpu.memory_space<vmem>>, vector<1x256xf32>
    %add3A_2311 = vector.broadcast %get3A_2310 : vector<1x256xf32> to vector<2000x256xf32>
    %add3A_2312 = arith.addf %dot_general3A_2307, %add3A_2311 : vector<2000x256xf32>
    %slice3A_2313 = vector.extract_strided_slice %add3A_2312 {offsets = [0, 0], sizes = [200, 256], strides = [1, 1]} : vector<2000x256xf32> to vector<200x256xf32>
    %mul3A_2314 = vector.broadcast %mul3A : vector<200x1xf32> to vector<200x256xf32>
    %mul3A_2315 = arith.mulf %slice3A_2313, %mul3A_2314 : vector<200x256xf32>
    %slice3A_2316 = vector.extract_strided_slice %add3A_2312 {offsets = [200, 0], sizes = [200, 256], strides = [1, 1]} : vector<2000x256xf32> to vector<200x256xf32>
    %mul3A_2317 = vector.broadcast %mul3A_243 : vector<200x1xf32> to vector<200x256xf32>
    %mul3A_2318 = arith.mulf %slice3A_2316, %mul3A_2317 : vector<200x256xf32>
    %max3A_2319 = arith.maximumf %mul3A_2315, %mul3A_2318 : vector<200x256xf32>
    %slice3A_2320 = vector.extract_strided_slice %add3A_2312 {offsets = [400, 0], sizes = [200, 256], strides = [1, 1]} : vector<2000x256xf32> to vector<200x256xf32>
    %mul3A_2321 = vector.broadcast %mul3A_471 : vector<200x1xf32> to vector<200x256xf32>
    %mul3A_2322 = arith.mulf %slice3A_2320, %mul3A_2321 : vector<200x256xf32>
    %max3A_2323 = arith.maximumf %max3A_2319, %mul3A_2322 : vector<200x256xf32>
    %slice3A_2324 = vector.extract_strided_slice %add3A_2312 {offsets = [600, 0], sizes = [200, 256], strides = [1, 1]} : vector<2000x256xf32> to vector<200x256xf32>
    %mul3A_2325 = vector.broadcast %mul3A_699 : vector<200x1xf32> to vector<200x256xf32>
    %mul3A_2326 = arith.mulf %slice3A_2324, %mul3A_2325 : vector<200x256xf32>
    %max3A_2327 = arith.maximumf %max3A_2323, %mul3A_2326 : vector<200x256xf32>
    %slice3A_2328 = vector.extract_strided_slice %add3A_2312 {offsets = [800, 0], sizes = [200, 256], strides = [1, 1]} : vector<2000x256xf32> to vector<200x256xf32>
    %mul3A_2329 = vector.broadcast %mul3A_927 : vector<200x1xf32> to vector<200x256xf32>
    %mul3A_2330 = arith.mulf %slice3A_2328, %mul3A_2329 : vector<200x256xf32>
    %max3A_2331 = arith.maximumf %max3A_2327, %mul3A_2330 : vector<200x256xf32>
    %slice3A_2332 = vector.extract_strided_slice %add3A_2312 {offsets = [1000, 0], sizes = [200, 256], strides = [1, 1]} : vector<2000x256xf32> to vector<200x256xf32>
    %mul3A_2333 = vector.broadcast %mul3A_1155 : vector<200x1xf32> to vector<200x256xf32>
    %mul3A_2334 = arith.mulf %slice3A_2332, %mul3A_2333 : vector<200x256xf32>
    %max3A_2335 = arith.maximumf %max3A_2331, %mul3A_2334 : vector<200x256xf32>
    %slice3A_2336 = vector.extract_strided_slice %add3A_2312 {offsets = [1200, 0], sizes = [200, 256], strides = [1, 1]} : vector<2000x256xf32> to vector<200x256xf32>
    %mul3A_2337 = vector.broadcast %mul3A_1383 : vector<200x1xf32> to vector<200x256xf32>
    %mul3A_2338 = arith.mulf %slice3A_2336, %mul3A_2337 : vector<200x256xf32>
    %max3A_2339 = arith.maximumf %max3A_2335, %mul3A_2338 : vector<200x256xf32>
    %slice3A_2340 = vector.extract_strided_slice %add3A_2312 {offsets = [1400, 0], sizes = [200, 256], strides = [1, 1]} : vector<2000x256xf32> to vector<200x256xf32>
    %mul3A_2341 = vector.broadcast %mul3A_1611 : vector<200x1xf32> to vector<200x256xf32>
    %mul3A_2342 = arith.mulf %slice3A_2340, %mul3A_2341 : vector<200x256xf32>
    %max3A_2343 = arith.maximumf %max3A_2339, %mul3A_2342 : vector<200x256xf32>
    %slice3A_2344 = vector.extract_strided_slice %add3A_2312 {offsets = [1600, 0], sizes = [200, 256], strides = [1, 1]} : vector<2000x256xf32> to vector<200x256xf32>
    %mul3A_2345 = vector.broadcast %mul3A_1839 : vector<200x1xf32> to vector<200x256xf32>
    %mul3A_2346 = arith.mulf %slice3A_2344, %mul3A_2345 : vector<200x256xf32>
    %max3A_2347 = arith.maximumf %max3A_2343, %mul3A_2346 : vector<200x256xf32>
    %slice3A_2348 = vector.extract_strided_slice %add3A_2312 {offsets = [1800, 0], sizes = [200, 256], strides = [1, 1]} : vector<2000x256xf32> to vector<200x256xf32>
    %mul3A_2349 = vector.broadcast %mul3A_2067 : vector<200x1xf32> to vector<200x256xf32>
    %mul3A_2350 = arith.mulf %slice3A_2348, %mul3A_2349 : vector<200x256xf32>
    %max3A_2351 = arith.maximumf %max3A_2347, %mul3A_2350 : vector<200x256xf32>
    %get3A_2352 = arith.constant 0 : index
    %get3A_2353 = arith.constant 0 : index
    %get3A_2354 = vector.load %arg9[%get3A_2352, %get3A_2353] : memref<200x256xf32, #tpu.memory_space<vmem>>, vector<200x256xf32>
    %add3A_2355 = arith.addf %get3A_2354, %max3A_2351 : vector<200x256xf32>
    %get3A_2356 = arith.constant 0 : index
    %get3A_2357 = arith.constant 0 : index
    %get3A_2358 = vector.load %arg10[%get3A_2356, %get3A_2357] : memref<256x256xf32, #tpu.memory_space<vmem>>, vector<256x256xf32>
    %dot_general3A_2359 = arith.constant dense<0.000000e+00> : vector<200x256xf32>
    %dot_general3A_2360 = tpu.matmul %add3A_2355, %get3A_2358, %dot_general3A_2359 {dimension_numbers = #tpu.dot_dimension_numbers<[1], [0], [0], [1], [0, 0, 1, 1], [], []>, transpose_lhs_hint = false} : vector<200x256xf32>, vector<256x256xf32>, vector<200x256xf32> -> vector<200x256xf32>
    %get3A_2361 = arith.constant 0 : index
    %get3A_2362 = arith.constant 0 : index
    %get3A_2363 = vector.load %arg11[%get3A_2361, %get3A_2362] : memref<1x256xf32, #tpu.memory_space<vmem>>, vector<1x256xf32>
    %add3A_2364 = vector.broadcast %get3A_2363 : vector<1x256xf32> to vector<200x256xf32>
    %add3A_2365 = arith.addf %dot_general3A_2360, %add3A_2364 : vector<200x256xf32>
    %max3A_2366 = arith.constant 0.000000e+00 : f32
    %max3A_2367 = vector.broadcast %max3A_2366 : f32 to vector<200x256xf32>
    %max3A_2368 = arith.maximumf %add3A_2365, %max3A_2367 : vector<200x256xf32>
    %mul3A_2369 = vector.broadcast %sub3A_7 : vector<200x1xf32> to vector<200x256xf32>
    %mul3A_2370 = arith.mulf %max3A_2368, %mul3A_2369 : vector<200x256xf32>
    %swap3A = arith.constant 0 : index
    %swap3A_2371 = arith.constant 0 : index
    %swap3A_2372 = vector.load %arg13[%swap3A, %swap3A_2371] : memref<200x256xf32, #tpu.memory_space<vmem>>, vector<200x256xf32>
    tpu.vector_store %arg13[%swap3A, %swap3A_2371], %mul3A_2370 {strides = array<i32>} : memref<200x256xf32, #tpu.memory_space<vmem>>, vector<200x256xf32>,
    return
  }
  func.func @transform_0(%arg0: i32) -> (i32, i32) {
    %add3A = arith.constant 0 : i32
    %add3A_0 = arith.addi %arg0, %add3A : i32
    %c0_i32 = arith.constant 0 : i32
    %c0_i32_1 = arith.constant 0 : i32
    return %add3A_0, %c0_i32 : i32, i32
  }
  func.func @transform_1(%arg0: i32) -> (i32, i32) {
    %c0_i32 = arith.constant 0 : i32
    %c0_i32_0 = arith.constant 0 : i32
    return %arg0, %c0_i32 : i32, i32
  }
  func.func @transform_2(%arg0: i32) -> (i32, i32) {
    %c0_i32 = arith.constant 0 : i32
    %c0_i32_0 = arith.constant 0 : i32
    return %arg0, %c0_i32 : i32, i32
  }
  func.func @transform_3(%arg0: i32) -> (i32, i32) {
    %c0_i32 = arith.constant 0 : i32
    %c0_i32_0 = arith.constant 0 : i32
    %c0_i32_1 = arith.constant 0 : i32
    return %c0_i32, %c0_i32_0 : i32, i32
  }
  func.func @transform_4(%arg0: i32) -> (i32, i32) {
    %c0_i32 = arith.constant 0 : i32
    %c0_i32_0 = arith.constant 0 : i32
    %c0_i32_1 = arith.constant 0 : i32
    return %c0_i32, %c0_i32_0 : i32, i32
  }
  func.func @transform_5(%arg0: i32) -> (i32, i32) {
    %c0_i32 = arith.constant 0 : i32
    %c0_i32_0 = arith.constant 0 : i32
    %c0_i32_1 = arith.constant 0 : i32
    return %c0_i32, %c0_i32_0 : i32, i32
  }
  func.func @transform_6(%arg0: i32) -> (i32, i32) {
    %c0_i32 = arith.constant 0 : i32
    %c0_i32_0 = arith.constant 0 : i32
    %c0_i32_1 = arith.constant 0 : i32
    return %c0_i32, %c0_i32_0 : i32, i32
  }
  func.func @transform_7(%arg0: i32) -> (i32, i32) {
    %c0_i32 = arith.constant 0 : i32
    %c0_i32_0 = arith.constant 0 : i32
    %c0_i32_1 = arith.constant 0 : i32
    return %c0_i32, %c0_i32_0 : i32, i32
  }
  func.func @transform_8(%arg0: i32) -> (i32, i32) {
    %add3A = arith.constant 0 : i32
    %add3A_0 = arith.addi %arg0, %add3A : i32
    %c0_i32 = arith.constant 0 : i32
    %c0_i32_1 = arith.constant 0 : i32
    return %add3A_0, %c0_i32 : i32, i32
  }
  func.func @transform_9(%arg0: i32) -> (i32, i32) {
    %c0_i32 = arith.constant 0 : i32
    %c0_i32_0 = arith.constant 0 : i32
    %c0_i32_1 = arith.constant 0 : i32
    return %c0_i32, %c0_i32_0 : i32, i32
  }
  func.func @transform_10(%arg0: i32) -> (i32, i32) {
    %c0_i32 = arith.constant 0 : i32
    %c0_i32_0 = arith.constant 0 : i32
    %c0_i32_1 = arith.constant 0 : i32
    return %c0_i32, %c0_i32_0 : i32, i32
  }
  func.func @transform_11(%arg0: i32) -> (i32, i32) {
    %c0_i32 = arith.constant 0 : i32
    %c0_i32_0 = arith.constant 0 : i32
    %c0_i32_1 = arith.constant 0 : i32
    return %c0_i32, %c0_i32_0 : i32, i32
  }
  func.func @transform_12(%arg0: i32) -> (i32, i32) {
    %c0_i32 = arith.constant 0 : i32
    %c0_i32_0 = arith.constant 0 : i32
    return %arg0, %c0_i32 : i32, i32
  }
}

</mosaic_0001>

<sc_bundles>
// kernel: kernel.6.cloned.1.call-start
scs
__scs_entry_jumppad:
0x0: {  	(pc) =	sbr.rel $0x88, $3  }
0x1: {  	(tag) =	ssettag $0x0;
	lr =	simm.s32 $0x1  }
0x2: {  	[smem:$0x3F93] =	sst lr;
	_ =	strace $0xD0000000  }
0x3: {  	_ = 	snop  }
0x4: {  	_ = 	snop  }
0x5: {  	_ = 	snop  }
0x6: {  	_ = 	snop  }
0x7: {  	_ = 	snop  }
__scs_overlays_trampoline_lowered:
0x8: {  	[smem:$0x3FA2] =	sst s0  }
0x9: {  	[smem:$0x3FA3] =	sst s1  }
0xa: {  	[smem:$0x3FA4] =	sst s2  }
0xb: {  	[smem:$0x3FA5] =	sst s3  }
0xc: {  	[smem:$0x3FA6] =	sst s4  }
0xd: {  	[smem:$0x3FA7] =	sst s5  }
0xe: {  	[smem:$0x3FA8] =	sst s6  }
0xf: {  	[smem:$0x3FA9] =	sst s7  }
0x10: {  	[smem:$0x3FAA] =	sst s8  }
0x11: {  	[smem:$0x3FAB] =	sst s9;
	s0 =	simm.s32 @!p0 $0x0  }
0x12: {  	s1 =	sld [smem:$0x3F91];
	s0 =	simm.s32 @p0 $0x1  }
0x13: {  	[smem:$0x3FAC] =	sst s0;
	s0 =	simm.s32 @!p1 $0x0  }
0x14: {  	s2 =	sld [smem:$0x3F90];
	s0 =	simm.s32 @p1 $0x1  }
0x15: {  	[smem:$0x3FAD] =	sst s0;
	s0 =	simm.s32 @!p2 $0x0  }
0x16: {  	s3 =	sld [smem:$0x3FDB];
	s0 =	simm.s32 @p2 $0x1  }
0x17: {  	s4 =	simm.s32 $0x1BF5;
	[smem:$0x3FAF] =	sst s0  }
0x18: {  	s0 =	sld [smem:$0x3F92];
	_ =	swait.ge [sflag:s4], $0x0  }
0x19: {  	s7 =	sld [smem:$0x3F93]  }
0x1a: {  	s8 =	sadd.s32 $0xFFFFE003, lr  }
0x1b: {  	s9 =	sadd.s32 $0xFFFFFEF7, lr;
	s5 =	simm.s32 $0xFFFFFFFF;
	p2 =	slt.u32 s8, $0xFFFFF086  }
0x1c: {  	p1 =	slt.u32 s9, $0xF7A;
	s5 =	simm.s32 @!p2 $0x0  }
0x1d: {  	s5 =	simm.s32 @p1 $0x1;
	p0 =	seq.s32 s7, s2  }
0x1e: {  	s7 =	smul.u32 @!p0 $0xF7A, s2;
	p2 =	seq.s32 @!p0 s5, $0x0  }
0x1f: {  	s9 =	smul.u32 $0xF7A, s1;
	s8 =	simm.s32 @!p0 $0x1BF5;
	p2 =	por !p2, p0  }
0x20: {  	[sflag:s8] =	ssyncset.s32 @!p0 $0xFFFFF086;
	s6 =	sadd.s32 @!p0 s3, s7;
	s7 =	simm.s32 @!p0 $0x108  }
0x21: {  	s3 =	sadd.s32 s3, s9;
	s6 =	sadd.s32 @!p0 $0x88, s6;
	s7 =	simm.s32 @p2 $0x1082  }
0x22: {  	[simem:s7], [sflag:s8] =	dma.local @!p0 [hbm:s6], $0xF7A  }
0x23: {  	s9 =	sor.u32 $0xD0000000, s2;
	s6 =	simm.s32 $0x108;
	_ =	swait.ge @!p0 [sflag:s8], $0x0  }
0x24: {  	s3 =	sadd.s32 $0x88, s3;
	s6 =	simm.s32 @!p1 $0x1082;
	[sflag:s4] =	ssyncset.s32 $0xFFFFF086  }
0x25: {  	[simem:s6], [sflag:s4] =	dma.local [hbm:s3], $0xF7A  }
0x26: {  	[smem:$0x3F93] =	sst s1;
	(tag) =	ssettag s2;
	_ =	strace s9  }
0x27: {  	s1 =	sld [smem:$0x3FA3]  }
0x28: {  	s2 =	sld [smem:$0x3FA4]  }
0x29: {  	s4 =	sld [smem:$0x3FA6]  }
0x2a: {  	p0 =	seq.s32 s5, $0x0;
	s5 =	sld [smem:$0x3FA7]  }
0x2b: {  	s6 =	sld [smem:$0x3FA8]  }
0x2c: {  	s7 =	sld [smem:$0x3FA9]  }
0x2d: {  	s3 =	simm.s32 $0x108;
	s8 =	sld [smem:$0x3FAA]  }
0x2e: {  	s3 =	simm.s32 @!p0 $0x1082;
	s9 =	sld [smem:$0x3FAB]  }
0x2f: {  	lr =	sadd.s32 s0, s3;
	s0 =	sld [smem:$0x3FA2]  }
0x30: {  	s3 =	sld [smem:$0x3FA5]  }
0x31: {  	[smem:$0x3FAE] =	sst s10  }
0x32: {  	s10 =	sld [smem:$0x3FAC];
	_ =	sdelay $0x3  }
0x33: {  	p0 =	seq.s32 s10, $0x1;
	s10 =	sld [smem:$0x3FAE];
	_ =	sdelay $0x3  }
0x34: {  	[smem:$0x3FAE] =	sst s10  }
0x35: {  	s10 =	sld [smem:$0x3FAD];
	_ =	sdelay $0x3  }
0x36: {  	p1 =	seq.s32 s10, $0x1;
	s10 =	sld [smem:$0x3FAE];
	_ =	sdelay $0x3  }
0x37: {  	[smem:$0x3FAE] =	sst s10  }
0x38: {  	s10 =	sld [smem:$0x3FAF]  }
0x39: {  	_ = 	snop;
	(pc) =	sbr.ind lr, $3  }
0x3a: {  	_ = 	snop  }
0x3b: {  	_ = 	snop  }
0x3c: {  	p2 =	seq.s32 s10, $0x1;
	s10 =	sld [smem:$0x3FAE]  }
0x3d: {  	_ =	shalt  }
0x3e: {  	_ =	shalt  }
0x3f: {  	_ =	shalt  }
0x40: {  	_ =	shalt  }
0x41: {  	_ =	shalt  }
0x42: {  	_ =	shalt  }
0x43: {  	_ =	shalt  }
0x44: {  	_ =	shalt  }
0x45: {  	_ =	shalt  }
0x46: {  	_ =	shalt  }
0x47: {  	_ =	shalt  }
0x48: {  	_ =	shalt  }
0x49: {  	_ =	shalt  }
0x4a: {  	_ =	shalt  }
0x4b: {  	_ =	shalt  }
0x4c: {  	_ =	shalt  }
0x4d: {  	_ =	shalt  }
0x4e: {  	_ =	shalt  }
0x4f: {  	_ =	shalt  }
0x50: {  	_ =	shalt  }
0x51: {  	_ =	shalt  }
0x52: {  	_ =	shalt  }
0x53: {  	_ =	shalt  }
0x54: {  	_ =	shalt  }
0x55: {  	_ =	shalt  }
0x56: {  	_ =	shalt  }
0x57: {  	_ =	shalt  }
0x58: {  	_ =	shalt  }
0x59: {  	_ =	shalt  }
0x5a: {  	_ =	shalt  }
0x5b: {  	_ =	shalt  }
0x5c: {  	_ =	shalt  }
0x5d: {  	_ =	shalt  }
0x5e: {  	_ =	shalt  }
0x5f: {  	_ =	shalt  }
0x60: {  	_ =	shalt  }
0x61: {  	_ =	shalt  }
0x62: {  	_ =	shalt  }
0x63: {  	_ =	shalt  }
0x64: {  	_ =	shalt  }
0x65: {  	_ =	shalt  }
0x66: {  	_ =	shalt  }
0x67: {  	_ =	shalt  }
0x68: {  	_ =	shalt  }
0x69: {  	_ =	shalt  }
0x6a: {  	_ =	shalt  }
0x6b: {  	_ =	shalt  }
0x6c: {  	_ =	shalt  }
0x6d: {  	_ =	shalt  }
0x6e: {  	_ =	shalt  }
0x6f: {  	_ =	shalt  }
0x70: {  	_ =	shalt  }
0x71: {  	_ =	shalt  }
0x72: {  	_ =	shalt  }
0x73: {  	_ =	shalt  }
0x74: {  	_ =	shalt  }
0x75: {  	_ =	shalt  }
0x76: {  	_ =	shalt  }
0x77: {  	_ =	shalt  }
0x78: {  	_ =	shalt  }
0x79: {  	_ =	shalt  }
0x7a: {  	_ =	shalt  }
0x7b: {  	_ =	shalt  }
0x7c: {  	_ =	shalt  }
0x7d: {  	_ =	shalt  }
0x7e: {  	_ =	shalt  }
0x7f: {  	_ =	shalt  }
0x80: {  	_ =	shalt  }
0x81: {  	_ =	shalt  }
0x82: {  	_ =	shalt  }
0x83: {  	_ =	shalt  }
0x84: {  	_ =	shalt  }
0x85: {  	_ =	shalt  }
0x86: {  	_ =	shalt  }
0x87: {  	_ =	shalt  }
.Lfunc_end0:
.L_simem_size_0:
called_computation_lowered:
.L_overlay_start_0:
0x88: {  	s2 =	sld [smem:$0x3FD9]  }
0x89: {  	s3 =	sld [smem:$0x3FFE];
	_ =	sdelay $0x1  }
0x8a: {  	s1 =	srdreg.scid  }
0x8b: {  	s0 =	sand.u32 $0x1, s1  }
0x8c: {  	s17 =	sshll.u32 s0, $0xA;
	s2 =	sadd.s32 s3, s2  }
0x8d: {  	s2 =	sadd.s32 s2, s17  }
0x8e: {  	[smem:$0x3FBA] =	sst s2  }
0x8f: {  	_ = 	snop  }
0x90: {  	s2 =	sld [smem:$0x3FD0];
	(tm) =	ssettm $0x1  }
0x91: {  	s18 =	sld [smem:$0x3FFB];
	_ =	sdelay $0x3  }
0x92: {  	_ =	strace s18  }
0x93: {  	s3 =	sld [smem:$0x3FFC];
	_ =	sdelay $0x3  }
0x94: {  	_ =	strace s3  }
0x95: {  	s3 =	sld [smem:$0x3FFD];
	_ =	sdelay $0x3  }
0x96: {  	_ =	strace s3  }
0x97: {  	_ =	strace $0x8FFFFFFF  }
0x98: {  	s19 =	sld [smem:$0x3FDB];
	_ =	sdelay $0x1  }
0x99: {  	s4 =	simm.s32 $_scs_section_size  }
0x9a: {  	s5 =	simm.s32 $_size__tile_overlayer_lowered;
	s6 =	simm.s32 $_tile_overlayer_lowered  }
0x9b: {  	s22 =	simm.s32 $0x1BFF;
	s21 =	sshll.u32 s6, $0x1;
	s3 =	sadd.s32 s4, s19  }
0x9c: {  	s7 =	simm.s32 $0x0;
	s20 =	sshll.u32 s5, $0x1;
	s5 =	sadd.s32 s21, s3  }
0x9d: {  	[timem:s7], [sflag:s22] =	dma.local [hbm:s5], s20  }
0x9e: {  	_ =	swait.ge [sflag:s22], s20  }
0x9f: {  	s4 =	ssub.s32 $0x0, s20;
	[sflag:s22] =	ssyncset.done $0x0  }
0xa0: {  	[sflag:s22] =	ssyncadd.s32 s4;
	_ =	sdelay $0x1  }
0xa1: {  	s23 =	simm.s32 $0x1B8B  }
0xa2: {  	_ =	swait.ge [sflag:s23], $0x1  }
0xa3: {  	[sflag:s23] =	ssyncset.done $0x0  }
0xa4: {  	s25 =	simm.s32 $0x1B8E;
	s24 =	sld [smem:$0x3FFE];
	[sflag:s23] =	ssyncadd.s32 $0xFFFFFFFF  }
0xa5: {  	s26 =	simm.s32 $execute0_lowered;
	[smem:$0x3FD2] =	sst s25  }
0xa6: {  	s5 =	sshll.u32 s26, $0x1;
	_ =	strace $0x80000046;
	[dreg:$0x1] =	wrdreg $0xFFFFFFFF  }
0xa7: {  	s28 =	simm.s32 $_size_execute0_lowered;
	s3 =	sadd.s32 s3, s5;
	[dreg:$0x0] =	wrdreg $0x0  }
0xa8: {  	s5 =	sshll.u32 s28, $0x1;
	[dreg:$0x2] =	wrdreg s3  }
0xa9: {  	[dreg:$0x3] =	wrdreg s5  }
0xaa: {  	[dreg:$0x4] =	wrdreg $0xC0  }
0xab: {  	_ =	task [dreg:s7], $0x5FFFF  }
0xac: {  	[dreg:$0x1] =	wrdreg $0xFFFFFFFF  }
0xad: {  	[dreg:$0x0] =	wrdreg $0x60  }
0xae: {  	[dreg:$0x2] =	wrdreg s2  }
0xaf: {  	[dreg:$0x3] =	wrdreg s24  }
0xb0: {  	[dreg:$0x4] =	wrdreg $0x9  }
0xb1: {  	_ =	task.clear_ibuf [dreg:s7], $0x5FFFF;
	_ =	strace $0x90000046  }
0xb2: {  	s29 =	simm.s32 $0x9;
	_ =	strace $0x80000048  }
0xb3: {  	_ =	swait.ge [sflag:s29], $0x1  }
0xb4: {  	[sflag:s29] =	ssyncadd.s32 $0xFFFFFFFF  }
0xb5: {  	_ =	strace $0x90000048  }
0xb6: {  	_ =	sfence  }
0xb7: {  	s30 =	sld [smem:$0x0];
	_ =	sdelay $0x2  }
0xb8: {  	s31 =	sshll.u32 s1, $0xD;
	s1 =	sshrl.u32 s1, $0x2  }
0xb9: {  	s3 =	sand.u32 $0x4000, s31;
	s1 =	sadd.s32 s1, s30  }
0xba: {  	s0 =	sor.u32 s3, s0;
	s1 =	sshll.u32 s1, $0x11  }
0xbb: {  	s0 =	sor.u32 s1, s0  }
0xbc: {  	s0 =	sadd.s32 $0x8F2B, s0  }
0xbd: {  	[sflag:s0] =	ssyncadd.remote.s32 $0x1  }
0xbe: {  	_ =	sfence.sel $0xFFFF  }
0xbf: {  	[dreg:$0x0] =	wrdreg $0xFFFFFFFF;
	(pc) =	sbr.abs _section_cstart, $3  }
0xc0: {  	[dreg:$0x1] =	wrdreg $0xFFFFFFFF  }
0xc1: {  	_ =	task.clear_ibuf [dreg:s7], $0x2FFFF;
	_ =	strace $0x9FFFFFFF  }
0xc2: {  	(tm) =	ssettm $0x7FFFFFFF  }
0xc3: {  	_ =	shalt  }
tec
execute0_lowered:
.L_overlay_start_1:
0x0: {  	(tag) =	ssettag $0x1  }
0x1: {  	s1 =	srdreg.scid;
	s0 =	stileid.u32  }
0x2: {  	s2 =	rddreg [dreg:$0x0];
	s1 =	sand.u32 $0x1, s1;
	s5 =	sshll.u32 s0, $0x1  }
0x3: {  	s4 =	rddreg [dreg:$0x1];
	s5 =	sor.u32 s1, s5  }
0x4: {  	s3 =	simm.s32 $0x0;
	s6 =	sshll.u32 s5, $0x8;
	s7 =	smul.u32 $0x31000, s5  }
0x5: {  	[smem:$0x7FF] =	sst s3;
	s5 =	smul.u32 $0x6200, s5;
	s6 =	sadd.s32 s6, s4  }
0x6: {  	_ =	strace $0x80000047;
	s4 =	sadd.s32 $0x4600, s4;
	s6 =	sadd.s32 $0x2600, s6  }
0x7: {  	s7 =	sshrl.u32 s7, $0x3;
	s5 =	sadd.s32 s4, s5;
	[dreg:$0x3] =	wrdreg s6  }
0x8: {  	s31 =	sadd.s32 s4, s7;
	[dreg:$0x4] =	wrdreg s5  }
0x9: {  	s4 =	sadd.s32 $0x700, s31;
	s25 =	rddreg [dreg:$0x3]  }
0xa: {  	s24 =	sadd.s32 $0xE00, s31;
	[dreg:$0x5] =	wrdreg s4  }
0xb: {  	s26 =	sadd.s32 $0x1500, s31;
	[dreg:$0x6] =	wrdreg s24  }
0xc: {  	[dreg:$0x7] =	wrdreg s26;
	s4 =	simm.s32 $0x2  }
0xd: {  	[tilespmem:s3], [sflag:$0x2] =	stream.linear.gather [hbm4b:s25+s3], $0x700, $0x38;
	[tilespmem:$0x4000] =	vst v63  }
0xe: {  	_ =	swait.ge [sflag:s4], $0x700  }
0xf: {  	s5 =	simm.s32 $0x70;
	[sflag:s4] =	ssyncset.done $0x0  }
0x10: {  	s6 =	simm.s32 $0x800;
	s7 =	simm.s32 $0x1;
	[sflag:s4] =	ssyncadd.s32 $0xFFFFF900  }
0x11: {  	[tilespmem:s6], [sflag:$0x1] =	stream.indirect.gather [hbm4b:s2+s5], $0x80, s3, s5, $0xb8;
	[tilespmem:$0x4000] =	vst v63  }
0x12: {  	_ =	swait.ge [sflag:s7], $0x3800  }
0x13: {  	[sflag:s7] =	ssyncset.done $0x0  }
0x14: {  	s8 =	rddreg [dreg:$0x4];
	[sflag:s7] =	ssyncadd.s32 $0xFFFFC800  }
0x15: {  	[hbm4b:s8+s3] =	stream.linear.scatter [tilespmem:s6], [sflag:$0x2], $0x3800, $0x38;
	[tilespmem:$0x4000] =	vst v63  }
0x16: {  	_ =	swait.ge [sflag:s4], $0x3800  }
0x17: {  	[sflag:s4] =	ssyncset.done $0x0  }
0x18: {  	s8 =	simm.s32 $0x80;
	[sflag:s4] =	ssyncadd.s32 $0xFFFFC800  }
0x19: {  	[tilespmem:s6], [sflag:$0x1] =	stream.indirect.gather [hbm4b:s2+s5], $0x80, s8, s5, $0xb8;
	[tilespmem:$0x4000] =	vst v63  }
0x1a: {  	_ =	swait.ge [sflag:s7], $0x3800  }
0x1b: {  	[sflag:s7] =	ssyncset.done $0x0  }
0x1c: {  	s9 =	rddreg [dreg:$0x5];
	[sflag:s7] =	ssyncadd.s32 $0xFFFFC800  }
0x1d: {  	[hbm4b:s9+s3] =	stream.linear.scatter [tilespmem:s6], [sflag:$0x2], $0x3800, $0x38;
	[tilespmem:$0x4000] =	vst v63  }
0x1e: {  	_ =	swait.ge [sflag:s4], $0x3800  }
0x1f: {  	[sflag:s4] =	ssyncset.done $0x0  }
0x20: {  	s9 =	simm.s32 $0x100;
	[sflag:s4] =	ssyncadd.s32 $0xFFFFC800  }
0x21: {  	[tilespmem:s6], [sflag:$0x1] =	stream.indirect.gather [hbm4b:s2+s5], $0x80, s9, s5, $0xb8;
	[tilespmem:$0x4000] =	vst v63  }
0x22: {  	_ =	swait.ge [sflag:s7], $0x3800  }
0x23: {  	[sflag:s7] =	ssyncset.done $0x0  }
0x24: {  	s10 =	rddreg [dreg:$0x6];
	[sflag:s7] =	ssyncadd.s32 $0xFFFFC800  }
0x25: {  	[hbm4b:s10+s3] =	stream.linear.scatter [tilespmem:s6], [sflag:$0x2], $0x3800, $0x38;
	[tilespmem:$0x4000] =	vst v63  }
0x26: {  	_ =	swait.ge [sflag:s4], $0x3800  }
0x27: {  	[sflag:s4] =	ssyncset.done $0x0  }
0x28: {  	s10 =	simm.s32 $0x180;
	[sflag:s4] =	ssyncadd.s32 $0xFFFFC800  }
0x29: {  	[tilespmem:s6], [sflag:$0x1] =	stream.indirect.gather [hbm4b:s2+s5], $0x80, s10, s5, $0xb8;
	[tilespmem:$0x4000] =	vst v63  }
0x2a: {  	_ =	swait.ge [sflag:s7], $0x3800  }
0x2b: {  	[sflag:s7] =	ssyncset.done $0x0  }
0x2c: {  	s11 =	rddreg [dreg:$0x7];
	[sflag:s7] =	ssyncadd.s32 $0xFFFFC800  }
0x2d: {  	[hbm4b:s11+s3] =	stream.linear.scatter [tilespmem:s6], [sflag:$0x2], $0x3800, $0x38;
	[tilespmem:$0x4000] =	vst v63  }
0x2e: {  	_ =	swait.ge [sflag:s4], $0x3800  }
0x2f: {  	[sflag:s4] =	ssyncset.done $0x0  }
0x30: {  	s11 =	simm.s32 $0x200;
	[sflag:s4] =	ssyncadd.s32 $0xFFFFC800  }
0x31: {  	[tilespmem:s6], [sflag:$0x1] =	stream.indirect.gather [hbm4b:s2+s5], $0x80, s11, s5, $0xb8;
	[tilespmem:$0x4000] =	vst v63  }
0x32: {  	_ =	swait.ge [sflag:s7], $0x3800  }
0x33: {  	[sflag:s7] =	ssyncset.done $0x0  }
0x34: {  	s12 =	sadd.s32 $0x1C00, s31;
	[sflag:s7] =	ssyncadd.s32 $0xFFFFC800  }
0x35: {  	[hbm4b:s12+s3] =	stream.linear.scatter [tilespmem:s6], [sflag:$0x2], $0x3800, $0x38;
	[tilespmem:$0x4000] =	vst v63  }
0x36: {  	_ =	swait.ge [sflag:s4], $0x3800  }
0x37: {  	[sflag:s4] =	ssyncset.done $0x0  }
0x38: {  	s13 =	simm.s32 $0x280;
	[sflag:s4] =	ssyncadd.s32 $0xFFFFC800  }
0x39: {  	[tilespmem:s6], [sflag:$0x1] =	stream.indirect.gather [hbm4b:s2+s5], $0x80, s13, s5, $0xb8;
	[tilespmem:$0x4000] =	vst v63  }
0x3a: {  	_ =	swait.ge [sflag:s7], $0x3800  }
0x3b: {  	[sflag:s7] =	ssyncset.done $0x0  }
0x3c: {  	s14 =	sadd.s32 $0x2300, s31;
	[sflag:s7] =	ssyncadd.s32 $0xFFFFC800  }
0x3d: {  	[hbm4b:s14+s3] =	stream.linear.scatter [tilespmem:s6], [sflag:$0x2], $0x3800, $0x38;
	[tilespmem:$0x4000] =	vst v63  }
0x3e: {  	_ =	swait.ge [sflag:s4], $0x3800  }
0x3f: {  	[sflag:s4] =	ssyncset.done $0x0  }
0x40: {  	s15 =	simm.s32 $0x300;
	[sflag:s4] =	ssyncadd.s32 $0xFFFFC800  }
0x41: {  	[tilespmem:s6], [sflag:$0x1] =	stream.indirect.gather [hbm4b:s2+s5], $0x80, s15, s5, $0xb8;
	[tilespmem:$0x4000] =	vst v63  }
0x42: {  	_ =	swait.ge [sflag:s7], $0x3800  }
0x43: {  	[sflag:s7] =	ssyncset.done $0x0  }
0x44: {  	s16 =	sadd.s32 $0x2A00, s31;
	[sflag:s7] =	ssyncadd.s32 $0xFFFFC800  }
0x45: {  	[hbm4b:s16+s3] =	stream.linear.scatter [tilespmem:s6], [sflag:$0x2], $0x3800, $0x38;
	[tilespmem:$0x4000] =	vst v63  }
0x46: {  	_ =	swait.ge [sflag:s4], $0x3800  }
0x47: {  	[sflag:s4] =	ssyncset.done $0x0  }
0x48: {  	s17 =	simm.s32 $0x380;
	[sflag:s4] =	ssyncadd.s32 $0xFFFFC800  }
0x49: {  	[tilespmem:s6], [sflag:$0x1] =	stream.indirect.gather [hbm4b:s2+s5], $0x80, s17, s5, $0xb8;
	[tilespmem:$0x4000] =	vst v63  }
0x4a: {  	_ =	swait.ge [sflag:s7], $0x3800  }
0x4b: {  	[sflag:s7] =	ssyncset.done $0x0  }
0x4c: {  	s18 =	sadd.s32 $0x3100, s31;
	[sflag:s7] =	ssyncadd.s32 $0xFFFFC800  }
0x4d: {  	[hbm4b:s18+s3] =	stream.linear.scatter [tilespmem:s6], [sflag:$0x2], $0x3800, $0x38;
	[tilespmem:$0x4000] =	vst v63  }
0x4e: {  	_ =	swait.ge [sflag:s4], $0x3800  }
0x4f: {  	[sflag:s4] =	ssyncset.done $0x0  }
0x50: {  	s19 =	simm.s32 $0x400;
	[sflag:s4] =	ssyncadd.s32 $0xFFFFC800  }
0x51: {  	[tilespmem:s6], [sflag:$0x1] =	stream.indirect.gather [hbm4b:s2+s5], $0x80, s19, s5, $0xb8;
	[tilespmem:$0x4000] =	vst v63  }
0x52: {  	_ =	swait.ge [sflag:s7], $0x3800  }
0x53: {  	[sflag:s7] =	ssyncset.done $0x0  }
0x54: {  	s20 =	sadd.s32 $0x3800, s31;
	[sflag:s7] =	ssyncadd.s32 $0xFFFFC800  }
0x55: {  	[hbm4b:s20+s3] =	stream.linear.scatter [tilespmem:s6], [sflag:$0x2], $0x3800, $0x38;
	[tilespmem:$0x4000] =	vst v63  }
0x56: {  	_ =	swait.ge [sflag:s4], $0x3800  }
0x57: {  	[sflag:s4] =	ssyncset.done $0x0  }
0x58: {  	s21 =	simm.s32 $0x480;
	[sflag:s4] =	ssyncadd.s32 $0xFFFFC800  }
0x59: {  	[tilespmem:s6], [sflag:$0x1] =	stream.indirect.gather [hbm4b:s2+s5], $0x80, s21, s5, $0xb8;
	[tilespmem:$0x4000] =	vst v63  }
0x5a: {  	_ =	swait.ge [sflag:s7], $0x3800  }
0x5b: {  	[sflag:s7] =	ssyncset.done $0x0  }
0x5c: {  	s22 =	sadd.s32 $0x3F00, s31;
	[sflag:s7] =	ssyncadd.s32 $0xFFFFC800  }
0x5d: {  	[hbm4b:s22+s3] =	stream.linear.scatter [tilespmem:s6], [sflag:$0x2], $0x3800, $0x38;
	[tilespmem:$0x4000] =	vst v63  }
0x5e: {  	_ =	swait.ge [sflag:s4], $0x3800  }
0x5f: {  	[sflag:s4] =	ssyncset.done $0x0  }
0x60: {  	s23 =	simm.s32 $0x500;
	[sflag:s4] =	ssyncadd.s32 $0xFFFFC800  }
0x61: {  	[tilespmem:s6], [sflag:$0x1] =	stream.indirect.gather [hbm4b:s2+s5], $0x80, s23, s5, $0xb8;
	[tilespmem:$0x4000] =	vst v63  }
0x62: {  	_ =	swait.ge [sflag:s7], $0x3800  }
0x63: {  	[sflag:s7] =	ssyncset.done $0x0  }
0x64: {  	s24 =	sadd.s32 $0x4600, s31;
	[sflag:s7] =	ssyncadd.s32 $0xFFFFC800  }
0x65: {  	[hbm4b:s24+s3] =	stream.linear.scatter [tilespmem:s6], [sflag:$0x2], $0x3800, $0x38;
	[tilespmem:$0x4000] =	vst v63  }
0x66: {  	_ =	swait.ge [sflag:s4], $0x3800  }
0x67: {  	[sflag:s4] =	ssyncset.done $0x0  }
0x68: {  	s25 =	simm.s32 $0x580;
	[sflag:s4] =	ssyncadd.s32 $0xFFFFC800  }
0x69: {  	[tilespmem:s6], [sflag:$0x1] =	stream.indirect.gather [hbm4b:s2+s5], $0x80, s25, s5, $0xb8;
	[tilespmem:$0x4000] =	vst v63  }
0x6a: {  	_ =	swait.ge [sflag:s7], $0x3800  }
0x6b: {  	[sflag:s7] =	ssyncset.done $0x0  }
0x6c: {  	s26 =	sadd.s32 $0x4D00, s31;
	[sflag:s7] =	ssyncadd.s32 $0xFFFFC800  }
0x6d: {  	[hbm4b:s26+s3] =	stream.linear.scatter [tilespmem:s6], [sflag:$0x2], $0x3800, $0x38;
	[tilespmem:$0x4000] =	vst v63  }
0x6e: {  	_ =	swait.ge [sflag:s4], $0x3800  }
0x6f: {  	[sflag:s4] =	ssyncset.done $0x0  }
0x70: {  	s28 =	simm.s32 $0x600;
	[sflag:s4] =	ssyncadd.s32 $0xFFFFC800  }
0x71: {  	[tilespmem:s6], [sflag:$0x1] =	stream.indirect.gather [hbm4b:s2+s5], $0x80, s28, s5, $0xb8;
	[tilespmem:$0x4000] =	vst v63  }
0x72: {  	_ =	swait.ge [sflag:s7], $0x3800  }
0x73: {  	s1 =	ssub.s32 $0x2, s1;
	[sflag:s7] =	ssyncset.done $0x0  }
0x74: {  	s0 =	sshrl.u32 s1, $0x1;
	s29 =	sadd.s32 $0x5400, s31;
	[sflag:s7] =	ssyncadd.s32 $0xFFFFC800  }
0x75: {  	[hbm4b:s29+s3] =	stream.linear.scatter [tilespmem:s6], [sflag:$0x2], $0x3800, $0x38;
	[tilespmem:$0x4000] =	vst v63  }
0x76: {  	s0 =	ssub.s32 s1, s0;
	_ =	swait.ge [sflag:s4], $0x3800  }
0x77: {  	s0 =	smax.u32 s0, $0x1;
	[sflag:s4] =	ssyncset.done $0x0  }
0x78: {  	s30 =	simm.s32 $0x680;
	p0 =	sne.s32 s0, $0x1;
	[sflag:s4] =	ssyncadd.s32 $0xFFFFC800  }
0x79: {  	[tilespmem:s6], [sflag:$0x1] =	stream.indirect.gather [hbm4b:s2+s5], $0x80, s30, s5, $0xb8;
	[tilespmem:$0x4000] =	vst v63  }
.Ltmp0:
0x7a: {  	_ =	swait.ge [sflag:s7], $0x3800;
	(pc) =	sbr.rel @!p0 .LBB2_2-.Ltmp0, $4  }
0x7b: {  	[sflag:s7] =	ssyncset.done $0x0  }
0x7c: {  	s31 =	sadd.s32 $0x5B00, s31;
	[sflag:s7] =	ssyncadd.s32 $0xFFFFC800  }
0x7d: {  	[hbm4b:s31+s3] =	stream.linear.scatter [tilespmem:s6], [sflag:$0x2], $0x3800, $0x38;
	[tilespmem:$0x4000] =	vst v63  }
0x7e: {  	s1 =	sadd.s32 $0xFFFFFFFF, s0;
	_ =	swait.ge [sflag:s4], $0x3800  }
.LBB2_1:
0x7f: {  	[sflag:s4] =	ssyncset.done $0x0  }
0x80: {  	s0 =	rddreg [dreg:$0x3];
	[sflag:s4] =	ssyncadd.s32 $0xFFFFC800  }
0x81: {  	[tilespmem:s3], [sflag:$0x2] =	stream.linear.gather [hbm4b:s0+s3], $0x700, $0x38;
	[tilespmem:$0x4000] =	vst v63  }
0x82: {  	_ =	swait.ge [sflag:s4], $0x700  }
0x83: {  	[sflag:s4] =	ssyncset.done $0x0  }
0x84: {  	[sflag:s4] =	ssyncadd.s32 $0xFFFFF900  }
0x85: {  	[tilespmem:s6], [sflag:$0x1] =	stream.indirect.gather [hbm4b:s2+s5], $0x80, s3, s5, $0xb8;
	[tilespmem:$0x4000] =	vst v63  }
0x86: {  	_ =	swait.ge [sflag:s7], $0x3800  }
0x87: {  	[sflag:s7] =	ssyncset.done $0x0  }
0x88: {  	s0 =	rddreg [dreg:$0x4];
	[sflag:s7] =	ssyncadd.s32 $0xFFFFC800  }
0x89: {  	[hbm4b:s0+s3] =	stream.linear.scatter [tilespmem:s6], [sflag:$0x2], $0x3800, $0x38;
	[tilespmem:$0x4000] =	vst v63  }
0x8a: {  	_ =	swait.ge [sflag:s4], $0x3800  }
0x8b: {  	[sflag:s4] =	ssyncset.done $0x0  }
0x8c: {  	[sflag:s4] =	ssyncadd.s32 $0xFFFFC800  }
0x8d: {  	[tilespmem:s6], [sflag:$0x1] =	stream.indirect.gather [hbm4b:s2+s5], $0x80, s8, s5, $0xb8;
	[tilespmem:$0x4000] =	vst v63  }
0x8e: {  	_ =	swait.ge [sflag:s7], $0x3800  }
0x8f: {  	[sflag:s7] =	ssyncset.done $0x0  }
0x90: {  	s0 =	rddreg [dreg:$0x5];
	[sflag:s7] =	ssyncadd.s32 $0xFFFFC800  }
0x91: {  	[hbm4b:s0+s3] =	stream.linear.scatter [tilespmem:s6], [sflag:$0x2], $0x3800, $0x38;
	[tilespmem:$0x4000] =	vst v63  }
0x92: {  	_ =	swait.ge [sflag:s4], $0x3800  }
0x93: {  	[sflag:s4] =	ssyncset.done $0x0  }
0x94: {  	[sflag:s4] =	ssyncadd.s32 $0xFFFFC800  }
0x95: {  	[tilespmem:s6], [sflag:$0x1] =	stream.indirect.gather [hbm4b:s2+s5], $0x80, s9, s5, $0xb8;
	[tilespmem:$0x4000] =	vst v63  }
0x96: {  	_ =	swait.ge [sflag:s7], $0x3800  }
0x97: {  	[sflag:s7] =	ssyncset.done $0x0  }
0x98: {  	s0 =	rddreg [dreg:$0x6];
	[sflag:s7] =	ssyncadd.s32 $0xFFFFC800  }
0x99: {  	[hbm4b:s0+s3] =	stream.linear.scatter [tilespmem:s6], [sflag:$0x2], $0x3800, $0x38;
	[tilespmem:$0x4000] =	vst v63  }
0x9a: {  	_ =	swait.ge [sflag:s4], $0x3800  }
0x9b: {  	[sflag:s4] =	ssyncset.done $0x0  }
0x9c: {  	[sflag:s4] =	ssyncadd.s32 $0xFFFFC800  }
0x9d: {  	[tilespmem:s6], [sflag:$0x1] =	stream.indirect.gather [hbm4b:s2+s5], $0x80, s10, s5, $0xb8;
	[tilespmem:$0x4000] =	vst v63  }
0x9e: {  	_ =	swait.ge [sflag:s7], $0x3800  }
0x9f: {  	[sflag:s7] =	ssyncset.done $0x0  }
0xa0: {  	s0 =	rddreg [dreg:$0x7];
	[sflag:s7] =	ssyncadd.s32 $0xFFFFC800  }
0xa1: {  	[hbm4b:s0+s3] =	stream.linear.scatter [tilespmem:s6], [sflag:$0x2], $0x3800, $0x38;
	[tilespmem:$0x4000] =	vst v63  }
0xa2: {  	_ =	swait.ge [sflag:s4], $0x3800  }
0xa3: {  	[sflag:s4] =	ssyncset.done $0x0  }
0xa4: {  	[sflag:s4] =	ssyncadd.s32 $0xFFFFC800  }
0xa5: {  	[tilespmem:s6], [sflag:$0x1] =	stream.indirect.gather [hbm4b:s2+s5], $0x80, s11, s5, $0xb8;
	[tilespmem:$0x4000] =	vst v63  }
0xa6: {  	_ =	swait.ge [sflag:s7], $0x3800  }
0xa7: {  	[sflag:s7] =	ssyncset.done $0x0  }
0xa8: {  	[sflag:s7] =	ssyncadd.s32 $0xFFFFC800  }
0xa9: {  	[hbm4b:s12+s3] =	stream.linear.scatter [tilespmem:s6], [sflag:$0x2], $0x3800, $0x38;
	[tilespmem:$0x4000] =	vst v63  }
0xaa: {  	_ =	swait.ge [sflag:s4], $0x3800  }
0xab: {  	[sflag:s4] =	ssyncset.done $0x0  }
0xac: {  	[sflag:s4] =	ssyncadd.s32 $0xFFFFC800  }
0xad: {  	[tilespmem:s6], [sflag:$0x1] =	stream.indirect.gather [hbm4b:s2+s5], $0x80, s13, s5, $0xb8;
	[tilespmem:$0x4000] =	vst v63  }
0xae: {  	_ =	swait.ge [sflag:s7], $0x3800  }
0xaf: {  	[sflag:s7] =	ssyncset.done $0x0  }
0xb0: {  	[sflag:s7] =	ssyncadd.s32 $0xFFFFC800  }
0xb1: {  	[hbm4b:s14+s3] =	stream.linear.scatter [tilespmem:s6], [sflag:$0x2], $0x3800, $0x38;
	[tilespmem:$0x4000] =	vst v63  }
0xb2: {  	_ =	swait.ge [sflag:s4], $0x3800  }
0xb3: {  	[sflag:s4] =	ssyncset.done $0x0  }
0xb4: {  	[sflag:s4] =	ssyncadd.s32 $0xFFFFC800  }
0xb5: {  	[tilespmem:s6], [sflag:$0x1] =	stream.indirect.gather [hbm4b:s2+s5], $0x80, s15, s5, $0xb8;
	[tilespmem:$0x4000] =	vst v63  }
0xb6: {  	_ =	swait.ge [sflag:s7], $0x3800  }
0xb7: {  	[sflag:s7] =	ssyncset.done $0x0  }
0xb8: {  	[sflag:s7] =	ssyncadd.s32 $0xFFFFC800  }
0xb9: {  	[hbm4b:s16+s3] =	stream.linear.scatter [tilespmem:s6], [sflag:$0x2], $0x3800, $0x38;
	[tilespmem:$0x4000] =	vst v63  }
0xba: {  	_ =	swait.ge [sflag:s4], $0x3800  }
0xbb: {  	[sflag:s4] =	ssyncset.done $0x0  }
0xbc: {  	[sflag:s4] =	ssyncadd.s32 $0xFFFFC800  }
0xbd: {  	[tilespmem:s6], [sflag:$0x1] =	stream.indirect.gather [hbm4b:s2+s5], $0x80, s17, s5, $0xb8;
	[tilespmem:$0x4000] =	vst v63  }
0xbe: {  	_ =	swait.ge [sflag:s7], $0x3800  }
0xbf: {  	[sflag:s7] =	ssyncset.done $0x0  }
0xc0: {  	[sflag:s7] =	ssyncadd.s32 $0xFFFFC800  }
0xc1: {  	[hbm4b:s18+s3] =	stream.linear.scatter [tilespmem:s6], [sflag:$0x2], $0x3800, $0x38;
	[tilespmem:$0x4000] =	vst v63  }
0xc2: {  	_ =	swait.ge [sflag:s4], $0x3800  }
0xc3: {  	[sflag:s4] =	ssyncset.done $0x0  }
0xc4: {  	[sflag:s4] =	ssyncadd.s32 $0xFFFFC800  }
0xc5: {  	[tilespmem:s6], [sflag:$0x1] =	stream.indirect.gather [hbm4b:s2+s5], $0x80, s19, s5, $0xb8;
	[tilespmem:$0x4000] =	vst v63  }
0xc6: {  	_ =	swait.ge [sflag:s7], $0x3800  }
0xc7: {  	[sflag:s7] =	ssyncset.done $0x0  }
0xc8: {  	[sflag:s7] =	ssyncadd.s32 $0xFFFFC800  }
0xc9: {  	[hbm4b:s20+s3] =	stream.linear.scatter [tilespmem:s6], [sflag:$0x2], $0x3800, $0x38;
	[tilespmem:$0x4000] =	vst v63  }
0xca: {  	_ =	swait.ge [sflag:s4], $0x3800  }
0xcb: {  	[sflag:s4] =	ssyncset.done $0x0  }
0xcc: {  	[sflag:s4] =	ssyncadd.s32 $0xFFFFC800  }
0xcd: {  	[tilespmem:s6], [sflag:$0x1] =	stream.indirect.gather [hbm4b:s2+s5], $0x80, s21, s5, $0xb8;
	[tilespmem:$0x4000] =	vst v63  }
0xce: {  	_ =	swait.ge [sflag:s7], $0x3800  }
0xcf: {  	[sflag:s7] =	ssyncset.done $0x0  }
0xd0: {  	[sflag:s7] =	ssyncadd.s32 $0xFFFFC800  }
0xd1: {  	[hbm4b:s22+s3] =	stream.linear.scatter [tilespmem:s6], [sflag:$0x2], $0x3800, $0x38;
	[tilespmem:$0x4000] =	vst v63  }
0xd2: {  	_ =	swait.ge [sflag:s4], $0x3800  }
0xd3: {  	[sflag:s4] =	ssyncset.done $0x0  }
0xd4: {  	[sflag:s4] =	ssyncadd.s32 $0xFFFFC800  }
0xd5: {  	[tilespmem:s6], [sflag:$0x1] =	stream.indirect.gather [hbm4b:s2+s5], $0x80, s23, s5, $0xb8;
	[tilespmem:$0x4000] =	vst v63  }
0xd6: {  	_ =	swait.ge [sflag:s7], $0x3800  }
0xd7: {  	[sflag:s7] =	ssyncset.done $0x0  }
0xd8: {  	[sflag:s7] =	ssyncadd.s32 $0xFFFFC800  }
0xd9: {  	[hbm4b:s24+s3] =	stream.linear.scatter [tilespmem:s6], [sflag:$0x2], $0x3800, $0x38;
	[tilespmem:$0x4000] =	vst v63  }
0xda: {  	_ =	swait.ge [sflag:s4], $0x3800  }
0xdb: {  	[sflag:s4] =	ssyncset.done $0x0  }
0xdc: {  	[sflag:s4] =	ssyncadd.s32 $0xFFFFC800  }
0xdd: {  	[tilespmem:s6], [sflag:$0x1] =	stream.indirect.gather [hbm4b:s2+s5], $0x80, s25, s5, $0xb8;
	[tilespmem:$0x4000] =	vst v63  }
0xde: {  	_ =	swait.ge [sflag:s7], $0x3800  }
0xdf: {  	[sflag:s7] =	ssyncset.done $0x0  }
0xe0: {  	[sflag:s7] =	ssyncadd.s32 $0xFFFFC800  }
0xe1: {  	[hbm4b:s26+s3] =	stream.linear.scatter [tilespmem:s6], [sflag:$0x2], $0x3800, $0x38;
	[tilespmem:$0x4000] =	vst v63  }
0xe2: {  	_ =	swait.ge [sflag:s4], $0x3800  }
0xe3: {  	[sflag:s4] =	ssyncset.done $0x0  }
0xe4: {  	[sflag:s4] =	ssyncadd.s32 $0xFFFFC800  }
0xe5: {  	[tilespmem:s6], [sflag:$0x1] =	stream.indirect.gather [hbm4b:s2+s5], $0x80, s28, s5, $0xb8;
	[tilespmem:$0x4000] =	vst v63  }
0xe6: {  	_ =	swait.ge [sflag:s7], $0x3800  }
0xe7: {  	[sflag:s7] =	ssyncset.done $0x0  }
0xe8: {  	[sflag:s7] =	ssyncadd.s32 $0xFFFFC800  }
0xe9: {  	[hbm4b:s29+s3] =	stream.linear.scatter [tilespmem:s6], [sflag:$0x2], $0x3800, $0x38;
	[tilespmem:$0x4000] =	vst v63  }
0xea: {  	_ =	swait.ge [sflag:s4], $0x3800  }
0xeb: {  	[sflag:s4] =	ssyncset.done $0x0  }
0xec: {  	p0 =	sne.s32 s1, $0x1;
	[sflag:s4] =	ssyncadd.s32 $0xFFFFC800  }
0xed: {  	[tilespmem:s6], [sflag:$0x1] =	stream.indirect.gather [hbm4b:s2+s5], $0x80, s30, s5, $0xb8;
	[tilespmem:$0x4000] =	vst v63  }
.Ltmp1:
0xee: {  	_ =	swait.ge [sflag:s7], $0x3800;
	(pc) =	sbr.rel @p0 .LBB2_1-.Ltmp1, $4  }
0xef: {  	[sflag:s7] =	ssyncset.done $0x0  }
0xf0: {  	[sflag:s7] =	ssyncadd.s32 $0xFFFFC800  }
0xf1: {  	[hbm4b:s31+s3] =	stream.linear.scatter [tilespmem:s6], [sflag:$0x2], $0x3800, $0x38;
	[tilespmem:$0x4000] =	vst v63  }
0xf2: {  	s1 =	sadd.s32 $0xFFFFFFFF, s1;
	_ =	swait.ge [sflag:s4], $0x3800  }
.LBB2_2:
0xf3: {  	[sflag:s4] =	ssyncset.done $0x0  }
0xf4: {  	[sflag:s4] =	ssyncadd.s32 $0xFFFFC800  }
0xf5: {  	_ =	sfence.sel $0x180000  }
0xf6: {  	[bflag:$0x0] =	sbarrier.arrive $0xFFFF  }
0xf7: {  	_ =	strace $0x90000047  }
0xf8: {  	s0 =	stileid.u32;
	[bflag:$0x2] =	sbarrier.arrive $0xFFFF  }
0xf9: {  	p0 =	sne.s32 s0, $0x0;
	s0 =	rddreg [dreg:$0x2]  }
0xfa: {  	s0 =	sadd.s32 @!p0 $0x100000, s0  }
0xfb: {  	[sflag:s0] =	ssyncadd.tile.s32 @!p0 $0x1;
	_ =	shalt  }
.Lfunc_end2:
_tile_overlayer_lowered:
.L_overlay_start_2:
0xfc: {  	(tag) =	ssettag $0x2  }
0xfd: {  	s0 =	rddreg [dreg:$0x0];
	s2 =	stileid.u32  }
0xfe: {  	s1 =	rddreg [dreg:$0x1];
	p0 =	sne.s32 s2, $0x0  }
0xff: {  	s3 =	rddreg [dreg:$0x2];
	[bflag:$0x3] =	sbarrier.arrive $0xFFFF;
	s2 =	simm.s32 @!p0 $0x1C02  }
0x100: {  	[timem:s3], [sflag:s2] =	dma.local @!p0 [hbm:s0], s1  }
0x101: {  	s0 =	simm.s32 @!p0 $0x2  }
0x102: {  	_ =	swait.ge @!p0 [sflag:s0], s1  }
0x103: {  	s1 =	ssub.s32 @!p0 $0x0, s1;
	[sflag:s0] =	ssyncset.done @!p0 $0x0  }
0x104: {  	[sflag:s0] =	ssyncadd.s32 @!p0 s1  }
0x105: {  	[bflag:$0x3] =	sbarrier.arrive $0xFFFF  }
0x106: {  	_ =	shalt  }

</sc_bundles>
